<compile_context>
chip_gen: v7x
topology: tpu7x:2x2x1
jax: 0.10.2.dev20260603
libtpu: 0.0.44.dev20260713+nightly
codegen_flags: <defaults>
</compile_context>

<pallas_src>
import functools

import jax
import jax.numpy as jnp
from jax import lax
from jax.experimental import pallas as pl
from jax.experimental.pallas import tpu as pltpu
from jax.experimental.pallas import tpu_sc as plsc

EMBED = 128
LANES = 16
CHUNK = 64

_DNUMS = lax.GatherDimensionNumbers(
    offset_dims=(), collapsed_slice_dims=(0,), start_index_map=(0,))


def _shuffle(x, idx):
    return lax.gather(x, idx.reshape(LANES, 1), _DNUMS, slice_sizes=(1,),
                      mode=lax.GatherScatterMode.PROMISE_IN_BOUNDS)


def _lane_sum(x, lane):
    for k in (8, 4, 2, 1):
        x = x + _shuffle(x, jnp.bitwise_xor(lane, k))
    return x


def _rsqrt_vec(v):
    i = lax.bitcast_convert_type(v, jnp.int32)
    i = jnp.int32(0x5F3759DF) - lax.shift_right_logical(i, 1)
    y = lax.bitcast_convert_type(i, jnp.float32)
    hv = 0.5 * v
    for _ in range(2):
        y = y * (1.5 - hv * y * y)
    return y


@functools.lru_cache(maxsize=None)
def _build(n_batch, seq_len):
    info = plsc.get_sparse_core_info()
    nc, ns = info.num_cores, info.num_subcores
    nw = nc * ns
    n_tok = n_batch * seq_len
    tok_w = n_tok // nw
    n_chunks = tok_w // CHUNK
    n_groups = tok_w // LANES
    nj = EMBED // LANES
    assert tok_w * nw == n_tok and n_chunks * CHUNK == tok_w
    assert seq_len % tok_w == 0

    mesh = plsc.VectorSubcoreMesh(core_axis_name="c", subcore_axis_name="s")

    @functools.partial(
        pl.kernel,
        mesh=mesh,
        compiler_params=pltpu.CompilerParams(needs_layout_passes=False),
        out_type=jax.ShapeDtypeStruct((n_batch, seq_len, EMBED),
                                      jnp.float32),
        scratch_types=[
            pltpu.VMEM((n_chunks, CHUNK), jnp.int32),
            pltpu.VMEM((tok_w,), jnp.int32),
            pltpu.VMEM((tok_w, EMBED), jnp.float32),
            pltpu.VMEM((tok_w, EMBED), jnp.float32),
            pltpu.VMEM((2, EMBED), jnp.float32),
            pltpu.VMEM((EMBED,), jnp.float32),
            pltpu.VMEM((EMBED,), jnp.float32),
            pltpu.SemaphoreType.DMA,
            pltpu.SemaphoreType.DMA,
            pltpu.SemaphoreType.DMA,
        ],
    )
    def emb_kernel(ids_hbm, tt_hbm, word_hbm, type_hbm, pos_hbm, g_hbm,
                   b_hbm, out_hbm, idx_v, tt_v, w_v, p_v, ttab_v, g_v, b_v,
                   sem_a, sem_b, sem2):
        sems = [sem_a, sem_b]
        wid = lax.axis_index("s") * nc + lax.axis_index("c")
        base = wid * tok_w
        bi = lax.div(base, seq_len)
        col = lax.rem(base, seq_len)
        small_copies = [
            pltpu.async_copy(tt_hbm.at[bi, pl.ds(col, tok_w)], tt_v, sem2),
            pltpu.async_copy(type_hbm, ttab_v, sem2),
            pltpu.async_copy(g_hbm, g_v, sem2),
            pltpu.async_copy(b_hbm, b_v, sem2),
        ]
        id_copies = [
            pltpu.async_copy(ids_hbm.at[bi, pl.ds(col + c * CHUNK, CHUNK)],
                             idx_v.at[c], sem2)
            for c in range(n_chunks)]
        for cp in id_copies:
            cp.wait()
        waves = []
        for c in range(n_chunks):
            sl = pl.ds(c * CHUNK, CHUNK)
            s = sems[c % 2]
            wave = [pltpu.async_copy(word_hbm.at[idx_v.at[c]], w_v.at[sl],
                                     s),
                    pltpu.async_copy(pos_hbm.at[pl.ds(col + c * CHUNK,
                                                      CHUNK)],
                                     p_v.at[sl], s)]
            if c == 0:
                wave.extend(small_copies)
            waves.append(wave)

        lane = lax.iota(jnp.int32, LANES)
        inv_n = 1.0 / EMBED
        for cp in waves[0]:
            cp.wait()
        t0j = [ttab_v[0, pl.ds(j * LANES, LANES)] for j in range(nj)]
        t1j = [ttab_v[1, pl.ds(j * LANES, LANES)] for j in range(nj)]
        gj = [g_v[pl.ds(j * LANES, LANES)] for j in range(nj)]
        bj = [b_v[pl.ds(j * LANES, LANES)] for j in range(nj)]
        half = jnp.full((LANES,), 0.5, jnp.float32)

        def token(tok):
            tbase = jnp.bitwise_and(tok, -LANES)
            tt16f = tt_v[pl.ds(tbase, LANES)].astype(jnp.float32)
            f = _shuffle(tt16f,
                         lax.broadcast(jnp.bitwise_and(tok, LANES - 1),
                                       (LANES,)))
            m = f > half
            xs = []
            for j in range(nj):
                x = (w_v[tok, pl.ds(j * LANES, LANES)]
                     + p_v[tok, pl.ds(j * LANES, LANES)]
                     + jnp.where(m, t1j[j], t0j[j]))
                xs.append(x)
            u = xs[0]
            u2 = xs[0] * xs[0]
            for j in range(1, nj):
                u = u + xs[j]
                u2 = u2 + xs[j] * xs[j]
            ssum = _lane_sum(u, lane)
            ssq = _lane_sum(u2, lane)
            mean = ssum * inv_n
            var = jnp.maximum(ssq * inv_n - mean * mean, 0.0)
            r = _rsqrt_vec(var + 1e-12)
            mr = mean * r
            for j in range(nj):
                w_v[tok, pl.ds(j * LANES, LANES)] = (
                    (xs[j] * r - mr) * gj[j] + bj[j])

        out_copies = []
        for c in range(n_chunks):
            if c > 0:
                for cp in waves[c]:
                    cp.wait()
            plsc.parallel_loop(c * CHUNK, (c + 1) * CHUNK, unroll=4)(token)
            sl = pl.ds(c * CHUNK, CHUNK)
            out_copies.append(pltpu.async_copy(
                w_v.at[sl], out_hbm.at[bi, pl.ds(col + c * CHUNK, CHUNK)],
                sem2))
        for cp in out_copies:
            cp.wait()

    return emb_kernel


def kernel(input_ids, token_type_ids, word_table, type_table, pos_table,
           ln_gamma, ln_beta):
    b, s = input_ids.shape
    fn = _build(b, s)
    return fn(input_ids.astype(jnp.int32), token_type_ids.astype(jnp.int32),
              word_table.astype(jnp.float32), type_table.astype(jnp.float32),
              pos_table.astype(jnp.float32), ln_gamma.astype(jnp.float32),
              ln_beta.astype(jnp.float32))

# --- scband reference (transcript-rebuilt; emitter-appended) ---
"""Pipeline reference for scband-embedding-88450556494651 (READ-ONLY COPY).

The authoritative reference and input builder live on the scoring server;
editing this copy changes nothing except your own understanding.
"""

import jax, jax.numpy as jnp
import numpy as np

VOCAB = 100000
EMBED = 128
TYPE_VOCAB = 2
MAX_POS = 2048
B, S = 4, 2048


def setup_inputs(seed: int = 0) -> dict:
    key = jax.random.key(seed)
    k1, k2, k3, k4, k5 = jax.random.split(key, 5)
    input_ids = jax.random.randint(k1, (B, S), 0, VOCAB, dtype=jnp.int64 if jax.config.read('jax_enable_x64') else jnp.int32)
    token_type_ids = jax.random.randint(k2, (B, S), 0, TYPE_VOCAB, dtype=input_ids.dtype)
    word_table = jax.random.normal(k3, (VOCAB, EMBED), dtype=jnp.float32) * 0.02
    type_table = jax.random.normal(k4, (TYPE_VOCAB, EMBED), dtype=jnp.float32) * 0.02
    pos_table = jax.random.normal(k5, (MAX_POS, EMBED), dtype=jnp.float32) * 0.02
    ln_gamma = jnp.ones((EMBED,), dtype=jnp.float32)
    ln_beta = jnp.zeros((EMBED,), dtype=jnp.float32)
    return {
        'input_ids': input_ids,
        'token_type_ids': token_type_ids,
        'word_table': word_table,
        'type_table': type_table,
        'pos_table': pos_table,
        'ln_gamma': ln_gamma,
        'ln_beta': ln_beta,
    }


def reference(input_ids, token_type_ids, word_table, type_table, pos_table, ln_gamma, ln_beta):
    b, s = input_ids.shape
    flat_ids = input_ids.reshape(-1)
    word_emb = jnp.take(word_table, flat_ids, axis=0).reshape(b, s, EMBED)
    flat_types = token_type_ids.reshape(-1)
    one_hot = jax.nn.one_hot(flat_types, TYPE_VOCAB, dtype=type_table.dtype)
    type_emb = jnp.matmul(one_hot, type_table).reshape(b, s, EMBED)
    pos_emb = pos_table[:s][None, :, :]
    x = word_emb + type_emb + pos_emb
    mean = jnp.mean(x, axis=-1, keepdims=True)
    var = jnp.mean(jnp.square(x - mean), axis=-1, keepdims=True)
    x = (x - mean) / jnp.sqrt(var + 1e-12)
    x = x * ln_gamma + ln_beta
    return x

if __name__ == "__main__":
    import jax
    _d = setup_inputs()
    print(jax.jit(kernel)(*tuple(_d.values())))

</pallas_src>

<mosaic_0001>
#map = affine_map<(d0, d1) -> (0, 0)>
#map1 = affine_map<(d0, d1) -> (0)>
#map2 = affine_map<(d0, d1) -> (0, 0, 0)>
module attributes {stable_mosaic.version = 14 : i64} {
  func.func @emb_kernel(%arg0: i32, %arg1: i32, %arg2: memref<4x2048xi32, #tpu.memory_space<hbm>>, %arg3: memref<4x2048xi32, #tpu.memory_space<hbm>>, %arg4: memref<100000x128xf32, #tpu.memory_space<hbm>>, %arg5: memref<2x128xf32, #tpu.memory_space<hbm>>, %arg6: memref<2048x128xf32, #tpu.memory_space<hbm>>, %arg7: memref<128xf32, #tpu.memory_space<hbm>>, %arg8: memref<128xf32, #tpu.memory_space<hbm>>, %arg9: memref<4x2048x128xf32, #tpu.memory_space<hbm>>, %arg10: memref<4x64xi32, #tpu.memory_space<vmem>>, %arg11: memref<256xi32, #tpu.memory_space<vmem>>, %arg12: memref<256x128xf32, #tpu.memory_space<vmem>>, %arg13: memref<256x128xf32, #tpu.memory_space<vmem>>, %arg14: memref<2x128xf32, #tpu.memory_space<vmem>>, %arg15: memref<128xf32, #tpu.memory_space<vmem>>, %arg16: memref<128xf32, #tpu.memory_space<vmem>>, %arg17: memref<!tpu.dma_semaphore, #tpu.memory_space<semaphore_mem>>, %arg18: memref<!tpu.dma_semaphore, #tpu.memory_space<semaphore_mem>>, %arg19: memref<!tpu.dma_semaphore, #tpu.memory_space<semaphore_mem>>) attributes {dimension_semantics = [#tpu.dimension_semantics<core_parallel>, #tpu.dimension_semantics<subcore_parallel>], iteration_bounds = array<i64: 2, 16>, scalar_prefetch = 0 : i64, scratch_operands = 10 : i64, tpu.core_type = #tpu.core_type<sc_vector_subcore>, window_params = [{transform_indices = #map}, {transform_indices = #map}, {transform_indices = #map}, {transform_indices = #map}, {transform_indices = #map}, {transform_indices = #map1}, {transform_indices = #map1}, {transform_indices = #map2}]} {
    %mul3A = arith.constant 2 : i32
    %mul3A_0 = arith.muli %arg1, %mul3A : i32
    %add3A = arith.addi %mul3A_0, %arg0 : i32
    %mul3A_1 = arith.constant 256 : i32
    %mul3A_2 = arith.muli %add3A, %mul3A_1 : i32
    %div3A = arith.constant 2048 : i32
    %div3A_3 = arith.divsi %mul3A_2, %div3A : i32
    %rem3A = arith.constant 2048 : i32
    %rem3A_4 = arith.remsi %mul3A_2, %rem3A : i32
    %dma_start3A = tpu.memref_slice %arg3[%div3A_3, %rem3A_4] : memref<4x2048xi32, #tpu.memory_space<hbm>> -> memref<1x256xi32, #tpu.memory_space<hbm>>
    %dma_start3A_5 = tpu.memref_squeeze %dma_start3A : memref<1x256xi32, #tpu.memory_space<hbm>> -> memref<256xi32, #tpu.memory_space<hbm>>
    %dma_start3A_6 = tpu.memref_slice %arg3[%div3A_3, %rem3A_4] : memref<4x2048xi32, #tpu.memory_space<hbm>> -> memref<1x256xi32, #tpu.memory_space<hbm>>
    %dma_start3A_7 = tpu.memref_squeeze %dma_start3A_6 : memref<1x256xi32, #tpu.memory_space<hbm>> -> memref<256xi32, #tpu.memory_space<hbm>>
    tpu.enqueue_dma source(%dma_start3A_7 : memref<256xi32, #tpu.memory_space<hbm>>) target(%arg11 : memref<256xi32, #tpu.memory_space<vmem>>) target_semaphore(%arg19 : memref<!tpu.dma_semaphore, #tpu.memory_space<semaphore_mem>>)
    tpu.enqueue_dma source(%arg5 : memref<2x128xf32, #tpu.memory_space<hbm>>) target(%arg14 : memref<2x128xf32, #tpu.memory_space<vmem>>) target_semaphore(%arg19 : memref<!tpu.dma_semaphore, #tpu.memory_space<semaphore_mem>>)
    tpu.enqueue_dma source(%arg7 : memref<128xf32, #tpu.memory_space<hbm>>) target(%arg15 : memref<128xf32, #tpu.memory_space<vmem>>) target_semaphore(%arg19 : memref<!tpu.dma_semaphore, #tpu.memory_space<semaphore_mem>>)
    tpu.enqueue_dma source(%arg8 : memref<128xf32, #tpu.memory_space<hbm>>) target(%arg16 : memref<128xf32, #tpu.memory_space<vmem>>) target_semaphore(%arg19 : memref<!tpu.dma_semaphore, #tpu.memory_space<semaphore_mem>>)
    %add3A_8 = arith.constant 0 : i32
    %add3A_9 = arith.addi %rem3A_4, %add3A_8 : i32
    %dma_start3A_10 = arith.constant 0 : i32
    %dma_start3A_11 = arith.constant 0 : i32
    %dma_start3A_12 = tpu.memref_slice %arg10[%dma_start3A_10, %dma_start3A_11] : memref<4x64xi32, #tpu.memory_space<vmem>> -> memref<1x64xi32, #tpu.memory_space<vmem>>
    %dma_start3A_13 = tpu.memref_squeeze %dma_start3A_12 : memref<1x64xi32, #tpu.memory_space<vmem>> -> memref<64xi32, #tpu.memory_space<vmem>>
    %dma_start3A_14 = tpu.memref_slice %arg2[%div3A_3, %add3A_9] : memref<4x2048xi32, #tpu.memory_space<hbm>> -> memref<1x64xi32, #tpu.memory_space<hbm>>
    %dma_start3A_15 = tpu.memref_squeeze %dma_start3A_14 : memref<1x64xi32, #tpu.memory_space<hbm>> -> memref<64xi32, #tpu.memory_space<hbm>>
    %dma_start3A_16 = arith.constant 0 : i32
    %dma_start3A_17 = tpu.memref_slice %arg10[%dma_start3A_10, %dma_start3A_16] : memref<4x64xi32, #tpu.memory_space<vmem>> -> memref<1x64xi32, #tpu.memory_space<vmem>>
    %dma_start3A_18 = tpu.memref_squeeze %dma_start3A_17 : memref<1x64xi32, #tpu.memory_space<vmem>> -> memref<64xi32, #tpu.memory_space<vmem>>
    %dma_start3A_19 = tpu.memref_slice %arg2[%div3A_3, %add3A_9] : memref<4x2048xi32, #tpu.memory_space<hbm>> -> memref<1x64xi32, #tpu.memory_space<hbm>>
    %dma_start3A_20 = tpu.memref_squeeze %dma_start3A_19 : memref<1x64xi32, #tpu.memory_space<hbm>> -> memref<64xi32, #tpu.memory_space<hbm>>
    tpu.enqueue_dma source(%dma_start3A_20 : memref<64xi32, #tpu.memory_space<hbm>>) target(%dma_start3A_18 : memref<64xi32, #tpu.memory_space<vmem>>) target_semaphore(%arg19 : memref<!tpu.dma_semaphore, #tpu.memory_space<semaphore_mem>>)
    %add3A_21 = arith.constant 64 : i32
    %add3A_22 = arith.addi %rem3A_4, %add3A_21 : i32
    %dma_start3A_23 = arith.constant 1 : i32
    %dma_start3A_24 = arith.constant 0 : i32
    %dma_start3A_25 = tpu.memref_slice %arg10[%dma_start3A_23, %dma_start3A_24] : memref<4x64xi32, #tpu.memory_space<vmem>> -> memref<1x64xi32, #tpu.memory_space<vmem>>
    %dma_start3A_26 = tpu.memref_squeeze %dma_start3A_25 : memref<1x64xi32, #tpu.memory_space<vmem>> -> memref<64xi32, #tpu.memory_space<vmem>>
    %dma_start3A_27 = tpu.memref_slice %arg2[%div3A_3, %add3A_22] : memref<4x2048xi32, #tpu.memory_space<hbm>> -> memref<1x64xi32, #tpu.memory_space<hbm>>
    %dma_start3A_28 = tpu.memref_squeeze %dma_start3A_27 : memref<1x64xi32, #tpu.memory_space<hbm>> -> memref<64xi32, #tpu.memory_space<hbm>>
    %dma_start3A_29 = arith.constant 0 : i32
    %dma_start3A_30 = tpu.memref_slice %arg10[%dma_start3A_23, %dma_start3A_29] : memref<4x64xi32, #tpu.memory_space<vmem>> -> memref<1x64xi32, #tpu.memory_space<vmem>>
    %dma_start3A_31 = tpu.memref_squeeze %dma_start3A_30 : memref<1x64xi32, #tpu.memory_space<vmem>> -> memref<64xi32, #tpu.memory_space<vmem>>
    %dma_start3A_32 = tpu.memref_slice %arg2[%div3A_3, %add3A_22] : memref<4x2048xi32, #tpu.memory_space<hbm>> -> memref<1x64xi32, #tpu.memory_space<hbm>>
    %dma_start3A_33 = tpu.memref_squeeze %dma_start3A_32 : memref<1x64xi32, #tpu.memory_space<hbm>> -> memref<64xi32, #tpu.memory_space<hbm>>
    tpu.enqueue_dma source(%dma_start3A_33 : memref<64xi32, #tpu.memory_space<hbm>>) target(%dma_start3A_31 : memref<64xi32, #tpu.memory_space<vmem>>) target_semaphore(%arg19 : memref<!tpu.dma_semaphore, #tpu.memory_space<semaphore_mem>>)
    %add3A_34 = arith.constant 128 : i32
    %add3A_35 = arith.addi %rem3A_4, %add3A_34 : i32
    %dma_start3A_36 = arith.constant 2 : i32
    %dma_start3A_37 = arith.constant 0 : i32
    %dma_start3A_38 = tpu.memref_slice %arg10[%dma_start3A_36, %dma_start3A_37] : memref<4x64xi32, #tpu.memory_space<vmem>> -> memref<1x64xi32, #tpu.memory_space<vmem>>
    %dma_start3A_39 = tpu.memref_squeeze %dma_start3A_38 : memref<1x64xi32, #tpu.memory_space<vmem>> -> memref<64xi32, #tpu.memory_space<vmem>>
    %dma_start3A_40 = tpu.memref_slice %arg2[%div3A_3, %add3A_35] : memref<4x2048xi32, #tpu.memory_space<hbm>> -> memref<1x64xi32, #tpu.memory_space<hbm>>
    %dma_start3A_41 = tpu.memref_squeeze %dma_start3A_40 : memref<1x64xi32, #tpu.memory_space<hbm>> -> memref<64xi32, #tpu.memory_space<hbm>>
    %dma_start3A_42 = arith.constant 0 : i32
    %dma_start3A_43 = tpu.memref_slice %arg10[%dma_start3A_36, %dma_start3A_42] : memref<4x64xi32, #tpu.memory_space<vmem>> -> memref<1x64xi32, #tpu.memory_space<vmem>>
    %dma_start3A_44 = tpu.memref_squeeze %dma_start3A_43 : memref<1x64xi32, #tpu.memory_space<vmem>> -> memref<64xi32, #tpu.memory_space<vmem>>
    %dma_start3A_45 = tpu.memref_slice %arg2[%div3A_3, %add3A_35] : memref<4x2048xi32, #tpu.memory_space<hbm>> -> memref<1x64xi32, #tpu.memory_space<hbm>>
    %dma_start3A_46 = tpu.memref_squeeze %dma_start3A_45 : memref<1x64xi32, #tpu.memory_space<hbm>> -> memref<64xi32, #tpu.memory_space<hbm>>
    tpu.enqueue_dma source(%dma_start3A_46 : memref<64xi32, #tpu.memory_space<hbm>>) target(%dma_start3A_44 : memref<64xi32, #tpu.memory_space<vmem>>) target_semaphore(%arg19 : memref<!tpu.dma_semaphore, #tpu.memory_space<semaphore_mem>>)
    %add3A_47 = arith.constant 192 : i32
    %add3A_48 = arith.addi %rem3A_4, %add3A_47 : i32
    %dma_start3A_49 = arith.constant 3 : i32
    %dma_start3A_50 = arith.constant 0 : i32
    %dma_start3A_51 = tpu.memref_slice %arg10[%dma_start3A_49, %dma_start3A_50] : memref<4x64xi32, #tpu.memory_space<vmem>> -> memref<1x64xi32, #tpu.memory_space<vmem>>
    %dma_start3A_52 = tpu.memref_squeeze %dma_start3A_51 : memref<1x64xi32, #tpu.memory_space<vmem>> -> memref<64xi32, #tpu.memory_space<vmem>>
    %dma_start3A_53 = tpu.memref_slice %arg2[%div3A_3, %add3A_48] : memref<4x2048xi32, #tpu.memory_space<hbm>> -> memref<1x64xi32, #tpu.memory_space<hbm>>
    %dma_start3A_54 = tpu.memref_squeeze %dma_start3A_53 : memref<1x64xi32, #tpu.memory_space<hbm>> -> memref<64xi32, #tpu.memory_space<hbm>>
    %dma_start3A_55 = arith.constant 0 : i32
    %dma_start3A_56 = tpu.memref_slice %arg10[%dma_start3A_49, %dma_start3A_55] : memref<4x64xi32, #tpu.memory_space<vmem>> -> memref<1x64xi32, #tpu.memory_space<vmem>>
    %dma_start3A_57 = tpu.memref_squeeze %dma_start3A_56 : memref<1x64xi32, #tpu.memory_space<vmem>> -> memref<64xi32, #tpu.memory_space<vmem>>
    %dma_start3A_58 = tpu.memref_slice %arg2[%div3A_3, %add3A_48] : memref<4x2048xi32, #tpu.memory_space<hbm>> -> memref<1x64xi32, #tpu.memory_space<hbm>>
    %dma_start3A_59 = tpu.memref_squeeze %dma_start3A_58 : memref<1x64xi32, #tpu.memory_space<hbm>> -> memref<64xi32, #tpu.memory_space<hbm>>
    tpu.enqueue_dma source(%dma_start3A_59 : memref<64xi32, #tpu.memory_space<hbm>>) target(%dma_start3A_57 : memref<64xi32, #tpu.memory_space<vmem>>) target_semaphore(%arg19 : memref<!tpu.dma_semaphore, #tpu.memory_space<semaphore_mem>>)
    %dma_wait3A = arith.constant 0 : i32
    %dma_wait3A_60 = arith.constant 0 : i32
    %dma_wait3A_61 = tpu.memref_slice %arg10[%dma_wait3A, %dma_wait3A_60] : memref<4x64xi32, #tpu.memory_space<vmem>> -> memref<1x64xi32, #tpu.memory_space<vmem>>
    %dma_wait3A_62 = tpu.memref_squeeze %dma_wait3A_61 : memref<1x64xi32, #tpu.memory_space<vmem>> -> memref<64xi32, #tpu.memory_space<vmem>>
    %dma_wait3A_63 = tpu.memref_slice %arg2[%div3A_3, %add3A_9] : memref<4x2048xi32, #tpu.memory_space<hbm>> -> memref<1x64xi32, #tpu.memory_space<hbm>>
    %dma_wait3A_64 = tpu.memref_squeeze %dma_wait3A_63 : memref<1x64xi32, #tpu.memory_space<hbm>> -> memref<64xi32, #tpu.memory_space<hbm>>
    %dma_wait3A_65 = arith.constant 0 : i32
    %dma_wait3A_66 = tpu.memref_slice %arg10[%dma_wait3A, %dma_wait3A_65] : memref<4x64xi32, #tpu.memory_space<vmem>> -> memref<1x64xi32, #tpu.memory_space<vmem>>
    %dma_wait3A_67 = tpu.memref_squeeze %dma_wait3A_66 : memref<1x64xi32, #tpu.memory_space<vmem>> -> memref<64xi32, #tpu.memory_space<vmem>>
    %dma_wait3A_68 = tpu.memref_slice %arg2[%div3A_3, %add3A_9] : memref<4x2048xi32, #tpu.memory_space<hbm>> -> memref<1x64xi32, #tpu.memory_space<hbm>>
    %dma_wait3A_69 = tpu.memref_squeeze %dma_wait3A_68 : memref<1x64xi32, #tpu.memory_space<hbm>> -> memref<64xi32, #tpu.memory_space<hbm>>
    tpu.wait_dma2 semaphore(%arg19 : memref<!tpu.dma_semaphore, #tpu.memory_space<semaphore_mem>>) src(%dma_wait3A_69 : memref<64xi32, #tpu.memory_space<hbm>>) dst(%dma_wait3A_67 : memref<64xi32, #tpu.memory_space<vmem>>)
    %dma_wait3A_70 = arith.constant 1 : i32
    %dma_wait3A_71 = arith.constant 0 : i32
    %dma_wait3A_72 = tpu.memref_slice %arg10[%dma_wait3A_70, %dma_wait3A_71] : memref<4x64xi32, #tpu.memory_space<vmem>> -> memref<1x64xi32, #tpu.memory_space<vmem>>
    %dma_wait3A_73 = tpu.memref_squeeze %dma_wait3A_72 : memref<1x64xi32, #tpu.memory_space<vmem>> -> memref<64xi32, #tpu.memory_space<vmem>>
    %dma_wait3A_74 = tpu.memref_slice %arg2[%div3A_3, %add3A_22] : memref<4x2048xi32, #tpu.memory_space<hbm>> -> memref<1x64xi32, #tpu.memory_space<hbm>>
    %dma_wait3A_75 = tpu.memref_squeeze %dma_wait3A_74 : memref<1x64xi32, #tpu.memory_space<hbm>> -> memref<64xi32, #tpu.memory_space<hbm>>
    %dma_wait3A_76 = arith.constant 0 : i32
    %dma_wait3A_77 = tpu.memref_slice %arg10[%dma_wait3A_70, %dma_wait3A_76] : memref<4x64xi32, #tpu.memory_space<vmem>> -> memref<1x64xi32, #tpu.memory_space<vmem>>
    %dma_wait3A_78 = tpu.memref_squeeze %dma_wait3A_77 : memref<1x64xi32, #tpu.memory_space<vmem>> -> memref<64xi32, #tpu.memory_space<vmem>>
    %dma_wait3A_79 = tpu.memref_slice %arg2[%div3A_3, %add3A_22] : memref<4x2048xi32, #tpu.memory_space<hbm>> -> memref<1x64xi32, #tpu.memory_space<hbm>>
    %dma_wait3A_80 = tpu.memref_squeeze %dma_wait3A_79 : memref<1x64xi32, #tpu.memory_space<hbm>> -> memref<64xi32, #tpu.memory_space<hbm>>
    tpu.wait_dma2 semaphore(%arg19 : memref<!tpu.dma_semaphore, #tpu.memory_space<semaphore_mem>>) src(%dma_wait3A_80 : memref<64xi32, #tpu.memory_space<hbm>>) dst(%dma_wait3A_78 : memref<64xi32, #tpu.memory_space<vmem>>)
    %dma_wait3A_81 = arith.constant 2 : i32
    %dma_wait3A_82 = arith.constant 0 : i32
    %dma_wait3A_83 = tpu.memref_slice %arg10[%dma_wait3A_81, %dma_wait3A_82] : memref<4x64xi32, #tpu.memory_space<vmem>> -> memref<1x64xi32, #tpu.memory_space<vmem>>
    %dma_wait3A_84 = tpu.memref_squeeze %dma_wait3A_83 : memref<1x64xi32, #tpu.memory_space<vmem>> -> memref<64xi32, #tpu.memory_space<vmem>>
    %dma_wait3A_85 = tpu.memref_slice %arg2[%div3A_3, %add3A_35] : memref<4x2048xi32, #tpu.memory_space<hbm>> -> memref<1x64xi32, #tpu.memory_space<hbm>>
    %dma_wait3A_86 = tpu.memref_squeeze %dma_wait3A_85 : memref<1x64xi32, #tpu.memory_space<hbm>> -> memref<64xi32, #tpu.memory_space<hbm>>
    %dma_wait3A_87 = arith.constant 0 : i32
    %dma_wait3A_88 = tpu.memref_slice %arg10[%dma_wait3A_81, %dma_wait3A_87] : memref<4x64xi32, #tpu.memory_space<vmem>> -> memref<1x64xi32, #tpu.memory_space<vmem>>
    %dma_wait3A_89 = tpu.memref_squeeze %dma_wait3A_88 : memref<1x64xi32, #tpu.memory_space<vmem>> -> memref<64xi32, #tpu.memory_space<vmem>>
    %dma_wait3A_90 = tpu.memref_slice %arg2[%div3A_3, %add3A_35] : memref<4x2048xi32, #tpu.memory_space<hbm>> -> memref<1x64xi32, #tpu.memory_space<hbm>>
    %dma_wait3A_91 = tpu.memref_squeeze %dma_wait3A_90 : memref<1x64xi32, #tpu.memory_space<hbm>> -> memref<64xi32, #tpu.memory_space<hbm>>
    tpu.wait_dma2 semaphore(%arg19 : memref<!tpu.dma_semaphore, #tpu.memory_space<semaphore_mem>>) src(%dma_wait3A_91 : memref<64xi32, #tpu.memory_space<hbm>>) dst(%dma_wait3A_89 : memref<64xi32, #tpu.memory_space<vmem>>)
    %dma_wait3A_92 = arith.constant 3 : i32
    %dma_wait3A_93 = arith.constant 0 : i32
    %dma_wait3A_94 = tpu.memref_slice %arg10[%dma_wait3A_92, %dma_wait3A_93] : memref<4x64xi32, #tpu.memory_space<vmem>> -> memref<1x64xi32, #tpu.memory_space<vmem>>
    %dma_wait3A_95 = tpu.memref_squeeze %dma_wait3A_94 : memref<1x64xi32, #tpu.memory_space<vmem>> -> memref<64xi32, #tpu.memory_space<vmem>>
    %dma_wait3A_96 = tpu.memref_slice %arg2[%div3A_3, %add3A_48] : memref<4x2048xi32, #tpu.memory_space<hbm>> -> memref<1x64xi32, #tpu.memory_space<hbm>>
    %dma_wait3A_97 = tpu.memref_squeeze %dma_wait3A_96 : memref<1x64xi32, #tpu.memory_space<hbm>> -> memref<64xi32, #tpu.memory_space<hbm>>
    %dma_wait3A_98 = arith.constant 0 : i32
    %dma_wait3A_99 = tpu.memref_slice %arg10[%dma_wait3A_92, %dma_wait3A_98] : memref<4x64xi32, #tpu.memory_space<vmem>> -> memref<1x64xi32, #tpu.memory_space<vmem>>
    %dma_wait3A_100 = tpu.memref_squeeze %dma_wait3A_99 : memref<1x64xi32, #tpu.memory_space<vmem>> -> memref<64xi32, #tpu.memory_space<vmem>>
    %dma_wait3A_101 = tpu.memref_slice %arg2[%div3A_3, %add3A_48] : memref<4x2048xi32, #tpu.memory_space<hbm>> -> memref<1x64xi32, #tpu.memory_space<hbm>>
    %dma_wait3A_102 = tpu.memref_squeeze %dma_wait3A_101 : memref<1x64xi32, #tpu.memory_space<hbm>> -> memref<64xi32, #tpu.memory_space<hbm>>
    tpu.wait_dma2 semaphore(%arg19 : memref<!tpu.dma_semaphore, #tpu.memory_space<semaphore_mem>>) src(%dma_wait3A_102 : memref<64xi32, #tpu.memory_space<hbm>>) dst(%dma_wait3A_100 : memref<64xi32, #tpu.memory_space<vmem>>)
    %dma_start3A_103 = arith.constant 0 : i32
    %dma_start3A_104 = arith.constant 0 : i32
    %dma_start3A_105 = arith.constant 0 : i32
    %dma_start3A_106 = tpu.memref_slice %arg12[%dma_start3A_104, %dma_start3A_105] : memref<256x128xf32, #tpu.memory_space<vmem>> -> memref<64x128xf32, #tpu.memory_space<vmem>>
    %dma_start3A_107 = arith.constant 0 : i32
    %dma_start3A_108 = tpu.memref_slice %arg10[%dma_start3A_103, %dma_start3A_107] : memref<4x64xi32, #tpu.memory_space<vmem>> -> memref<1x64xi32, #tpu.memory_space<vmem>>
    %dma_start3A_109 = tpu.memref_squeeze %dma_start3A_108 : memref<1x64xi32, #tpu.memory_space<vmem>> -> memref<64xi32, #tpu.memory_space<vmem>>
    %dma_start3A_110 = arith.constant 0 : i32
    %dma_start3A_111 = arith.constant 0 : i32
    %dma_start3A_112 = tpu.memref_slice %arg4[%dma_start3A_110, %dma_start3A_111] : memref<100000x128xf32, #tpu.memory_space<hbm>> -> memref<100000x128xf32, #tpu.memory_space<hbm>>
    tpu.enqueue_indirect_dma source(%dma_start3A_112 : memref<100000x128xf32, #tpu.memory_space<hbm>>) target(%dma_start3A_106 : memref<64x128xf32, #tpu.memory_space<vmem>>) offsets(%dma_start3A_109 : memref<64xi32, #tpu.memory_space<vmem>>) semaphore(%arg17 : memref<!tpu.dma_semaphore, #tpu.memory_space<semaphore_mem>>)
    %add3A_113 = arith.constant 0 : i32
    %add3A_114 = arith.addi %rem3A_4, %add3A_113 : i32
    %dma_start3A_115 = arith.constant 0 : i32
    %dma_start3A_116 = arith.constant 0 : i32
    %dma_start3A_117 = tpu.memref_slice %arg13[%dma_start3A_115, %dma_start3A_116] : memref<256x128xf32, #tpu.memory_space<vmem>> -> memref<64x128xf32, #tpu.memory_space<vmem>>
    %dma_start3A_118 = arith.constant 0 : i32
    %dma_start3A_119 = tpu.memref_slice %arg6[%add3A_114, %dma_start3A_118] : memref<2048x128xf32, #tpu.memory_space<hbm>> -> memref<64x128xf32, #tpu.memory_space<hbm>>
    %dma_start3A_120 = arith.constant 0 : i32
    %dma_start3A_121 = arith.constant 0 : i32
    %dma_start3A_122 = tpu.memref_slice %arg13[%dma_start3A_120, %dma_start3A_121] : memref<256x128xf32, #tpu.memory_space<vmem>> -> memref<64x128xf32, #tpu.memory_space<vmem>>
    %dma_start3A_123 = arith.constant 0 : i32
    %dma_start3A_124 = tpu.memref_slice %arg6[%add3A_114, %dma_start3A_123] : memref<2048x128xf32, #tpu.memory_space<hbm>> -> memref<64x128xf32, #tpu.memory_space<hbm>>
    tpu.enqueue_dma source(%dma_start3A_124 : memref<64x128xf32, #tpu.memory_space<hbm>>) target(%dma_start3A_122 : memref<64x128xf32, #tpu.memory_space<vmem>>) target_semaphore(%arg17 : memref<!tpu.dma_semaphore, #tpu.memory_space<semaphore_mem>>)
    %dma_start3A_125 = arith.constant 1 : i32
    %dma_start3A_126 = arith.constant 64 : i32
    %dma_start3A_127 = arith.constant 0 : i32
    %dma_start3A_128 = tpu.memref_slice %arg12[%dma_start3A_126, %dma_start3A_127] : memref<256x128xf32, #tpu.memory_space<vmem>> -> memref<64x128xf32, #tpu.memory_space<vmem>>
    %dma_start3A_129 = arith.constant 0 : i32
    %dma_start3A_130 = tpu.memref_slice %arg10[%dma_start3A_125, %dma_start3A_129] : memref<4x64xi32, #tpu.memory_space<vmem>> -> memref<1x64xi32, #tpu.memory_space<vmem>>
    %dma_start3A_131 = tpu.memref_squeeze %dma_start3A_130 : memref<1x64xi32, #tpu.memory_space<vmem>> -> memref<64xi32, #tpu.memory_space<vmem>>
    %dma_start3A_132 = arith.constant 0 : i32
    %dma_start3A_133 = arith.constant 0 : i32
    %dma_start3A_134 = tpu.memref_slice %arg4[%dma_start3A_132, %dma_start3A_133] : memref<100000x128xf32, #tpu.memory_space<hbm>> -> memref<100000x128xf32, #tpu.memory_space<hbm>>
    tpu.enqueue_indirect_dma source(%dma_start3A_134 : memref<100000x128xf32, #tpu.memory_space<hbm>>) target(%dma_start3A_128 : memref<64x128xf32, #tpu.memory_space<vmem>>) offsets(%dma_start3A_131 : memref<64xi32, #tpu.memory_space<vmem>>) semaphore(%arg18 : memref<!tpu.dma_semaphore, #tpu.memory_space<semaphore_mem>>)
    %add3A_135 = arith.constant 64 : i32
    %add3A_136 = arith.addi %rem3A_4, %add3A_135 : i32
    %dma_start3A_137 = arith.constant 64 : i32
    %dma_start3A_138 = arith.constant 0 : i32
    %dma_start3A_139 = tpu.memref_slice %arg13[%dma_start3A_137, %dma_start3A_138] : memref<256x128xf32, #tpu.memory_space<vmem>> -> memref<64x128xf32, #tpu.memory_space<vmem>>
    %dma_start3A_140 = arith.constant 0 : i32
    %dma_start3A_141 = tpu.memref_slice %arg6[%add3A_136, %dma_start3A_140] : memref<2048x128xf32, #tpu.memory_space<hbm>> -> memref<64x128xf32, #tpu.memory_space<hbm>>
    %dma_start3A_142 = arith.constant 64 : i32
    %dma_start3A_143 = arith.constant 0 : i32
    %dma_start3A_144 = tpu.memref_slice %arg13[%dma_start3A_142, %dma_start3A_143] : memref<256x128xf32, #tpu.memory_space<vmem>> -> memref<64x128xf32, #tpu.memory_space<vmem>>
    %dma_start3A_145 = arith.constant 0 : i32
    %dma_start3A_146 = tpu.memref_slice %arg6[%add3A_136, %dma_start3A_145] : memref<2048x128xf32, #tpu.memory_space<hbm>> -> memref<64x128xf32, #tpu.memory_space<hbm>>
    tpu.enqueue_dma source(%dma_start3A_146 : memref<64x128xf32, #tpu.memory_space<hbm>>) target(%dma_start3A_144 : memref<64x128xf32, #tpu.memory_space<vmem>>) target_semaphore(%arg18 : memref<!tpu.dma_semaphore, #tpu.memory_space<semaphore_mem>>)
    %dma_start3A_147 = arith.constant 2 : i32
    %dma_start3A_148 = arith.constant 128 : i32
    %dma_start3A_149 = arith.constant 0 : i32
    %dma_start3A_150 = tpu.memref_slice %arg12[%dma_start3A_148, %dma_start3A_149] : memref<256x128xf32, #tpu.memory_space<vmem>> -> memref<64x128xf32, #tpu.memory_space<vmem>>
    %dma_start3A_151 = arith.constant 0 : i32
    %dma_start3A_152 = tpu.memref_slice %arg10[%dma_start3A_147, %dma_start3A_151] : memref<4x64xi32, #tpu.memory_space<vmem>> -> memref<1x64xi32, #tpu.memory_space<vmem>>
    %dma_start3A_153 = tpu.memref_squeeze %dma_start3A_152 : memref<1x64xi32, #tpu.memory_space<vmem>> -> memref<64xi32, #tpu.memory_space<vmem>>
    %dma_start3A_154 = arith.constant 0 : i32
    %dma_start3A_155 = arith.constant 0 : i32
    %dma_start3A_156 = tpu.memref_slice %arg4[%dma_start3A_154, %dma_start3A_155] : memref<100000x128xf32, #tpu.memory_space<hbm>> -> memref<100000x128xf32, #tpu.memory_space<hbm>>
    tpu.enqueue_indirect_dma source(%dma_start3A_156 : memref<100000x128xf32, #tpu.memory_space<hbm>>) target(%dma_start3A_150 : memref<64x128xf32, #tpu.memory_space<vmem>>) offsets(%dma_start3A_153 : memref<64xi32, #tpu.memory_space<vmem>>) semaphore(%arg17 : memref<!tpu.dma_semaphore, #tpu.memory_space<semaphore_mem>>)
    %add3A_157 = arith.constant 128 : i32
    %add3A_158 = arith.addi %rem3A_4, %add3A_157 : i32
    %dma_start3A_159 = arith.constant 128 : i32
    %dma_start3A_160 = arith.constant 0 : i32
    %dma_start3A_161 = tpu.memref_slice %arg13[%dma_start3A_159, %dma_start3A_160] : memref<256x128xf32, #tpu.memory_space<vmem>> -> memref<64x128xf32, #tpu.memory_space<vmem>>
    %dma_start3A_162 = arith.constant 0 : i32
    %dma_start3A_163 = tpu.memref_slice %arg6[%add3A_158, %dma_start3A_162] : memref<2048x128xf32, #tpu.memory_space<hbm>> -> memref<64x128xf32, #tpu.memory_space<hbm>>
    %dma_start3A_164 = arith.constant 128 : i32
    %dma_start3A_165 = arith.constant 0 : i32
    %dma_start3A_166 = tpu.memref_slice %arg13[%dma_start3A_164, %dma_start3A_165] : memref<256x128xf32, #tpu.memory_space<vmem>> -> memref<64x128xf32, #tpu.memory_space<vmem>>
    %dma_start3A_167 = arith.constant 0 : i32
    %dma_start3A_168 = tpu.memref_slice %arg6[%add3A_158, %dma_start3A_167] : memref<2048x128xf32, #tpu.memory_space<hbm>> -> memref<64x128xf32, #tpu.memory_space<hbm>>
    tpu.enqueue_dma source(%dma_start3A_168 : memref<64x128xf32, #tpu.memory_space<hbm>>) target(%dma_start3A_166 : memref<64x128xf32, #tpu.memory_space<vmem>>) target_semaphore(%arg17 : memref<!tpu.dma_semaphore, #tpu.memory_space<semaphore_mem>>)
    %dma_start3A_169 = arith.constant 3 : i32
    %dma_start3A_170 = arith.constant 192 : i32
    %dma_start3A_171 = arith.constant 0 : i32
    %dma_start3A_172 = tpu.memref_slice %arg12[%dma_start3A_170, %dma_start3A_171] : memref<256x128xf32, #tpu.memory_space<vmem>> -> memref<64x128xf32, #tpu.memory_space<vmem>>
    %dma_start3A_173 = arith.constant 0 : i32
    %dma_start3A_174 = tpu.memref_slice %arg10[%dma_start3A_169, %dma_start3A_173] : memref<4x64xi32, #tpu.memory_space<vmem>> -> memref<1x64xi32, #tpu.memory_space<vmem>>
    %dma_start3A_175 = tpu.memref_squeeze %dma_start3A_174 : memref<1x64xi32, #tpu.memory_space<vmem>> -> memref<64xi32, #tpu.memory_space<vmem>>
    %dma_start3A_176 = arith.constant 0 : i32
    %dma_start3A_177 = arith.constant 0 : i32
    %dma_start3A_178 = tpu.memref_slice %arg4[%dma_start3A_176, %dma_start3A_177] : memref<100000x128xf32, #tpu.memory_space<hbm>> -> memref<100000x128xf32, #tpu.memory_space<hbm>>
    tpu.enqueue_indirect_dma source(%dma_start3A_178 : memref<100000x128xf32, #tpu.memory_space<hbm>>) target(%dma_start3A_172 : memref<64x128xf32, #tpu.memory_space<vmem>>) offsets(%dma_start3A_175 : memref<64xi32, #tpu.memory_space<vmem>>) semaphore(%arg18 : memref<!tpu.dma_semaphore, #tpu.memory_space<semaphore_mem>>)
    %add3A_179 = arith.constant 192 : i32
    %add3A_180 = arith.addi %rem3A_4, %add3A_179 : i32
    %dma_start3A_181 = arith.constant 192 : i32
    %dma_start3A_182 = arith.constant 0 : i32
    %dma_start3A_183 = tpu.memref_slice %arg13[%dma_start3A_181, %dma_start3A_182] : memref<256x128xf32, #tpu.memory_space<vmem>> -> memref<64x128xf32, #tpu.memory_space<vmem>>
    %dma_start3A_184 = arith.constant 0 : i32
    %dma_start3A_185 = tpu.memref_slice %arg6[%add3A_180, %dma_start3A_184] : memref<2048x128xf32, #tpu.memory_space<hbm>> -> memref<64x128xf32, #tpu.memory_space<hbm>>
    %dma_start3A_186 = arith.constant 192 : i32
    %dma_start3A_187 = arith.constant 0 : i32
    %dma_start3A_188 = tpu.memref_slice %arg13[%dma_start3A_186, %dma_start3A_187] : memref<256x128xf32, #tpu.memory_space<vmem>> -> memref<64x128xf32, #tpu.memory_space<vmem>>
    %dma_start3A_189 = arith.constant 0 : i32
    %dma_start3A_190 = tpu.memref_slice %arg6[%add3A_180, %dma_start3A_189] : memref<2048x128xf32, #tpu.memory_space<hbm>> -> memref<64x128xf32, #tpu.memory_space<hbm>>
    tpu.enqueue_dma source(%dma_start3A_190 : memref<64x128xf32, #tpu.memory_space<hbm>>) target(%dma_start3A_188 : memref<64x128xf32, #tpu.memory_space<vmem>>) target_semaphore(%arg18 : memref<!tpu.dma_semaphore, #tpu.memory_space<semaphore_mem>>)
    %iota3A = tpu.iota {dimensions = array<i32: 0>} : vector<16xi32>
    %dma_wait3A_191 = arith.constant 0 : i32
    %dma_wait3A_192 = arith.constant 0 : i32
    %dma_wait3A_193 = arith.constant 0 : i32
    %dma_wait3A_194 = tpu.memref_slice %arg12[%dma_wait3A_192, %dma_wait3A_193] : memref<256x128xf32, #tpu.memory_space<vmem>> -> memref<64x128xf32, #tpu.memory_space<vmem>>
    %dma_wait3A_195 = arith.constant 0 : i32
    %dma_wait3A_196 = tpu.memref_slice %arg10[%dma_wait3A_191, %dma_wait3A_195] : memref<4x64xi32, #tpu.memory_space<vmem>> -> memref<1x64xi32, #tpu.memory_space<vmem>>
    %dma_wait3A_197 = tpu.memref_squeeze %dma_wait3A_196 : memref<1x64xi32, #tpu.memory_space<vmem>> -> memref<64xi32, #tpu.memory_space<vmem>>
    %dma_wait3A_198 = arith.constant 0 : i32
    %dma_wait3A_199 = arith.constant 0 : i32
    %dma_wait3A_200 = tpu.memref_slice %arg4[%dma_wait3A_198, %dma_wait3A_199] : memref<100000x128xf32, #tpu.memory_space<hbm>> -> memref<100000x128xf32, #tpu.memory_space<hbm>>
    tpu.wait_indirect_dma semaphore(%arg17 : memref<!tpu.dma_semaphore, #tpu.memory_space<semaphore_mem>>) src(%dma_wait3A_200 : memref<100000x128xf32, #tpu.memory_space<hbm>>) dst(%dma_wait3A_194 : memref<64x128xf32, #tpu.memory_space<vmem>>)
    %dma_wait3A_201 = arith.constant 0 : i32
    %dma_wait3A_202 = arith.constant 0 : i32
    %dma_wait3A_203 = tpu.memref_slice %arg13[%dma_wait3A_201, %dma_wait3A_202] : memref<256x128xf32, #tpu.memory_space<vmem>> -> memref<64x128xf32, #tpu.memory_space<vmem>>
    %dma_wait3A_204 = arith.constant 0 : i32
    %dma_wait3A_205 = tpu.memref_slice %arg6[%add3A_114, %dma_wait3A_204] : memref<2048x128xf32, #tpu.memory_space<hbm>> -> memref<64x128xf32, #tpu.memory_space<hbm>>
    %dma_wait3A_206 = arith.constant 0 : i32
    %dma_wait3A_207 = arith.constant 0 : i32
    %dma_wait3A_208 = tpu.memref_slice %arg13[%dma_wait3A_206, %dma_wait3A_207] : memref<256x128xf32, #tpu.memory_space<vmem>> -> memref<64x128xf32, #tpu.memory_space<vmem>>
    %dma_wait3A_209 = arith.constant 0 : i32
    %dma_wait3A_210 = tpu.memref_slice %arg6[%add3A_114, %dma_wait3A_209] : memref<2048x128xf32, #tpu.memory_space<hbm>> -> memref<64x128xf32, #tpu.memory_space<hbm>>
    tpu.wait_dma2 semaphore(%arg17 : memref<!tpu.dma_semaphore, #tpu.memory_space<semaphore_mem>>) src(%dma_wait3A_210 : memref<64x128xf32, #tpu.memory_space<hbm>>) dst(%dma_wait3A_208 : memref<64x128xf32, #tpu.memory_space<vmem>>)
    %dma_wait3A_211 = tpu.memref_slice %arg3[%div3A_3, %rem3A_4] : memref<4x2048xi32, #tpu.memory_space<hbm>> -> memref<1x256xi32, #tpu.memory_space<hbm>>
    %dma_wait3A_212 = tpu.memref_squeeze %dma_wait3A_211 : memref<1x256xi32, #tpu.memory_space<hbm>> -> memref<256xi32, #tpu.memory_space<hbm>>
    %dma_wait3A_213 = tpu.memref_slice %arg3[%div3A_3, %rem3A_4] : memref<4x2048xi32, #tpu.memory_space<hbm>> -> memref<1x256xi32, #tpu.memory_space<hbm>>
    %dma_wait3A_214 = tpu.memref_squeeze %dma_wait3A_213 : memref<1x256xi32, #tpu.memory_space<hbm>> -> memref<256xi32, #tpu.memory_space<hbm>>
    tpu.wait_dma2 semaphore(%arg19 : memref<!tpu.dma_semaphore, #tpu.memory_space<semaphore_mem>>) src(%dma_wait3A_214 : memref<256xi32, #tpu.memory_space<hbm>>) dst(%arg11 : memref<256xi32, #tpu.memory_space<vmem>>)
    tpu.wait_dma2 semaphore(%arg19 : memref<!tpu.dma_semaphore, #tpu.memory_space<semaphore_mem>>) src(%arg5 : memref<2x128xf32, #tpu.memory_space<hbm>>) dst(%arg14 : memref<2x128xf32, #tpu.memory_space<vmem>>)
    tpu.wait_dma2 semaphore(%arg19 : memref<!tpu.dma_semaphore, #tpu.memory_space<semaphore_mem>>) src(%arg7 : memref<128xf32, #tpu.memory_space<hbm>>) dst(%arg15 : memref<128xf32, #tpu.memory_space<vmem>>)
    tpu.wait_dma2 semaphore(%arg19 : memref<!tpu.dma_semaphore, #tpu.memory_space<semaphore_mem>>) src(%arg8 : memref<128xf32, #tpu.memory_space<hbm>>) dst(%arg16 : memref<128xf32, #tpu.memory_space<vmem>>)
    %get3A = arith.constant 0 : i32
    %get3A_215 = arith.index_cast %get3A : i32 to index
    %get3A_216 = arith.constant 0 : index
    %get3A_217 = tpu.vector_load %arg14[%get3A_215, %get3A_216] {strides = array<i32>} : memref<2x128xf32, #tpu.memory_space<vmem>>, vector<16xf32>,
    %get3A_218 = arith.constant 0 : i32
    %get3A_219 = arith.index_cast %get3A_218 : i32 to index
    %get3A_220 = arith.constant 16 : index
    %get3A_221 = tpu.vector_load %arg14[%get3A_219, %get3A_220] {strides = array<i32>} : memref<2x128xf32, #tpu.memory_space<vmem>>, vector<16xf32>,
    %get3A_222 = arith.constant 0 : i32
    %get3A_223 = arith.index_cast %get3A_222 : i32 to index
    %get3A_224 = arith.constant 32 : index
    %get3A_225 = tpu.vector_load %arg14[%get3A_223, %get3A_224] {strides = array<i32>} : memref<2x128xf32, #tpu.memory_space<vmem>>, vector<16xf32>,
    %get3A_226 = arith.constant 0 : i32
    %get3A_227 = arith.index_cast %get3A_226 : i32 to index
    %get3A_228 = arith.constant 48 : index
    %get3A_229 = tpu.vector_load %arg14[%get3A_227, %get3A_228] {strides = array<i32>} : memref<2x128xf32, #tpu.memory_space<vmem>>, vector<16xf32>,
    %get3A_230 = arith.constant 0 : i32
    %get3A_231 = arith.index_cast %get3A_230 : i32 to index
    %get3A_232 = arith.constant 64 : index
    %get3A_233 = tpu.vector_load %arg14[%get3A_231, %get3A_232] {strides = array<i32>} : memref<2x128xf32, #tpu.memory_space<vmem>>, vector<16xf32>,
    %get3A_234 = arith.constant 0 : i32
    %get3A_235 = arith.index_cast %get3A_234 : i32 to index
    %get3A_236 = arith.constant 80 : index
    %get3A_237 = tpu.vector_load %arg14[%get3A_235, %get3A_236] {strides = array<i32>} : memref<2x128xf32, #tpu.memory_space<vmem>>, vector<16xf32>,
    %get3A_238 = arith.constant 0 : i32
    %get3A_239 = arith.index_cast %get3A_238 : i32 to index
    %get3A_240 = arith.constant 96 : index
    %get3A_241 = tpu.vector_load %arg14[%get3A_239, %get3A_240] {strides = array<i32>} : memref<2x128xf32, #tpu.memory_space<vmem>>, vector<16xf32>,
    %get3A_242 = arith.constant 0 : i32
    %get3A_243 = arith.index_cast %get3A_242 : i32 to index
    %get3A_244 = arith.constant 112 : index
    %get3A_245 = tpu.vector_load %arg14[%get3A_243, %get3A_244] {strides = array<i32>} : memref<2x128xf32, #tpu.memory_space<vmem>>, vector<16xf32>,
    %get3A_246 = arith.constant 1 : i32
    %get3A_247 = arith.index_cast %get3A_246 : i32 to index
    %get3A_248 = arith.constant 0 : index
    %get3A_249 = tpu.vector_load %arg14[%get3A_247, %get3A_248] {strides = array<i32>} : memref<2x128xf32, #tpu.memory_space<vmem>>, vector<16xf32>,
    %get3A_250 = arith.constant 1 : i32
    %get3A_251 = arith.index_cast %get3A_250 : i32 to index
    %get3A_252 = arith.constant 16 : index
    %get3A_253 = tpu.vector_load %arg14[%get3A_251, %get3A_252] {strides = array<i32>} : memref<2x128xf32, #tpu.memory_space<vmem>>, vector<16xf32>,
    %get3A_254 = arith.constant 1 : i32
    %get3A_255 = arith.index_cast %get3A_254 : i32 to index
    %get3A_256 = arith.constant 32 : index
    %get3A_257 = tpu.vector_load %arg14[%get3A_255, %get3A_256] {strides = array<i32>} : memref<2x128xf32, #tpu.memory_space<vmem>>, vector<16xf32>,
    %get3A_258 = arith.constant 1 : i32
    %get3A_259 = arith.index_cast %get3A_258 : i32 to index
    %get3A_260 = arith.constant 48 : index
    %get3A_261 = tpu.vector_load %arg14[%get3A_259, %get3A_260] {strides = array<i32>} : memref<2x128xf32, #tpu.memory_space<vmem>>, vector<16xf32>,
    %get3A_262 = arith.constant 1 : i32
    %get3A_263 = arith.index_cast %get3A_262 : i32 to index
    %get3A_264 = arith.constant 64 : index
    %get3A_265 = tpu.vector_load %arg14[%get3A_263, %get3A_264] {strides = array<i32>} : memref<2x128xf32, #tpu.memory_space<vmem>>, vector<16xf32>,
    %get3A_266 = arith.constant 1 : i32
    %get3A_267 = arith.index_cast %get3A_266 : i32 to index
    %get3A_268 = arith.constant 80 : index
    %get3A_269 = tpu.vector_load %arg14[%get3A_267, %get3A_268] {strides = array<i32>} : memref<2x128xf32, #tpu.memory_space<vmem>>, vector<16xf32>,
    %get3A_270 = arith.constant 1 : i32
    %get3A_271 = arith.index_cast %get3A_270 : i32 to index
    %get3A_272 = arith.constant 96 : index
    %get3A_273 = tpu.vector_load %arg14[%get3A_271, %get3A_272] {strides = array<i32>} : memref<2x128xf32, #tpu.memory_space<vmem>>, vector<16xf32>,
    %get3A_274 = arith.constant 1 : i32
    %get3A_275 = arith.index_cast %get3A_274 : i32 to index
    %get3A_276 = arith.constant 112 : index
    %get3A_277 = tpu.vector_load %arg14[%get3A_275, %get3A_276] {strides = array<i32>} : memref<2x128xf32, #tpu.memory_space<vmem>>, vector<16xf32>,
    %get3A_278 = arith.constant 0 : index
    %get3A_279 = tpu.vector_load %arg15[%get3A_278] {strides = array<i32>} : memref<128xf32, #tpu.memory_space<vmem>>, vector<16xf32>,
    %get3A_280 = arith.constant 16 : index
    %get3A_281 = tpu.vector_load %arg15[%get3A_280] {strides = array<i32>} : memref<128xf32, #tpu.memory_space<vmem>>, vector<16xf32>,
    %get3A_282 = arith.constant 32 : index
    %get3A_283 = tpu.vector_load %arg15[%get3A_282] {strides = array<i32>} : memref<128xf32, #tpu.memory_space<vmem>>, vector<16xf32>,
    %get3A_284 = arith.constant 48 : index
    %get3A_285 = tpu.vector_load %arg15[%get3A_284] {strides = array<i32>} : memref<128xf32, #tpu.memory_space<vmem>>, vector<16xf32>,
    %get3A_286 = arith.constant 64 : index
    %get3A_287 = tpu.vector_load %arg15[%get3A_286] {strides = array<i32>} : memref<128xf32, #tpu.memory_space<vmem>>, vector<16xf32>,
    %get3A_288 = arith.constant 80 : index
    %get3A_289 = tpu.vector_load %arg15[%get3A_288] {strides = array<i32>} : memref<128xf32, #tpu.memory_space<vmem>>, vector<16xf32>,
    %get3A_290 = arith.constant 96 : index
    %get3A_291 = tpu.vector_load %arg15[%get3A_290] {strides = array<i32>} : memref<128xf32, #tpu.memory_space<vmem>>, vector<16xf32>,
    %get3A_292 = arith.constant 112 : index
    %get3A_293 = tpu.vector_load %arg15[%get3A_292] {strides = array<i32>} : memref<128xf32, #tpu.memory_space<vmem>>, vector<16xf32>,
    %get3A_294 = arith.constant 0 : index
    %get3A_295 = tpu.vector_load %arg16[%get3A_294] {strides = array<i32>} : memref<128xf32, #tpu.memory_space<vmem>>, vector<16xf32>,
    %get3A_296 = arith.constant 16 : index
    %get3A_297 = tpu.vector_load %arg16[%get3A_296] {strides = array<i32>} : memref<128xf32, #tpu.memory_space<vmem>>, vector<16xf32>,
    %get3A_298 = arith.constant 32 : index
    %get3A_299 = tpu.vector_load %arg16[%get3A_298] {strides = array<i32>} : memref<128xf32, #tpu.memory_space<vmem>>, vector<16xf32>,
    %get3A_300 = arith.constant 48 : index
    %get3A_301 = tpu.vector_load %arg16[%get3A_300] {strides = array<i32>} : memref<128xf32, #tpu.memory_space<vmem>>, vector<16xf32>,
    %get3A_302 = arith.constant 64 : index
    %get3A_303 = tpu.vector_load %arg16[%get3A_302] {strides = array<i32>} : memref<128xf32, #tpu.memory_space<vmem>>, vector<16xf32>,
    %get3A_304 = arith.constant 80 : index
    %get3A_305 = tpu.vector_load %arg16[%get3A_304] {strides = array<i32>} : memref<128xf32, #tpu.memory_space<vmem>>, vector<16xf32>,
    %get3A_306 = arith.constant 96 : index
    %get3A_307 = tpu.vector_load %arg16[%get3A_306] {strides = array<i32>} : memref<128xf32, #tpu.memory_space<vmem>>, vector<16xf32>,
    %get3A_308 = arith.constant 112 : index
    %get3A_309 = tpu.vector_load %arg16[%get3A_308] {strides = array<i32>} : memref<128xf32, #tpu.memory_space<vmem>>, vector<16xf32>,
    %broadcast_in_dim3A = arith.constant 5.000000e-01 : f32
    %broadcast_in_dim3A_310 = vector.broadcast %broadcast_in_dim3A : f32 to vector<16xf32>
    %parallel_loop3A = arith.constant 0 : i32
    %parallel_loop3A_311 = arith.constant 64 : i32
    %parallel_loop3A_312 = arith.constant 1 : i32
    scf.for %parallel_loop3A_486 = %parallel_loop3A to %parallel_loop3A_311 step %parallel_loop3A_312  : i32 {
      %parallel_loop3A_487 = arith.constant -16 : i32
      %parallel_loop3A_488 = arith.andi %parallel_loop3A_486, %parallel_loop3A_487 : i32
      %parallel_loop3A_489 = arith.index_cast %parallel_loop3A_488 : i32 to index
      %parallel_loop3A_490 = tpu.vector_load %arg11[%parallel_loop3A_489] {strides = array<i32>} : memref<256xi32, #tpu.memory_space<vmem>>, vector<16xi32>,
      %parallel_loop3A_491 = arith.sitofp %parallel_loop3A_490 : vector<16xi32> to vector<16xf32>
      %parallel_loop3A_492 = arith.constant 15 : i32
      %parallel_loop3A_493 = arith.andi %parallel_loop3A_486, %parallel_loop3A_492 : i32
      %parallel_loop3A_494 = vector.broadcast %parallel_loop3A_493 : i32 to vector<16xi32>
      %parallel_loop3A_495 = vector.shape_cast %parallel_loop3A_494 : vector<16xi32> to vector<16x1xi32>
      %parallel_loop3A_496 = vector.shape_cast %parallel_loop3A_495 : vector<16x1xi32> to vector<16xi32>
      %parallel_loop3A_497 = tpu.dynamic_gather %parallel_loop3A_491[%parallel_loop3A_496] in [0] : vector<16xf32>, vector<16xi32> -> vector<16xf32>
      %parallel_loop3A_498 = arith.cmpf ogt, %parallel_loop3A_497, %broadcast_in_dim3A_310 : vector<16xf32>
      %parallel_loop3A_499 = arith.index_cast %parallel_loop3A_486 : i32 to index
      %parallel_loop3A_500 = arith.constant 0 : index
      %parallel_loop3A_501 = tpu.vector_load %arg12[%parallel_loop3A_499, %parallel_loop3A_500] {strides = array<i32>} : memref<256x128xf32, #tpu.memory_space<vmem>>, vector<16xf32>,
      %parallel_loop3A_502 = arith.index_cast %parallel_loop3A_486 : i32 to index
      %parallel_loop3A_503 = arith.constant 0 : index
      %parallel_loop3A_504 = tpu.vector_load %arg13[%parallel_loop3A_502, %parallel_loop3A_503] {strides = array<i32>} : memref<256x128xf32, #tpu.memory_space<vmem>>, vector<16xf32>,
      %parallel_loop3A_505 = arith.addf %parallel_loop3A_501, %parallel_loop3A_504 : vector<16xf32>
      %parallel_loop3A_506 = arith.select %parallel_loop3A_498, %get3A_249, %get3A_217 : vector<16xi1>, vector<16xf32>
      %parallel_loop3A_507 = arith.addf %parallel_loop3A_505, %parallel_loop3A_506 : vector<16xf32>
      %parallel_loop3A_508 = arith.index_cast %parallel_loop3A_486 : i32 to index
      %parallel_loop3A_509 = arith.constant 16 : index
      %parallel_loop3A_510 = tpu.vector_load %arg12[%parallel_loop3A_508, %parallel_loop3A_509] {strides = array<i32>} : memref<256x128xf32, #tpu.memory_space<vmem>>, vector<16xf32>,
      %parallel_loop3A_511 = arith.index_cast %parallel_loop3A_486 : i32 to index
      %parallel_loop3A_512 = arith.constant 16 : index
      %parallel_loop3A_513 = tpu.vector_load %arg13[%parallel_loop3A_511, %parallel_loop3A_512] {strides = array<i32>} : memref<256x128xf32, #tpu.memory_space<vmem>>, vector<16xf32>,
      %parallel_loop3A_514 = arith.addf %parallel_loop3A_510, %parallel_loop3A_513 : vector<16xf32>
      %parallel_loop3A_515 = arith.select %parallel_loop3A_498, %get3A_253, %get3A_221 : vector<16xi1>, vector<16xf32>
      %parallel_loop3A_516 = arith.addf %parallel_loop3A_514, %parallel_loop3A_515 : vector<16xf32>
      %parallel_loop3A_517 = arith.index_cast %parallel_loop3A_486 : i32 to index
      %parallel_loop3A_518 = arith.constant 32 : index
      %parallel_loop3A_519 = tpu.vector_load %arg12[%parallel_loop3A_517, %parallel_loop3A_518] {strides = array<i32>} : memref<256x128xf32, #tpu.memory_space<vmem>>, vector<16xf32>,
      %parallel_loop3A_520 = arith.index_cast %parallel_loop3A_486 : i32 to index
      %parallel_loop3A_521 = arith.constant 32 : index
      %parallel_loop3A_522 = tpu.vector_load %arg13[%parallel_loop3A_520, %parallel_loop3A_521] {strides = array<i32>} : memref<256x128xf32, #tpu.memory_space<vmem>>, vector<16xf32>,
      %parallel_loop3A_523 = arith.addf %parallel_loop3A_519, %parallel_loop3A_522 : vector<16xf32>
      %parallel_loop3A_524 = arith.select %parallel_loop3A_498, %get3A_257, %get3A_225 : vector<16xi1>, vector<16xf32>
      %parallel_loop3A_525 = arith.addf %parallel_loop3A_523, %parallel_loop3A_524 : vector<16xf32>
      %parallel_loop3A_526 = arith.index_cast %parallel_loop3A_486 : i32 to index
      %parallel_loop3A_527 = arith.constant 48 : index
      %parallel_loop3A_528 = tpu.vector_load %arg12[%parallel_loop3A_526, %parallel_loop3A_527] {strides = array<i32>} : memref<256x128xf32, #tpu.memory_space<vmem>>, vector<16xf32>,
      %parallel_loop3A_529 = arith.index_cast %parallel_loop3A_486 : i32 to index
      %parallel_loop3A_530 = arith.constant 48 : index
      %parallel_loop3A_531 = tpu.vector_load %arg13[%parallel_loop3A_529, %parallel_loop3A_530] {strides = array<i32>} : memref<256x128xf32, #tpu.memory_space<vmem>>, vector<16xf32>,
      %parallel_loop3A_532 = arith.addf %parallel_loop3A_528, %parallel_loop3A_531 : vector<16xf32>
      %parallel_loop3A_533 = arith.select %parallel_loop3A_498, %get3A_261, %get3A_229 : vector<16xi1>, vector<16xf32>
      %parallel_loop3A_534 = arith.addf %parallel_loop3A_532, %parallel_loop3A_533 : vector<16xf32>
      %parallel_loop3A_535 = arith.index_cast %parallel_loop3A_486 : i32 to index
      %parallel_loop3A_536 = arith.constant 64 : index
      %parallel_loop3A_537 = tpu.vector_load %arg12[%parallel_loop3A_535, %parallel_loop3A_536] {strides = array<i32>} : memref<256x128xf32, #tpu.memory_space<vmem>>, vector<16xf32>,
      %parallel_loop3A_538 = arith.index_cast %parallel_loop3A_486 : i32 to index
      %parallel_loop3A_539 = arith.constant 64 : index
      %parallel_loop3A_540 = tpu.vector_load %arg13[%parallel_loop3A_538, %parallel_loop3A_539] {strides = array<i32>} : memref<256x128xf32, #tpu.memory_space<vmem>>, vector<16xf32>,
      %parallel_loop3A_541 = arith.addf %parallel_loop3A_537, %parallel_loop3A_540 : vector<16xf32>
      %parallel_loop3A_542 = arith.select %parallel_loop3A_498, %get3A_265, %get3A_233 : vector<16xi1>, vector<16xf32>
      %parallel_loop3A_543 = arith.addf %parallel_loop3A_541, %parallel_loop3A_542 : vector<16xf32>
      %parallel_loop3A_544 = arith.index_cast %parallel_loop3A_486 : i32 to index
      %parallel_loop3A_545 = arith.constant 80 : index
      %parallel_loop3A_546 = tpu.vector_load %arg12[%parallel_loop3A_544, %parallel_loop3A_545] {strides = array<i32>} : memref<256x128xf32, #tpu.memory_space<vmem>>, vector<16xf32>,
      %parallel_loop3A_547 = arith.index_cast %parallel_loop3A_486 : i32 to index
      %parallel_loop3A_548 = arith.constant 80 : index
      %parallel_loop3A_549 = tpu.vector_load %arg13[%parallel_loop3A_547, %parallel_loop3A_548] {strides = array<i32>} : memref<256x128xf32, #tpu.memory_space<vmem>>, vector<16xf32>,
      %parallel_loop3A_550 = arith.addf %parallel_loop3A_546, %parallel_loop3A_549 : vector<16xf32>
      %parallel_loop3A_551 = arith.select %parallel_loop3A_498, %get3A_269, %get3A_237 : vector<16xi1>, vector<16xf32>
      %parallel_loop3A_552 = arith.addf %parallel_loop3A_550, %parallel_loop3A_551 : vector<16xf32>
      %parallel_loop3A_553 = arith.index_cast %parallel_loop3A_486 : i32 to index
      %parallel_loop3A_554 = arith.constant 96 : index
      %parallel_loop3A_555 = tpu.vector_load %arg12[%parallel_loop3A_553, %parallel_loop3A_554] {strides = array<i32>} : memref<256x128xf32, #tpu.memory_space<vmem>>, vector<16xf32>,
      %parallel_loop3A_556 = arith.index_cast %parallel_loop3A_486 : i32 to index
      %parallel_loop3A_557 = arith.constant 96 : index
      %parallel_loop3A_558 = tpu.vector_load %arg13[%parallel_loop3A_556, %parallel_loop3A_557] {strides = array<i32>} : memref<256x128xf32, #tpu.memory_space<vmem>>, vector<16xf32>,
      %parallel_loop3A_559 = arith.addf %parallel_loop3A_555, %parallel_loop3A_558 : vector<16xf32>
      %parallel_loop3A_560 = arith.select %parallel_loop3A_498, %get3A_273, %get3A_241 : vector<16xi1>, vector<16xf32>
      %parallel_loop3A_561 = arith.addf %parallel_loop3A_559, %parallel_loop3A_560 : vector<16xf32>
      %parallel_loop3A_562 = arith.index_cast %parallel_loop3A_486 : i32 to index
      %parallel_loop3A_563 = arith.constant 112 : index
      %parallel_loop3A_564 = tpu.vector_load %arg12[%parallel_loop3A_562, %parallel_loop3A_563] {strides = array<i32>} : memref<256x128xf32, #tpu.memory_space<vmem>>, vector<16xf32>,
      %parallel_loop3A_565 = arith.index_cast %parallel_loop3A_486 : i32 to index
      %parallel_loop3A_566 = arith.constant 112 : index
      %parallel_loop3A_567 = tpu.vector_load %arg13[%parallel_loop3A_565, %parallel_loop3A_566] {strides = array<i32>} : memref<256x128xf32, #tpu.memory_space<vmem>>, vector<16xf32>,
      %parallel_loop3A_568 = arith.addf %parallel_loop3A_564, %parallel_loop3A_567 : vector<16xf32>
      %parallel_loop3A_569 = arith.select %parallel_loop3A_498, %get3A_277, %get3A_245 : vector<16xi1>, vector<16xf32>
      %parallel_loop3A_570 = arith.addf %parallel_loop3A_568, %parallel_loop3A_569 : vector<16xf32>
      %parallel_loop3A_571 = arith.mulf %parallel_loop3A_507, %parallel_loop3A_507 : vector<16xf32>
      %parallel_loop3A_572 = arith.addf %parallel_loop3A_507, %parallel_loop3A_516 : vector<16xf32>
      %parallel_loop3A_573 = arith.mulf %parallel_loop3A_516, %parallel_loop3A_516 : vector<16xf32>
      %parallel_loop3A_574 = arith.addf %parallel_loop3A_571, %parallel_loop3A_573 : vector<16xf32>
      %parallel_loop3A_575 = arith.addf %parallel_loop3A_572, %parallel_loop3A_525 : vector<16xf32>
      %parallel_loop3A_576 = arith.mulf %parallel_loop3A_525, %parallel_loop3A_525 : vector<16xf32>
      %parallel_loop3A_577 = arith.addf %parallel_loop3A_574, %parallel_loop3A_576 : vector<16xf32>
      %parallel_loop3A_578 = arith.addf %parallel_loop3A_575, %parallel_loop3A_534 : vector<16xf32>
      %parallel_loop3A_579 = arith.mulf %parallel_loop3A_534, %parallel_loop3A_534 : vector<16xf32>
      %parallel_loop3A_580 = arith.addf %parallel_loop3A_577, %parallel_loop3A_579 : vector<16xf32>
      %parallel_loop3A_581 = arith.addf %parallel_loop3A_578, %parallel_loop3A_543 : vector<16xf32>
      %parallel_loop3A_582 = arith.mulf %parallel_loop3A_543, %parallel_loop3A_543 : vector<16xf32>
      %parallel_loop3A_583 = arith.addf %parallel_loop3A_580, %parallel_loop3A_582 : vector<16xf32>
      %parallel_loop3A_584 = arith.addf %parallel_loop3A_581, %parallel_loop3A_552 : vector<16xf32>
      %parallel_loop3A_585 = arith.mulf %parallel_loop3A_552, %parallel_loop3A_552 : vector<16xf32>
      %parallel_loop3A_586 = arith.addf %parallel_loop3A_583, %parallel_loop3A_585 : vector<16xf32>
      %parallel_loop3A_587 = arith.addf %parallel_loop3A_584, %parallel_loop3A_561 : vector<16xf32>
      %parallel_loop3A_588 = arith.mulf %parallel_loop3A_561, %parallel_loop3A_561 : vector<16xf32>
      %parallel_loop3A_589 = arith.addf %parallel_loop3A_586, %parallel_loop3A_588 : vector<16xf32>
      %parallel_loop3A_590 = arith.addf %parallel_loop3A_587, %parallel_loop3A_570 : vector<16xf32>
      %parallel_loop3A_591 = arith.mulf %parallel_loop3A_570, %parallel_loop3A_570 : vector<16xf32>
      %parallel_loop3A_592 = arith.addf %parallel_loop3A_589, %parallel_loop3A_591 : vector<16xf32>
      %parallel_loop3A_593 = arith.constant 8 : i32
      %parallel_loop3A_594 = vector.broadcast %parallel_loop3A_593 : i32 to vector<16xi32>
      %parallel_loop3A_595 = arith.xori %iota3A, %parallel_loop3A_594 : vector<16xi32>
      %parallel_loop3A_596 = vector.shape_cast %parallel_loop3A_595 : vector<16xi32> to vector<16x1xi32>
      %parallel_loop3A_597 = vector.shape_cast %parallel_loop3A_596 : vector<16x1xi32> to vector<16xi32>
      %parallel_loop3A_598 = tpu.dynamic_gather %parallel_loop3A_590[%parallel_loop3A_597] in [0] : vector<16xf32>, vector<16xi32> -> vector<16xf32>
      %parallel_loop3A_599 = arith.addf %parallel_loop3A_590, %parallel_loop3A_598 : vector<16xf32>
      %parallel_loop3A_600 = arith.constant 4 : i32
      %parallel_loop3A_601 = vector.broadcast %parallel_loop3A_600 : i32 to vector<16xi32>
      %parallel_loop3A_602 = arith.xori %iota3A, %parallel_loop3A_601 : vector<16xi32>
      %parallel_loop3A_603 = vector.shape_cast %parallel_loop3A_602 : vector<16xi32> to vector<16x1xi32>
      %parallel_loop3A_604 = vector.shape_cast %parallel_loop3A_603 : vector<16x1xi32> to vector<16xi32>
      %parallel_loop3A_605 = tpu.dynamic_gather %parallel_loop3A_599[%parallel_loop3A_604] in [0] : vector<16xf32>, vector<16xi32> -> vector<16xf32>
      %parallel_loop3A_606 = arith.addf %parallel_loop3A_599, %parallel_loop3A_605 : vector<16xf32>
      %parallel_loop3A_607 = arith.constant 2 : i32
      %parallel_loop3A_608 = vector.broadcast %parallel_loop3A_607 : i32 to vector<16xi32>
      %parallel_loop3A_609 = arith.xori %iota3A, %parallel_loop3A_608 : vector<16xi32>
      %parallel_loop3A_610 = vector.shape_cast %parallel_loop3A_609 : vector<16xi32> to vector<16x1xi32>
      %parallel_loop3A_611 = vector.shape_cast %parallel_loop3A_610 : vector<16x1xi32> to vector<16xi32>
      %parallel_loop3A_612 = tpu.dynamic_gather %parallel_loop3A_606[%parallel_loop3A_611] in [0] : vector<16xf32>, vector<16xi32> -> vector<16xf32>
      %parallel_loop3A_613 = arith.addf %parallel_loop3A_606, %parallel_loop3A_612 : vector<16xf32>
      %parallel_loop3A_614 = arith.constant 1 : i32
      %parallel_loop3A_615 = vector.broadcast %parallel_loop3A_614 : i32 to vector<16xi32>
      %parallel_loop3A_616 = arith.xori %iota3A, %parallel_loop3A_615 : vector<16xi32>
      %parallel_loop3A_617 = vector.shape_cast %parallel_loop3A_616 : vector<16xi32> to vector<16x1xi32>
      %parallel_loop3A_618 = vector.shape_cast %parallel_loop3A_617 : vector<16x1xi32> to vector<16xi32>
      %parallel_loop3A_619 = tpu.dynamic_gather %parallel_loop3A_613[%parallel_loop3A_618] in [0] : vector<16xf32>, vector<16xi32> -> vector<16xf32>
      %parallel_loop3A_620 = arith.addf %parallel_loop3A_613, %parallel_loop3A_619 : vector<16xf32>
      %parallel_loop3A_621 = arith.constant 8 : i32
      %parallel_loop3A_622 = vector.broadcast %parallel_loop3A_621 : i32 to vector<16xi32>
      %parallel_loop3A_623 = arith.xori %iota3A, %parallel_loop3A_622 : vector<16xi32>
      %parallel_loop3A_624 = vector.shape_cast %parallel_loop3A_623 : vector<16xi32> to vector<16x1xi32>
      %parallel_loop3A_625 = vector.shape_cast %parallel_loop3A_624 : vector<16x1xi32> to vector<16xi32>
      %parallel_loop3A_626 = tpu.dynamic_gather %parallel_loop3A_592[%parallel_loop3A_625] in [0] : vector<16xf32>, vector<16xi32> -> vector<16xf32>
      %parallel_loop3A_627 = arith.addf %parallel_loop3A_592, %parallel_loop3A_626 : vector<16xf32>
      %parallel_loop3A_628 = arith.constant 4 : i32
      %parallel_loop3A_629 = vector.broadcast %parallel_loop3A_628 : i32 to vector<16xi32>
      %parallel_loop3A_630 = arith.xori %iota3A, %parallel_loop3A_629 : vector<16xi32>
      %parallel_loop3A_631 = vector.shape_cast %parallel_loop3A_630 : vector<16xi32> to vector<16x1xi32>
      %parallel_loop3A_632 = vector.shape_cast %parallel_loop3A_631 : vector<16x1xi32> to vector<16xi32>
      %parallel_loop3A_633 = tpu.dynamic_gather %parallel_loop3A_627[%parallel_loop3A_632] in [0] : vector<16xf32>, vector<16xi32> -> vector<16xf32>
      %parallel_loop3A_634 = arith.addf %parallel_loop3A_627, %parallel_loop3A_633 : vector<16xf32>
      %parallel_loop3A_635 = arith.constant 2 : i32
      %parallel_loop3A_636 = vector.broadcast %parallel_loop3A_635 : i32 to vector<16xi32>
      %parallel_loop3A_637 = arith.xori %iota3A, %parallel_loop3A_636 : vector<16xi32>
      %parallel_loop3A_638 = vector.shape_cast %parallel_loop3A_637 : vector<16xi32> to vector<16x1xi32>
      %parallel_loop3A_639 = vector.shape_cast %parallel_loop3A_638 : vector<16x1xi32> to vector<16xi32>
      %parallel_loop3A_640 = tpu.dynamic_gather %parallel_loop3A_634[%parallel_loop3A_639] in [0] : vector<16xf32>, vector<16xi32> -> vector<16xf32>
      %parallel_loop3A_641 = arith.addf %parallel_loop3A_634, %parallel_loop3A_640 : vector<16xf32>
      %parallel_loop3A_642 = arith.constant 1 : i32
      %parallel_loop3A_643 = vector.broadcast %parallel_loop3A_642 : i32 to vector<16xi32>
      %parallel_loop3A_644 = arith.xori %iota3A, %parallel_loop3A_643 : vector<16xi32>
      %parallel_loop3A_645 = vector.shape_cast %parallel_loop3A_644 : vector<16xi32> to vector<16x1xi32>
      %parallel_loop3A_646 = vector.shape_cast %parallel_loop3A_645 : vector<16x1xi32> to vector<16xi32>
      %parallel_loop3A_647 = tpu.dynamic_gather %parallel_loop3A_641[%parallel_loop3A_646] in [0] : vector<16xf32>, vector<16xi32> -> vector<16xf32>
      %parallel_loop3A_648 = arith.addf %parallel_loop3A_641, %parallel_loop3A_647 : vector<16xf32>
      %parallel_loop3A_649 = arith.constant 7.812500e-03 : f32
      %parallel_loop3A_650 = vector.broadcast %parallel_loop3A_649 : f32 to vector<16xf32>
      %parallel_loop3A_651 = arith.mulf %parallel_loop3A_620, %parallel_loop3A_650 : vector<16xf32>
      %parallel_loop3A_652 = arith.constant 7.812500e-03 : f32
      %parallel_loop3A_653 = vector.broadcast %parallel_loop3A_652 : f32 to vector<16xf32>
      %parallel_loop3A_654 = arith.mulf %parallel_loop3A_648, %parallel_loop3A_653 : vector<16xf32>
      %parallel_loop3A_655 = arith.mulf %parallel_loop3A_651, %parallel_loop3A_651 : vector<16xf32>
      %parallel_loop3A_656 = arith.subf %parallel_loop3A_654, %parallel_loop3A_655 : vector<16xf32>
      %parallel_loop3A_657 = arith.constant 0.000000e+00 : f32
      %parallel_loop3A_658 = vector.broadcast %parallel_loop3A_657 : f32 to vector<16xf32>
      %parallel_loop3A_659 = arith.maximumf %parallel_loop3A_656, %parallel_loop3A_658 : vector<16xf32>
      %parallel_loop3A_660 = arith.constant 9.99999996E-13 : f32
      %parallel_loop3A_661 = vector.broadcast %parallel_loop3A_660 : f32 to vector<16xf32>
      %parallel_loop3A_662 = arith.addf %parallel_loop3A_659, %parallel_loop3A_661 : vector<16xf32>
      %parallel_loop3A_663 = tpu.bitcast %parallel_loop3A_662 : vector<16xf32> -> vector<16xi32>
      %parallel_loop3A_664 = arith.constant 1 : i32
      %parallel_loop3A_665 = vector.broadcast %parallel_loop3A_664 : i32 to vector<16xi32>
      %parallel_loop3A_666 = arith.shrui %parallel_loop3A_663, %parallel_loop3A_665 : vector<16xi32>
      %parallel_loop3A_667 = arith.constant 1597463007 : i32
      %parallel_loop3A_668 = vector.broadcast %parallel_loop3A_667 : i32 to vector<16xi32>
      %parallel_loop3A_669 = arith.subi %parallel_loop3A_668, %parallel_loop3A_666 : vector<16xi32>
      %parallel_loop3A_670 = tpu.bitcast %parallel_loop3A_669 : vector<16xi32> -> vector<16xf32>
      %parallel_loop3A_671 = arith.constant 5.000000e-01 : f32
      %parallel_loop3A_672 = vector.broadcast %parallel_loop3A_671 : f32 to vector<16xf32>
      %parallel_loop3A_673 = arith.mulf %parallel_loop3A_672, %parallel_loop3A_662 : vector<16xf32>
      %parallel_loop3A_674 = arith.mulf %parallel_loop3A_673, %parallel_loop3A_670 : vector<16xf32>
      %parallel_loop3A_675 = arith.mulf %parallel_loop3A_674, %parallel_loop3A_670 : vector<16xf32>
      %parallel_loop3A_676 = arith.constant 1.500000e+00 : f32
      %parallel_loop3A_677 = vector.broadcast %parallel_loop3A_676 : f32 to vector<16xf32>
      %parallel_loop3A_678 = arith.subf %parallel_loop3A_677, %parallel_loop3A_675 : vector<16xf32>
      %parallel_loop3A_679 = arith.mulf %parallel_loop3A_670, %parallel_loop3A_678 : vector<16xf32>
      %parallel_loop3A_680 = arith.mulf %parallel_loop3A_673, %parallel_loop3A_679 : vector<16xf32>
      %parallel_loop3A_681 = arith.mulf %parallel_loop3A_680, %parallel_loop3A_679 : vector<16xf32>
      %parallel_loop3A_682 = arith.constant 1.500000e+00 : f32
      %parallel_loop3A_683 = vector.broadcast %parallel_loop3A_682 : f32 to vector<16xf32>
      %parallel_loop3A_684 = arith.subf %parallel_loop3A_683, %parallel_loop3A_681 : vector<16xf32>
      %parallel_loop3A_685 = arith.mulf %parallel_loop3A_679, %parallel_loop3A_684 : vector<16xf32>
      %parallel_loop3A_686 = arith.mulf %parallel_loop3A_651, %parallel_loop3A_685 : vector<16xf32>
      %parallel_loop3A_687 = arith.mulf %parallel_loop3A_507, %parallel_loop3A_685 : vector<16xf32>
      %parallel_loop3A_688 = arith.subf %parallel_loop3A_687, %parallel_loop3A_686 : vector<16xf32>
      %parallel_loop3A_689 = arith.mulf %parallel_loop3A_688, %get3A_279 : vector<16xf32>
      %parallel_loop3A_690 = arith.addf %parallel_loop3A_689, %get3A_295 : vector<16xf32>
      %parallel_loop3A_691 = arith.index_cast %parallel_loop3A_486 : i32 to index
      %parallel_loop3A_692 = arith.constant 0 : index
      %parallel_loop3A_693 = tpu.vector_load %arg12[%parallel_loop3A_691, %parallel_loop3A_692] {strides = array<i32>} : memref<256x128xf32, #tpu.memory_space<vmem>>, vector<16xf32>,
      tpu.vector_store %arg12[%parallel_loop3A_691, %parallel_loop3A_692], %parallel_loop3A_690 {strides = array<i32>} : memref<256x128xf32, #tpu.memory_space<vmem>>, vector<16xf32>,
      %parallel_loop3A_694 = arith.mulf %parallel_loop3A_516, %parallel_loop3A_685 : vector<16xf32>
      %parallel_loop3A_695 = arith.subf %parallel_loop3A_694, %parallel_loop3A_686 : vector<16xf32>
      %parallel_loop3A_696 = arith.mulf %parallel_loop3A_695, %get3A_281 : vector<16xf32>
      %parallel_loop3A_697 = arith.addf %parallel_loop3A_696, %get3A_297 : vector<16xf32>
      %parallel_loop3A_698 = arith.index_cast %parallel_loop3A_486 : i32 to index
      %parallel_loop3A_699 = arith.constant 16 : index
      %parallel_loop3A_700 = tpu.vector_load %arg12[%parallel_loop3A_698, %parallel_loop3A_699] {strides = array<i32>} : memref<256x128xf32, #tpu.memory_space<vmem>>, vector<16xf32>,
      tpu.vector_store %arg12[%parallel_loop3A_698, %parallel_loop3A_699], %parallel_loop3A_697 {strides = array<i32>} : memref<256x128xf32, #tpu.memory_space<vmem>>, vector<16xf32>,
      %parallel_loop3A_701 = arith.mulf %parallel_loop3A_525, %parallel_loop3A_685 : vector<16xf32>
      %parallel_loop3A_702 = arith.subf %parallel_loop3A_701, %parallel_loop3A_686 : vector<16xf32>
      %parallel_loop3A_703 = arith.mulf %parallel_loop3A_702, %get3A_283 : vector<16xf32>
      %parallel_loop3A_704 = arith.addf %parallel_loop3A_703, %get3A_299 : vector<16xf32>
      %parallel_loop3A_705 = arith.index_cast %parallel_loop3A_486 : i32 to index
      %parallel_loop3A_706 = arith.constant 32 : index
      %parallel_loop3A_707 = tpu.vector_load %arg12[%parallel_loop3A_705, %parallel_loop3A_706] {strides = array<i32>} : memref<256x128xf32, #tpu.memory_space<vmem>>, vector<16xf32>,
      tpu.vector_store %arg12[%parallel_loop3A_705, %parallel_loop3A_706], %parallel_loop3A_704 {strides = array<i32>} : memref<256x128xf32, #tpu.memory_space<vmem>>, vector<16xf32>,
      %parallel_loop3A_708 = arith.mulf %parallel_loop3A_534, %parallel_loop3A_685 : vector<16xf32>
      %parallel_loop3A_709 = arith.subf %parallel_loop3A_708, %parallel_loop3A_686 : vector<16xf32>
      %parallel_loop3A_710 = arith.mulf %parallel_loop3A_709, %get3A_285 : vector<16xf32>
      %parallel_loop3A_711 = arith.addf %parallel_loop3A_710, %get3A_301 : vector<16xf32>
      %parallel_loop3A_712 = arith.index_cast %parallel_loop3A_486 : i32 to index
      %parallel_loop3A_713 = arith.constant 48 : index
      %parallel_loop3A_714 = tpu.vector_load %arg12[%parallel_loop3A_712, %parallel_loop3A_713] {strides = array<i32>} : memref<256x128xf32, #tpu.memory_space<vmem>>, vector<16xf32>,
      tpu.vector_store %arg12[%parallel_loop3A_712, %parallel_loop3A_713], %parallel_loop3A_711 {strides = array<i32>} : memref<256x128xf32, #tpu.memory_space<vmem>>, vector<16xf32>,
      %parallel_loop3A_715 = arith.mulf %parallel_loop3A_543, %parallel_loop3A_685 : vector<16xf32>
      %parallel_loop3A_716 = arith.subf %parallel_loop3A_715, %parallel_loop3A_686 : vector<16xf32>
      %parallel_loop3A_717 = arith.mulf %parallel_loop3A_716, %get3A_287 : vector<16xf32>
      %parallel_loop3A_718 = arith.addf %parallel_loop3A_717, %get3A_303 : vector<16xf32>
      %parallel_loop3A_719 = arith.index_cast %parallel_loop3A_486 : i32 to index
      %parallel_loop3A_720 = arith.constant 64 : index
      %parallel_loop3A_721 = tpu.vector_load %arg12[%parallel_loop3A_719, %parallel_loop3A_720] {strides = array<i32>} : memref<256x128xf32, #tpu.memory_space<vmem>>, vector<16xf32>,
      tpu.vector_store %arg12[%parallel_loop3A_719, %parallel_loop3A_720], %parallel_loop3A_718 {strides = array<i32>} : memref<256x128xf32, #tpu.memory_space<vmem>>, vector<16xf32>,
      %parallel_loop3A_722 = arith.mulf %parallel_loop3A_552, %parallel_loop3A_685 : vector<16xf32>
      %parallel_loop3A_723 = arith.subf %parallel_loop3A_722, %parallel_loop3A_686 : vector<16xf32>
      %parallel_loop3A_724 = arith.mulf %parallel_loop3A_723, %get3A_289 : vector<16xf32>
      %parallel_loop3A_725 = arith.addf %parallel_loop3A_724, %get3A_305 : vector<16xf32>
      %parallel_loop3A_726 = arith.index_cast %parallel_loop3A_486 : i32 to index
      %parallel_loop3A_727 = arith.constant 80 : index
      %parallel_loop3A_728 = tpu.vector_load %arg12[%parallel_loop3A_726, %parallel_loop3A_727] {strides = array<i32>} : memref<256x128xf32, #tpu.memory_space<vmem>>, vector<16xf32>,
      tpu.vector_store %arg12[%parallel_loop3A_726, %parallel_loop3A_727], %parallel_loop3A_725 {strides = array<i32>} : memref<256x128xf32, #tpu.memory_space<vmem>>, vector<16xf32>,
      %parallel_loop3A_729 = arith.mulf %parallel_loop3A_561, %parallel_loop3A_685 : vector<16xf32>
      %parallel_loop3A_730 = arith.subf %parallel_loop3A_729, %parallel_loop3A_686 : vector<16xf32>
      %parallel_loop3A_731 = arith.mulf %parallel_loop3A_730, %get3A_291 : vector<16xf32>
      %parallel_loop3A_732 = arith.addf %parallel_loop3A_731, %get3A_307 : vector<16xf32>
      %parallel_loop3A_733 = arith.index_cast %parallel_loop3A_486 : i32 to index
      %parallel_loop3A_734 = arith.constant 96 : index
      %parallel_loop3A_735 = tpu.vector_load %arg12[%parallel_loop3A_733, %parallel_loop3A_734] {strides = array<i32>} : memref<256x128xf32, #tpu.memory_space<vmem>>, vector<16xf32>,
      tpu.vector_store %arg12[%parallel_loop3A_733, %parallel_loop3A_734], %parallel_loop3A_732 {strides = array<i32>} : memref<256x128xf32, #tpu.memory_space<vmem>>, vector<16xf32>,
      %parallel_loop3A_736 = arith.mulf %parallel_loop3A_570, %parallel_loop3A_685 : vector<16xf32>
      %parallel_loop3A_737 = arith.subf %parallel_loop3A_736, %parallel_loop3A_686 : vector<16xf32>
      %parallel_loop3A_738 = arith.mulf %parallel_loop3A_737, %get3A_293 : vector<16xf32>
      %parallel_loop3A_739 = arith.addf %parallel_loop3A_738, %get3A_309 : vector<16xf32>
      %parallel_loop3A_740 = arith.index_cast %parallel_loop3A_486 : i32 to index
      %parallel_loop3A_741 = arith.constant 112 : index
      %parallel_loop3A_742 = tpu.vector_load %arg12[%parallel_loop3A_740, %parallel_loop3A_741] {strides = array<i32>} : memref<256x128xf32, #tpu.memory_space<vmem>>, vector<16xf32>,
      tpu.vector_store %arg12[%parallel_loop3A_740, %parallel_loop3A_741], %parallel_loop3A_739 {strides = array<i32>} : memref<256x128xf32, #tpu.memory_space<vmem>>, vector<16xf32>,
    } {sc.loop_unroll_factor = 4 : i64, sc.parallel_access}
    %add3A_313 = arith.constant 0 : i32
    %add3A_314 = arith.addi %rem3A_4, %add3A_313 : i32
    %dma_start3A_315 = arith.constant 0 : i32
    %dma_start3A_316 = arith.constant 0 : i32
    %dma_start3A_317 = tpu.memref_slice %arg12[%dma_start3A_315, %dma_start3A_316] : memref<256x128xf32, #tpu.memory_space<vmem>> -> memref<64x128xf32, #tpu.memory_space<vmem>>
    %dma_start3A_318 = arith.constant 0 : i32
    %dma_start3A_319 = tpu.memref_slice %arg9[%div3A_3, %add3A_314, %dma_start3A_318] : memref<4x2048x128xf32, #tpu.memory_space<hbm>> -> memref<1x64x128xf32, #tpu.memory_space<hbm>>
    %dma_start3A_320 = tpu.memref_squeeze %dma_start3A_319 : memref<1x64x128xf32, #tpu.memory_space<hbm>> -> memref<64x128xf32, #tpu.memory_space<hbm>>
    %dma_start3A_321 = arith.constant 0 : i32
    %dma_start3A_322 = tpu.memref_slice %arg9[%div3A_3, %add3A_314, %dma_start3A_321] : memref<4x2048x128xf32, #tpu.memory_space<hbm>> -> memref<1x64x128xf32, #tpu.memory_space<hbm>>
    %dma_start3A_323 = tpu.memref_squeeze %dma_start3A_322 : memref<1x64x128xf32, #tpu.memory_space<hbm>> -> memref<64x128xf32, #tpu.memory_space<hbm>>
    %dma_start3A_324 = arith.constant 0 : i32
    %dma_start3A_325 = arith.constant 0 : i32
    %dma_start3A_326 = tpu.memref_slice %arg12[%dma_start3A_324, %dma_start3A_325] : memref<256x128xf32, #tpu.memory_space<vmem>> -> memref<64x128xf32, #tpu.memory_space<vmem>>
    tpu.enqueue_dma source(%dma_start3A_326 : memref<64x128xf32, #tpu.memory_space<vmem>>) target(%dma_start3A_323 : memref<64x128xf32, #tpu.memory_space<hbm>>) target_semaphore(%arg19 : memref<!tpu.dma_semaphore, #tpu.memory_space<semaphore_mem>>)
    %dma_wait3A_327 = arith.constant 1 : i32
    %dma_wait3A_328 = arith.constant 64 : i32
    %dma_wait3A_329 = arith.constant 0 : i32
    %dma_wait3A_330 = tpu.memref_slice %arg12[%dma_wait3A_328, %dma_wait3A_329] : memref<256x128xf32, #tpu.memory_space<vmem>> -> memref<64x128xf32, #tpu.memory_space<vmem>>
    %dma_wait3A_331 = arith.constant 0 : i32
    %dma_wait3A_332 = tpu.memref_slice %arg10[%dma_wait3A_327, %dma_wait3A_331] : memref<4x64xi32, #tpu.memory_space<vmem>> -> memref<1x64xi32, #tpu.memory_space<vmem>>
    %dma_wait3A_333 = tpu.memref_squeeze %dma_wait3A_332 : memref<1x64xi32, #tpu.memory_space<vmem>> -> memref<64xi32, #tpu.memory_space<vmem>>
    %dma_wait3A_334 = arith.constant 0 : i32
    %dma_wait3A_335 = arith.constant 0 : i32
    %dma_wait3A_336 = tpu.memref_slice %arg4[%dma_wait3A_334, %dma_wait3A_335] : memref<100000x128xf32, #tpu.memory_space<hbm>> -> memref<100000x128xf32, #tpu.memory_space<hbm>>
    tpu.wait_indirect_dma semaphore(%arg18 : memref<!tpu.dma_semaphore, #tpu.memory_space<semaphore_mem>>) src(%dma_wait3A_336 : memref<100000x128xf32, #tpu.memory_space<hbm>>) dst(%dma_wait3A_330 : memref<64x128xf32, #tpu.memory_space<vmem>>)
    %dma_wait3A_337 = arith.constant 64 : i32
    %dma_wait3A_338 = arith.constant 0 : i32
    %dma_wait3A_339 = tpu.memref_slice %arg13[%dma_wait3A_337, %dma_wait3A_338] : memref<256x128xf32, #tpu.memory_space<vmem>> -> memref<64x128xf32, #tpu.memory_space<vmem>>
    %dma_wait3A_340 = arith.constant 0 : i32
    %dma_wait3A_341 = tpu.memref_slice %arg6[%add3A_136, %dma_wait3A_340] : memref<2048x128xf32, #tpu.memory_space<hbm>> -> memref<64x128xf32, #tpu.memory_space<hbm>>
    %dma_wait3A_342 = arith.constant 64 : i32
    %dma_wait3A_343 = arith.constant 0 : i32
    %dma_wait3A_344 = tpu.memref_slice %arg13[%dma_wait3A_342, %dma_wait3A_343] : memref<256x128xf32, #tpu.memory_space<vmem>> -> memref<64x128xf32, #tpu.memory_space<vmem>>
    %dma_wait3A_345 = arith.constant 0 : i32
    %dma_wait3A_346 = tpu.memref_slice %arg6[%add3A_136, %dma_wait3A_345] : memref<2048x128xf32, #tpu.memory_space<hbm>> -> memref<64x128xf32, #tpu.memory_space<hbm>>
    tpu.wait_dma2 semaphore(%arg18 : memref<!tpu.dma_semaphore, #tpu.memory_space<semaphore_mem>>) src(%dma_wait3A_346 : memref<64x128xf32, #tpu.memory_space<hbm>>) dst(%dma_wait3A_344 : memref<64x128xf32, #tpu.memory_space<vmem>>)
    %parallel_loop3A_347 = arith.constant 64 : i32
    %parallel_loop3A_348 = arith.constant 128 : i32
    %parallel_loop3A_349 = arith.constant 1 : i32
    scf.for %parallel_loop3A_486 = %parallel_loop3A_347 to %parallel_loop3A_348 step %parallel_loop3A_349  : i32 {
      %parallel_loop3A_487 = arith.constant -16 : i32
      %parallel_loop3A_488 = arith.andi %parallel_loop3A_486, %parallel_loop3A_487 : i32
      %parallel_loop3A_489 = arith.index_cast %parallel_loop3A_488 : i32 to index
      %parallel_loop3A_490 = tpu.vector_load %arg11[%parallel_loop3A_489] {strides = array<i32>} : memref<256xi32, #tpu.memory_space<vmem>>, vector<16xi32>,
      %parallel_loop3A_491 = arith.sitofp %parallel_loop3A_490 : vector<16xi32> to vector<16xf32>
      %parallel_loop3A_492 = arith.constant 15 : i32
      %parallel_loop3A_493 = arith.andi %parallel_loop3A_486, %parallel_loop3A_492 : i32
      %parallel_loop3A_494 = vector.broadcast %parallel_loop3A_493 : i32 to vector<16xi32>
      %parallel_loop3A_495 = vector.shape_cast %parallel_loop3A_494 : vector<16xi32> to vector<16x1xi32>
      %parallel_loop3A_496 = vector.shape_cast %parallel_loop3A_495 : vector<16x1xi32> to vector<16xi32>
      %parallel_loop3A_497 = tpu.dynamic_gather %parallel_loop3A_491[%parallel_loop3A_496] in [0] : vector<16xf32>, vector<16xi32> -> vector<16xf32>
      %parallel_loop3A_498 = arith.cmpf ogt, %parallel_loop3A_497, %broadcast_in_dim3A_310 : vector<16xf32>
      %parallel_loop3A_499 = arith.index_cast %parallel_loop3A_486 : i32 to index
      %parallel_loop3A_500 = arith.constant 0 : index
      %parallel_loop3A_501 = tpu.vector_load %arg12[%parallel_loop3A_499, %parallel_loop3A_500] {strides = array<i32>} : memref<256x128xf32, #tpu.memory_space<vmem>>, vector<16xf32>,
      %parallel_loop3A_502 = arith.index_cast %parallel_loop3A_486 : i32 to index
      %parallel_loop3A_503 = arith.constant 0 : index
      %parallel_loop3A_504 = tpu.vector_load %arg13[%parallel_loop3A_502, %parallel_loop3A_503] {strides = array<i32>} : memref<256x128xf32, #tpu.memory_space<vmem>>, vector<16xf32>,
      %parallel_loop3A_505 = arith.addf %parallel_loop3A_501, %parallel_loop3A_504 : vector<16xf32>
      %parallel_loop3A_506 = arith.select %parallel_loop3A_498, %get3A_249, %get3A_217 : vector<16xi1>, vector<16xf32>
      %parallel_loop3A_507 = arith.addf %parallel_loop3A_505, %parallel_loop3A_506 : vector<16xf32>
      %parallel_loop3A_508 = arith.index_cast %parallel_loop3A_486 : i32 to index
      %parallel_loop3A_509 = arith.constant 16 : index
      %parallel_loop3A_510 = tpu.vector_load %arg12[%parallel_loop3A_508, %parallel_loop3A_509] {strides = array<i32>} : memref<256x128xf32, #tpu.memory_space<vmem>>, vector<16xf32>,
      %parallel_loop3A_511 = arith.index_cast %parallel_loop3A_486 : i32 to index
      %parallel_loop3A_512 = arith.constant 16 : index
      %parallel_loop3A_513 = tpu.vector_load %arg13[%parallel_loop3A_511, %parallel_loop3A_512] {strides = array<i32>} : memref<256x128xf32, #tpu.memory_space<vmem>>, vector<16xf32>,
      %parallel_loop3A_514 = arith.addf %parallel_loop3A_510, %parallel_loop3A_513 : vector<16xf32>
      %parallel_loop3A_515 = arith.select %parallel_loop3A_498, %get3A_253, %get3A_221 : vector<16xi1>, vector<16xf32>
      %parallel_loop3A_516 = arith.addf %parallel_loop3A_514, %parallel_loop3A_515 : vector<16xf32>
      %parallel_loop3A_517 = arith.index_cast %parallel_loop3A_486 : i32 to index
      %parallel_loop3A_518 = arith.constant 32 : index
      %parallel_loop3A_519 = tpu.vector_load %arg12[%parallel_loop3A_517, %parallel_loop3A_518] {strides = array<i32>} : memref<256x128xf32, #tpu.memory_space<vmem>>, vector<16xf32>,
      %parallel_loop3A_520 = arith.index_cast %parallel_loop3A_486 : i32 to index
      %parallel_loop3A_521 = arith.constant 32 : index
      %parallel_loop3A_522 = tpu.vector_load %arg13[%parallel_loop3A_520, %parallel_loop3A_521] {strides = array<i32>} : memref<256x128xf32, #tpu.memory_space<vmem>>, vector<16xf32>,
      %parallel_loop3A_523 = arith.addf %parallel_loop3A_519, %parallel_loop3A_522 : vector<16xf32>
      %parallel_loop3A_524 = arith.select %parallel_loop3A_498, %get3A_257, %get3A_225 : vector<16xi1>, vector<16xf32>
      %parallel_loop3A_525 = arith.addf %parallel_loop3A_523, %parallel_loop3A_524 : vector<16xf32>
      %parallel_loop3A_526 = arith.index_cast %parallel_loop3A_486 : i32 to index
      %parallel_loop3A_527 = arith.constant 48 : index
      %parallel_loop3A_528 = tpu.vector_load %arg12[%parallel_loop3A_526, %parallel_loop3A_527] {strides = array<i32>} : memref<256x128xf32, #tpu.memory_space<vmem>>, vector<16xf32>,
      %parallel_loop3A_529 = arith.index_cast %parallel_loop3A_486 : i32 to index
      %parallel_loop3A_530 = arith.constant 48 : index
      %parallel_loop3A_531 = tpu.vector_load %arg13[%parallel_loop3A_529, %parallel_loop3A_530] {strides = array<i32>} : memref<256x128xf32, #tpu.memory_space<vmem>>, vector<16xf32>,
      %parallel_loop3A_532 = arith.addf %parallel_loop3A_528, %parallel_loop3A_531 : vector<16xf32>
      %parallel_loop3A_533 = arith.select %parallel_loop3A_498, %get3A_261, %get3A_229 : vector<16xi1>, vector<16xf32>
      %parallel_loop3A_534 = arith.addf %parallel_loop3A_532, %parallel_loop3A_533 : vector<16xf32>
      %parallel_loop3A_535 = arith.index_cast %parallel_loop3A_486 : i32 to index
      %parallel_loop3A_536 = arith.constant 64 : index
      %parallel_loop3A_537 = tpu.vector_load %arg12[%parallel_loop3A_535, %parallel_loop3A_536] {strides = array<i32>} : memref<256x128xf32, #tpu.memory_space<vmem>>, vector<16xf32>,
      %parallel_loop3A_538 = arith.index_cast %parallel_loop3A_486 : i32 to index
      %parallel_loop3A_539 = arith.constant 64 : index
      %parallel_loop3A_540 = tpu.vector_load %arg13[%parallel_loop3A_538, %parallel_loop3A_539] {strides = array<i32>} : memref<256x128xf32, #tpu.memory_space<vmem>>, vector<16xf32>,
      %parallel_loop3A_541 = arith.addf %parallel_loop3A_537, %parallel_loop3A_540 : vector<16xf32>
      %parallel_loop3A_542 = arith.select %parallel_loop3A_498, %get3A_265, %get3A_233 : vector<16xi1>, vector<16xf32>
      %parallel_loop3A_543 = arith.addf %parallel_loop3A_541, %parallel_loop3A_542 : vector<16xf32>
      %parallel_loop3A_544 = arith.index_cast %parallel_loop3A_486 : i32 to index
      %parallel_loop3A_545 = arith.constant 80 : index
      %parallel_loop3A_546 = tpu.vector_load %arg12[%parallel_loop3A_544, %parallel_loop3A_545] {strides = array<i32>} : memref<256x128xf32, #tpu.memory_space<vmem>>, vector<16xf32>,
      %parallel_loop3A_547 = arith.index_cast %parallel_loop3A_486 : i32 to index
      %parallel_loop3A_548 = arith.constant 80 : index
      %parallel_loop3A_549 = tpu.vector_load %arg13[%parallel_loop3A_547, %parallel_loop3A_548] {strides = array<i32>} : memref<256x128xf32, #tpu.memory_space<vmem>>, vector<16xf32>,
      %parallel_loop3A_550 = arith.addf %parallel_loop3A_546, %parallel_loop3A_549 : vector<16xf32>
      %parallel_loop3A_551 = arith.select %parallel_loop3A_498, %get3A_269, %get3A_237 : vector<16xi1>, vector<16xf32>
      %parallel_loop3A_552 = arith.addf %parallel_loop3A_550, %parallel_loop3A_551 : vector<16xf32>
      %parallel_loop3A_553 = arith.index_cast %parallel_loop3A_486 : i32 to index
      %parallel_loop3A_554 = arith.constant 96 : index
      %parallel_loop3A_555 = tpu.vector_load %arg12[%parallel_loop3A_553, %parallel_loop3A_554] {strides = array<i32>} : memref<256x128xf32, #tpu.memory_space<vmem>>, vector<16xf32>,
      %parallel_loop3A_556 = arith.index_cast %parallel_loop3A_486 : i32 to index
      %parallel_loop3A_557 = arith.constant 96 : index
      %parallel_loop3A_558 = tpu.vector_load %arg13[%parallel_loop3A_556, %parallel_loop3A_557] {strides = array<i32>} : memref<256x128xf32, #tpu.memory_space<vmem>>, vector<16xf32>,
      %parallel_loop3A_559 = arith.addf %parallel_loop3A_555, %parallel_loop3A_558 : vector<16xf32>
      %parallel_loop3A_560 = arith.select %parallel_loop3A_498, %get3A_273, %get3A_241 : vector<16xi1>, vector<16xf32>
      %parallel_loop3A_561 = arith.addf %parallel_loop3A_559, %parallel_loop3A_560 : vector<16xf32>
      %parallel_loop3A_562 = arith.index_cast %parallel_loop3A_486 : i32 to index
      %parallel_loop3A_563 = arith.constant 112 : index
      %parallel_loop3A_564 = tpu.vector_load %arg12[%parallel_loop3A_562, %parallel_loop3A_563] {strides = array<i32>} : memref<256x128xf32, #tpu.memory_space<vmem>>, vector<16xf32>,
      %parallel_loop3A_565 = arith.index_cast %parallel_loop3A_486 : i32 to index
      %parallel_loop3A_566 = arith.constant 112 : index
      %parallel_loop3A_567 = tpu.vector_load %arg13[%parallel_loop3A_565, %parallel_loop3A_566] {strides = array<i32>} : memref<256x128xf32, #tpu.memory_space<vmem>>, vector<16xf32>,
      %parallel_loop3A_568 = arith.addf %parallel_loop3A_564, %parallel_loop3A_567 : vector<16xf32>
      %parallel_loop3A_569 = arith.select %parallel_loop3A_498, %get3A_277, %get3A_245 : vector<16xi1>, vector<16xf32>
      %parallel_loop3A_570 = arith.addf %parallel_loop3A_568, %parallel_loop3A_569 : vector<16xf32>
      %parallel_loop3A_571 = arith.mulf %parallel_loop3A_507, %parallel_loop3A_507 : vector<16xf32>
      %parallel_loop3A_572 = arith.addf %parallel_loop3A_507, %parallel_loop3A_516 : vector<16xf32>
      %parallel_loop3A_573 = arith.mulf %parallel_loop3A_516, %parallel_loop3A_516 : vector<16xf32>
      %parallel_loop3A_574 = arith.addf %parallel_loop3A_571, %parallel_loop3A_573 : vector<16xf32>
      %parallel_loop3A_575 = arith.addf %parallel_loop3A_572, %parallel_loop3A_525 : vector<16xf32>
      %parallel_loop3A_576 = arith.mulf %parallel_loop3A_525, %parallel_loop3A_525 : vector<16xf32>
      %parallel_loop3A_577 = arith.addf %parallel_loop3A_574, %parallel_loop3A_576 : vector<16xf32>
      %parallel_loop3A_578 = arith.addf %parallel_loop3A_575, %parallel_loop3A_534 : vector<16xf32>
      %parallel_loop3A_579 = arith.mulf %parallel_loop3A_534, %parallel_loop3A_534 : vector<16xf32>
      %parallel_loop3A_580 = arith.addf %parallel_loop3A_577, %parallel_loop3A_579 : vector<16xf32>
      %parallel_loop3A_581 = arith.addf %parallel_loop3A_578, %parallel_loop3A_543 : vector<16xf32>
      %parallel_loop3A_582 = arith.mulf %parallel_loop3A_543, %parallel_loop3A_543 : vector<16xf32>
      %parallel_loop3A_583 = arith.addf %parallel_loop3A_580, %parallel_loop3A_582 : vector<16xf32>
      %parallel_loop3A_584 = arith.addf %parallel_loop3A_581, %parallel_loop3A_552 : vector<16xf32>
      %parallel_loop3A_585 = arith.mulf %parallel_loop3A_552, %parallel_loop3A_552 : vector<16xf32>
      %parallel_loop3A_586 = arith.addf %parallel_loop3A_583, %parallel_loop3A_585 : vector<16xf32>
      %parallel_loop3A_587 = arith.addf %parallel_loop3A_584, %parallel_loop3A_561 : vector<16xf32>
      %parallel_loop3A_588 = arith.mulf %parallel_loop3A_561, %parallel_loop3A_561 : vector<16xf32>
      %parallel_loop3A_589 = arith.addf %parallel_loop3A_586, %parallel_loop3A_588 : vector<16xf32>
      %parallel_loop3A_590 = arith.addf %parallel_loop3A_587, %parallel_loop3A_570 : vector<16xf32>
      %parallel_loop3A_591 = arith.mulf %parallel_loop3A_570, %parallel_loop3A_570 : vector<16xf32>
      %parallel_loop3A_592 = arith.addf %parallel_loop3A_589, %parallel_loop3A_591 : vector<16xf32>
      %parallel_loop3A_593 = arith.constant 8 : i32
      %parallel_loop3A_594 = vector.broadcast %parallel_loop3A_593 : i32 to vector<16xi32>
      %parallel_loop3A_595 = arith.xori %iota3A, %parallel_loop3A_594 : vector<16xi32>
      %parallel_loop3A_596 = vector.shape_cast %parallel_loop3A_595 : vector<16xi32> to vector<16x1xi32>
      %parallel_loop3A_597 = vector.shape_cast %parallel_loop3A_596 : vector<16x1xi32> to vector<16xi32>
      %parallel_loop3A_598 = tpu.dynamic_gather %parallel_loop3A_590[%parallel_loop3A_597] in [0] : vector<16xf32>, vector<16xi32> -> vector<16xf32>
      %parallel_loop3A_599 = arith.addf %parallel_loop3A_590, %parallel_loop3A_598 : vector<16xf32>
      %parallel_loop3A_600 = arith.constant 4 : i32
      %parallel_loop3A_601 = vector.broadcast %parallel_loop3A_600 : i32 to vector<16xi32>
      %parallel_loop3A_602 = arith.xori %iota3A, %parallel_loop3A_601 : vector<16xi32>
      %parallel_loop3A_603 = vector.shape_cast %parallel_loop3A_602 : vector<16xi32> to vector<16x1xi32>
      %parallel_loop3A_604 = vector.shape_cast %parallel_loop3A_603 : vector<16x1xi32> to vector<16xi32>
      %parallel_loop3A_605 = tpu.dynamic_gather %parallel_loop3A_599[%parallel_loop3A_604] in [0] : vector<16xf32>, vector<16xi32> -> vector<16xf32>
      %parallel_loop3A_606 = arith.addf %parallel_loop3A_599, %parallel_loop3A_605 : vector<16xf32>
      %parallel_loop3A_607 = arith.constant 2 : i32
      %parallel_loop3A_608 = vector.broadcast %parallel_loop3A_607 : i32 to vector<16xi32>
      %parallel_loop3A_609 = arith.xori %iota3A, %parallel_loop3A_608 : vector<16xi32>
      %parallel_loop3A_610 = vector.shape_cast %parallel_loop3A_609 : vector<16xi32> to vector<16x1xi32>
      %parallel_loop3A_611 = vector.shape_cast %parallel_loop3A_610 : vector<16x1xi32> to vector<16xi32>
      %parallel_loop3A_612 = tpu.dynamic_gather %parallel_loop3A_606[%parallel_loop3A_611] in [0] : vector<16xf32>, vector<16xi32> -> vector<16xf32>
      %parallel_loop3A_613 = arith.addf %parallel_loop3A_606, %parallel_loop3A_612 : vector<16xf32>
      %parallel_loop3A_614 = arith.constant 1 : i32
      %parallel_loop3A_615 = vector.broadcast %parallel_loop3A_614 : i32 to vector<16xi32>
      %parallel_loop3A_616 = arith.xori %iota3A, %parallel_loop3A_615 : vector<16xi32>
      %parallel_loop3A_617 = vector.shape_cast %parallel_loop3A_616 : vector<16xi32> to vector<16x1xi32>
      %parallel_loop3A_618 = vector.shape_cast %parallel_loop3A_617 : vector<16x1xi32> to vector<16xi32>
      %parallel_loop3A_619 = tpu.dynamic_gather %parallel_loop3A_613[%parallel_loop3A_618] in [0] : vector<16xf32>, vector<16xi32> -> vector<16xf32>
      %parallel_loop3A_620 = arith.addf %parallel_loop3A_613, %parallel_loop3A_619 : vector<16xf32>
      %parallel_loop3A_621 = arith.constant 8 : i32
      %parallel_loop3A_622 = vector.broadcast %parallel_loop3A_621 : i32 to vector<16xi32>
      %parallel_loop3A_623 = arith.xori %iota3A, %parallel_loop3A_622 : vector<16xi32>
      %parallel_loop3A_624 = vector.shape_cast %parallel_loop3A_623 : vector<16xi32> to vector<16x1xi32>
      %parallel_loop3A_625 = vector.shape_cast %parallel_loop3A_624 : vector<16x1xi32> to vector<16xi32>
      %parallel_loop3A_626 = tpu.dynamic_gather %parallel_loop3A_592[%parallel_loop3A_625] in [0] : vector<16xf32>, vector<16xi32> -> vector<16xf32>
      %parallel_loop3A_627 = arith.addf %parallel_loop3A_592, %parallel_loop3A_626 : vector<16xf32>
      %parallel_loop3A_628 = arith.constant 4 : i32
      %parallel_loop3A_629 = vector.broadcast %parallel_loop3A_628 : i32 to vector<16xi32>
      %parallel_loop3A_630 = arith.xori %iota3A, %parallel_loop3A_629 : vector<16xi32>
      %parallel_loop3A_631 = vector.shape_cast %parallel_loop3A_630 : vector<16xi32> to vector<16x1xi32>
      %parallel_loop3A_632 = vector.shape_cast %parallel_loop3A_631 : vector<16x1xi32> to vector<16xi32>
      %parallel_loop3A_633 = tpu.dynamic_gather %parallel_loop3A_627[%parallel_loop3A_632] in [0] : vector<16xf32>, vector<16xi32> -> vector<16xf32>
      %parallel_loop3A_634 = arith.addf %parallel_loop3A_627, %parallel_loop3A_633 : vector<16xf32>
      %parallel_loop3A_635 = arith.constant 2 : i32
      %parallel_loop3A_636 = vector.broadcast %parallel_loop3A_635 : i32 to vector<16xi32>
      %parallel_loop3A_637 = arith.xori %iota3A, %parallel_loop3A_636 : vector<16xi32>
      %parallel_loop3A_638 = vector.shape_cast %parallel_loop3A_637 : vector<16xi32> to vector<16x1xi32>
      %parallel_loop3A_639 = vector.shape_cast %parallel_loop3A_638 : vector<16x1xi32> to vector<16xi32>
      %parallel_loop3A_640 = tpu.dynamic_gather %parallel_loop3A_634[%parallel_loop3A_639] in [0] : vector<16xf32>, vector<16xi32> -> vector<16xf32>
      %parallel_loop3A_641 = arith.addf %parallel_loop3A_634, %parallel_loop3A_640 : vector<16xf32>
      %parallel_loop3A_642 = arith.constant 1 : i32
      %parallel_loop3A_643 = vector.broadcast %parallel_loop3A_642 : i32 to vector<16xi32>
      %parallel_loop3A_644 = arith.xori %iota3A, %parallel_loop3A_643 : vector<16xi32>
      %parallel_loop3A_645 = vector.shape_cast %parallel_loop3A_644 : vector<16xi32> to vector<16x1xi32>
      %parallel_loop3A_646 = vector.shape_cast %parallel_loop3A_645 : vector<16x1xi32> to vector<16xi32>
      %parallel_loop3A_647 = tpu.dynamic_gather %parallel_loop3A_641[%parallel_loop3A_646] in [0] : vector<16xf32>, vector<16xi32> -> vector<16xf32>
      %parallel_loop3A_648 = arith.addf %parallel_loop3A_641, %parallel_loop3A_647 : vector<16xf32>
      %parallel_loop3A_649 = arith.constant 7.812500e-03 : f32
      %parallel_loop3A_650 = vector.broadcast %parallel_loop3A_649 : f32 to vector<16xf32>
      %parallel_loop3A_651 = arith.mulf %parallel_loop3A_620, %parallel_loop3A_650 : vector<16xf32>
      %parallel_loop3A_652 = arith.constant 7.812500e-03 : f32
      %parallel_loop3A_653 = vector.broadcast %parallel_loop3A_652 : f32 to vector<16xf32>
      %parallel_loop3A_654 = arith.mulf %parallel_loop3A_648, %parallel_loop3A_653 : vector<16xf32>
      %parallel_loop3A_655 = arith.mulf %parallel_loop3A_651, %parallel_loop3A_651 : vector<16xf32>
      %parallel_loop3A_656 = arith.subf %parallel_loop3A_654, %parallel_loop3A_655 : vector<16xf32>
      %parallel_loop3A_657 = arith.constant 0.000000e+00 : f32
      %parallel_loop3A_658 = vector.broadcast %parallel_loop3A_657 : f32 to vector<16xf32>
      %parallel_loop3A_659 = arith.maximumf %parallel_loop3A_656, %parallel_loop3A_658 : vector<16xf32>
      %parallel_loop3A_660 = arith.constant 9.99999996E-13 : f32
      %parallel_loop3A_661 = vector.broadcast %parallel_loop3A_660 : f32 to vector<16xf32>
      %parallel_loop3A_662 = arith.addf %parallel_loop3A_659, %parallel_loop3A_661 : vector<16xf32>
      %parallel_loop3A_663 = tpu.bitcast %parallel_loop3A_662 : vector<16xf32> -> vector<16xi32>
      %parallel_loop3A_664 = arith.constant 1 : i32
      %parallel_loop3A_665 = vector.broadcast %parallel_loop3A_664 : i32 to vector<16xi32>
      %parallel_loop3A_666 = arith.shrui %parallel_loop3A_663, %parallel_loop3A_665 : vector<16xi32>
      %parallel_loop3A_667 = arith.constant 1597463007 : i32
      %parallel_loop3A_668 = vector.broadcast %parallel_loop3A_667 : i32 to vector<16xi32>
      %parallel_loop3A_669 = arith.subi %parallel_loop3A_668, %parallel_loop3A_666 : vector<16xi32>
      %parallel_loop3A_670 = tpu.bitcast %parallel_loop3A_669 : vector<16xi32> -> vector<16xf32>
      %parallel_loop3A_671 = arith.constant 5.000000e-01 : f32
      %parallel_loop3A_672 = vector.broadcast %parallel_loop3A_671 : f32 to vector<16xf32>
      %parallel_loop3A_673 = arith.mulf %parallel_loop3A_672, %parallel_loop3A_662 : vector<16xf32>
      %parallel_loop3A_674 = arith.mulf %parallel_loop3A_673, %parallel_loop3A_670 : vector<16xf32>
      %parallel_loop3A_675 = arith.mulf %parallel_loop3A_674, %parallel_loop3A_670 : vector<16xf32>
      %parallel_loop3A_676 = arith.constant 1.500000e+00 : f32
      %parallel_loop3A_677 = vector.broadcast %parallel_loop3A_676 : f32 to vector<16xf32>
      %parallel_loop3A_678 = arith.subf %parallel_loop3A_677, %parallel_loop3A_675 : vector<16xf32>
      %parallel_loop3A_679 = arith.mulf %parallel_loop3A_670, %parallel_loop3A_678 : vector<16xf32>
      %parallel_loop3A_680 = arith.mulf %parallel_loop3A_673, %parallel_loop3A_679 : vector<16xf32>
      %parallel_loop3A_681 = arith.mulf %parallel_loop3A_680, %parallel_loop3A_679 : vector<16xf32>
      %parallel_loop3A_682 = arith.constant 1.500000e+00 : f32
      %parallel_loop3A_683 = vector.broadcast %parallel_loop3A_682 : f32 to vector<16xf32>
      %parallel_loop3A_684 = arith.subf %parallel_loop3A_683, %parallel_loop3A_681 : vector<16xf32>
      %parallel_loop3A_685 = arith.mulf %parallel_loop3A_679, %parallel_loop3A_684 : vector<16xf32>
      %parallel_loop3A_686 = arith.mulf %parallel_loop3A_651, %parallel_loop3A_685 : vector<16xf32>
      %parallel_loop3A_687 = arith.mulf %parallel_loop3A_507, %parallel_loop3A_685 : vector<16xf32>
      %parallel_loop3A_688 = arith.subf %parallel_loop3A_687, %parallel_loop3A_686 : vector<16xf32>
      %parallel_loop3A_689 = arith.mulf %parallel_loop3A_688, %get3A_279 : vector<16xf32>
      %parallel_loop3A_690 = arith.addf %parallel_loop3A_689, %get3A_295 : vector<16xf32>
      %parallel_loop3A_691 = arith.index_cast %parallel_loop3A_486 : i32 to index
      %parallel_loop3A_692 = arith.constant 0 : index
      %parallel_loop3A_693 = tpu.vector_load %arg12[%parallel_loop3A_691, %parallel_loop3A_692] {strides = array<i32>} : memref<256x128xf32, #tpu.memory_space<vmem>>, vector<16xf32>,
      tpu.vector_store %arg12[%parallel_loop3A_691, %parallel_loop3A_692], %parallel_loop3A_690 {strides = array<i32>} : memref<256x128xf32, #tpu.memory_space<vmem>>, vector<16xf32>,
      %parallel_loop3A_694 = arith.mulf %parallel_loop3A_516, %parallel_loop3A_685 : vector<16xf32>
      %parallel_loop3A_695 = arith.subf %parallel_loop3A_694, %parallel_loop3A_686 : vector<16xf32>
      %parallel_loop3A_696 = arith.mulf %parallel_loop3A_695, %get3A_281 : vector<16xf32>
      %parallel_loop3A_697 = arith.addf %parallel_loop3A_696, %get3A_297 : vector<16xf32>
      %parallel_loop3A_698 = arith.index_cast %parallel_loop3A_486 : i32 to index
      %parallel_loop3A_699 = arith.constant 16 : index
      %parallel_loop3A_700 = tpu.vector_load %arg12[%parallel_loop3A_698, %parallel_loop3A_699] {strides = array<i32>} : memref<256x128xf32, #tpu.memory_space<vmem>>, vector<16xf32>,
      tpu.vector_store %arg12[%parallel_loop3A_698, %parallel_loop3A_699], %parallel_loop3A_697 {strides = array<i32>} : memref<256x128xf32, #tpu.memory_space<vmem>>, vector<16xf32>,
      %parallel_loop3A_701 = arith.mulf %parallel_loop3A_525, %parallel_loop3A_685 : vector<16xf32>
      %parallel_loop3A_702 = arith.subf %parallel_loop3A_701, %parallel_loop3A_686 : vector<16xf32>
      %parallel_loop3A_703 = arith.mulf %parallel_loop3A_702, %get3A_283 : vector<16xf32>
      %parallel_loop3A_704 = arith.addf %parallel_loop3A_703, %get3A_299 : vector<16xf32>
      %parallel_loop3A_705 = arith.index_cast %parallel_loop3A_486 : i32 to index
      %parallel_loop3A_706 = arith.constant 32 : index
      %parallel_loop3A_707 = tpu.vector_load %arg12[%parallel_loop3A_705, %parallel_loop3A_706] {strides = array<i32>} : memref<256x128xf32, #tpu.memory_space<vmem>>, vector<16xf32>,
      tpu.vector_store %arg12[%parallel_loop3A_705, %parallel_loop3A_706], %parallel_loop3A_704 {strides = array<i32>} : memref<256x128xf32, #tpu.memory_space<vmem>>, vector<16xf32>,
      %parallel_loop3A_708 = arith.mulf %parallel_loop3A_534, %parallel_loop3A_685 : vector<16xf32>
      %parallel_loop3A_709 = arith.subf %parallel_loop3A_708, %parallel_loop3A_686 : vector<16xf32>
      %parallel_loop3A_710 = arith.mulf %parallel_loop3A_709, %get3A_285 : vector<16xf32>
      %parallel_loop3A_711 = arith.addf %parallel_loop3A_710, %get3A_301 : vector<16xf32>
      %parallel_loop3A_712 = arith.index_cast %parallel_loop3A_486 : i32 to index
      %parallel_loop3A_713 = arith.constant 48 : index
      %parallel_loop3A_714 = tpu.vector_load %arg12[%parallel_loop3A_712, %parallel_loop3A_713] {strides = array<i32>} : memref<256x128xf32, #tpu.memory_space<vmem>>, vector<16xf32>,
      tpu.vector_store %arg12[%parallel_loop3A_712, %parallel_loop3A_713], %parallel_loop3A_711 {strides = array<i32>} : memref<256x128xf32, #tpu.memory_space<vmem>>, vector<16xf32>,
      %parallel_loop3A_715 = arith.mulf %parallel_loop3A_543, %parallel_loop3A_685 : vector<16xf32>
      %parallel_loop3A_716 = arith.subf %parallel_loop3A_715, %parallel_loop3A_686 : vector<16xf32>
      %parallel_loop3A_717 = arith.mulf %parallel_loop3A_716, %get3A_287 : vector<16xf32>
      %parallel_loop3A_718 = arith.addf %parallel_loop3A_717, %get3A_303 : vector<16xf32>
      %parallel_loop3A_719 = arith.index_cast %parallel_loop3A_486 : i32 to index
      %parallel_loop3A_720 = arith.constant 64 : index
      %parallel_loop3A_721 = tpu.vector_load %arg12[%parallel_loop3A_719, %parallel_loop3A_720] {strides = array<i32>} : memref<256x128xf32, #tpu.memory_space<vmem>>, vector<16xf32>,
      tpu.vector_store %arg12[%parallel_loop3A_719, %parallel_loop3A_720], %parallel_loop3A_718 {strides = array<i32>} : memref<256x128xf32, #tpu.memory_space<vmem>>, vector<16xf32>,
      %parallel_loop3A_722 = arith.mulf %parallel_loop3A_552, %parallel_loop3A_685 : vector<16xf32>
      %parallel_loop3A_723 = arith.subf %parallel_loop3A_722, %parallel_loop3A_686 : vector<16xf32>
      %parallel_loop3A_724 = arith.mulf %parallel_loop3A_723, %get3A_289 : vector<16xf32>
      %parallel_loop3A_725 = arith.addf %parallel_loop3A_724, %get3A_305 : vector<16xf32>
      %parallel_loop3A_726 = arith.index_cast %parallel_loop3A_486 : i32 to index
      %parallel_loop3A_727 = arith.constant 80 : index
      %parallel_loop3A_728 = tpu.vector_load %arg12[%parallel_loop3A_726, %parallel_loop3A_727] {strides = array<i32>} : memref<256x128xf32, #tpu.memory_space<vmem>>, vector<16xf32>,
      tpu.vector_store %arg12[%parallel_loop3A_726, %parallel_loop3A_727], %parallel_loop3A_725 {strides = array<i32>} : memref<256x128xf32, #tpu.memory_space<vmem>>, vector<16xf32>,
      %parallel_loop3A_729 = arith.mulf %parallel_loop3A_561, %parallel_loop3A_685 : vector<16xf32>
      %parallel_loop3A_730 = arith.subf %parallel_loop3A_729, %parallel_loop3A_686 : vector<16xf32>
      %parallel_loop3A_731 = arith.mulf %parallel_loop3A_730, %get3A_291 : vector<16xf32>
      %parallel_loop3A_732 = arith.addf %parallel_loop3A_731, %get3A_307 : vector<16xf32>
      %parallel_loop3A_733 = arith.index_cast %parallel_loop3A_486 : i32 to index
      %parallel_loop3A_734 = arith.constant 96 : index
      %parallel_loop3A_735 = tpu.vector_load %arg12[%parallel_loop3A_733, %parallel_loop3A_734] {strides = array<i32>} : memref<256x128xf32, #tpu.memory_space<vmem>>, vector<16xf32>,
      tpu.vector_store %arg12[%parallel_loop3A_733, %parallel_loop3A_734], %parallel_loop3A_732 {strides = array<i32>} : memref<256x128xf32, #tpu.memory_space<vmem>>, vector<16xf32>,
      %parallel_loop3A_736 = arith.mulf %parallel_loop3A_570, %parallel_loop3A_685 : vector<16xf32>
      %parallel_loop3A_737 = arith.subf %parallel_loop3A_736, %parallel_loop3A_686 : vector<16xf32>
      %parallel_loop3A_738 = arith.mulf %parallel_loop3A_737, %get3A_293 : vector<16xf32>
      %parallel_loop3A_739 = arith.addf %parallel_loop3A_738, %get3A_309 : vector<16xf32>
      %parallel_loop3A_740 = arith.index_cast %parallel_loop3A_486 : i32 to index
      %parallel_loop3A_741 = arith.constant 112 : index
      %parallel_loop3A_742 = tpu.vector_load %arg12[%parallel_loop3A_740, %parallel_loop3A_741] {strides = array<i32>} : memref<256x128xf32, #tpu.memory_space<vmem>>, vector<16xf32>,
      tpu.vector_store %arg12[%parallel_loop3A_740, %parallel_loop3A_741], %parallel_loop3A_739 {strides = array<i32>} : memref<256x128xf32, #tpu.memory_space<vmem>>, vector<16xf32>,
    } {sc.loop_unroll_factor = 4 : i64, sc.parallel_access}
    %add3A_350 = arith.constant 64 : i32
    %add3A_351 = arith.addi %rem3A_4, %add3A_350 : i32
    %dma_start3A_352 = arith.constant 64 : i32
    %dma_start3A_353 = arith.constant 0 : i32
    %dma_start3A_354 = tpu.memref_slice %arg12[%dma_start3A_352, %dma_start3A_353] : memref<256x128xf32, #tpu.memory_space<vmem>> -> memref<64x128xf32, #tpu.memory_space<vmem>>
    %dma_start3A_355 = arith.constant 0 : i32
    %dma_start3A_356 = tpu.memref_slice %arg9[%div3A_3, %add3A_351, %dma_start3A_355] : memref<4x2048x128xf32, #tpu.memory_space<hbm>> -> memref<1x64x128xf32, #tpu.memory_space<hbm>>
    %dma_start3A_357 = tpu.memref_squeeze %dma_start3A_356 : memref<1x64x128xf32, #tpu.memory_space<hbm>> -> memref<64x128xf32, #tpu.memory_space<hbm>>
    %dma_start3A_358 = arith.constant 0 : i32
    %dma_start3A_359 = tpu.memref_slice %arg9[%div3A_3, %add3A_351, %dma_start3A_358] : memref<4x2048x128xf32, #tpu.memory_space<hbm>> -> memref<1x64x128xf32, #tpu.memory_space<hbm>>
    %dma_start3A_360 = tpu.memref_squeeze %dma_start3A_359 : memref<1x64x128xf32, #tpu.memory_space<hbm>> -> memref<64x128xf32, #tpu.memory_space<hbm>>
    %dma_start3A_361 = arith.constant 64 : i32
    %dma_start3A_362 = arith.constant 0 : i32
    %dma_start3A_363 = tpu.memref_slice %arg12[%dma_start3A_361, %dma_start3A_362] : memref<256x128xf32, #tpu.memory_space<vmem>> -> memref<64x128xf32, #tpu.memory_space<vmem>>
    tpu.enqueue_dma source(%dma_start3A_363 : memref<64x128xf32, #tpu.memory_space<vmem>>) target(%dma_start3A_360 : memref<64x128xf32, #tpu.memory_space<hbm>>) target_semaphore(%arg19 : memref<!tpu.dma_semaphore, #tpu.memory_space<semaphore_mem>>)
    %dma_wait3A_364 = arith.constant 2 : i32
    %dma_wait3A_365 = arith.constant 128 : i32
    %dma_wait3A_366 = arith.constant 0 : i32
    %dma_wait3A_367 = tpu.memref_slice %arg12[%dma_wait3A_365, %dma_wait3A_366] : memref<256x128xf32, #tpu.memory_space<vmem>> -> memref<64x128xf32, #tpu.memory_space<vmem>>
    %dma_wait3A_368 = arith.constant 0 : i32
    %dma_wait3A_369 = tpu.memref_slice %arg10[%dma_wait3A_364, %dma_wait3A_368] : memref<4x64xi32, #tpu.memory_space<vmem>> -> memref<1x64xi32, #tpu.memory_space<vmem>>
    %dma_wait3A_370 = tpu.memref_squeeze %dma_wait3A_369 : memref<1x64xi32, #tpu.memory_space<vmem>> -> memref<64xi32, #tpu.memory_space<vmem>>
    %dma_wait3A_371 = arith.constant 0 : i32
    %dma_wait3A_372 = arith.constant 0 : i32
    %dma_wait3A_373 = tpu.memref_slice %arg4[%dma_wait3A_371, %dma_wait3A_372] : memref<100000x128xf32, #tpu.memory_space<hbm>> -> memref<100000x128xf32, #tpu.memory_space<hbm>>
    tpu.wait_indirect_dma semaphore(%arg17 : memref<!tpu.dma_semaphore, #tpu.memory_space<semaphore_mem>>) src(%dma_wait3A_373 : memref<100000x128xf32, #tpu.memory_space<hbm>>) dst(%dma_wait3A_367 : memref<64x128xf32, #tpu.memory_space<vmem>>)
    %dma_wait3A_374 = arith.constant 128 : i32
    %dma_wait3A_375 = arith.constant 0 : i32
    %dma_wait3A_376 = tpu.memref_slice %arg13[%dma_wait3A_374, %dma_wait3A_375] : memref<256x128xf32, #tpu.memory_space<vmem>> -> memref<64x128xf32, #tpu.memory_space<vmem>>
    %dma_wait3A_377 = arith.constant 0 : i32
    %dma_wait3A_378 = tpu.memref_slice %arg6[%add3A_158, %dma_wait3A_377] : memref<2048x128xf32, #tpu.memory_space<hbm>> -> memref<64x128xf32, #tpu.memory_space<hbm>>
    %dma_wait3A_379 = arith.constant 128 : i32
    %dma_wait3A_380 = arith.constant 0 : i32
    %dma_wait3A_381 = tpu.memref_slice %arg13[%dma_wait3A_379, %dma_wait3A_380] : memref<256x128xf32, #tpu.memory_space<vmem>> -> memref<64x128xf32, #tpu.memory_space<vmem>>
    %dma_wait3A_382 = arith.constant 0 : i32
    %dma_wait3A_383 = tpu.memref_slice %arg6[%add3A_158, %dma_wait3A_382] : memref<2048x128xf32, #tpu.memory_space<hbm>> -> memref<64x128xf32, #tpu.memory_space<hbm>>
    tpu.wait_dma2 semaphore(%arg17 : memref<!tpu.dma_semaphore, #tpu.memory_space<semaphore_mem>>) src(%dma_wait3A_383 : memref<64x128xf32, #tpu.memory_space<hbm>>) dst(%dma_wait3A_381 : memref<64x128xf32, #tpu.memory_space<vmem>>)
    %parallel_loop3A_384 = arith.constant 128 : i32
    %parallel_loop3A_385 = arith.constant 192 : i32
    %parallel_loop3A_386 = arith.constant 1 : i32
    scf.for %parallel_loop3A_486 = %parallel_loop3A_384 to %parallel_loop3A_385 step %parallel_loop3A_386  : i32 {
      %parallel_loop3A_487 = arith.constant -16 : i32
      %parallel_loop3A_488 = arith.andi %parallel_loop3A_486, %parallel_loop3A_487 : i32
      %parallel_loop3A_489 = arith.index_cast %parallel_loop3A_488 : i32 to index
      %parallel_loop3A_490 = tpu.vector_load %arg11[%parallel_loop3A_489] {strides = array<i32>} : memref<256xi32, #tpu.memory_space<vmem>>, vector<16xi32>,
      %parallel_loop3A_491 = arith.sitofp %parallel_loop3A_490 : vector<16xi32> to vector<16xf32>
      %parallel_loop3A_492 = arith.constant 15 : i32
      %parallel_loop3A_493 = arith.andi %parallel_loop3A_486, %parallel_loop3A_492 : i32
      %parallel_loop3A_494 = vector.broadcast %parallel_loop3A_493 : i32 to vector<16xi32>
      %parallel_loop3A_495 = vector.shape_cast %parallel_loop3A_494 : vector<16xi32> to vector<16x1xi32>
      %parallel_loop3A_496 = vector.shape_cast %parallel_loop3A_495 : vector<16x1xi32> to vector<16xi32>
      %parallel_loop3A_497 = tpu.dynamic_gather %parallel_loop3A_491[%parallel_loop3A_496] in [0] : vector<16xf32>, vector<16xi32> -> vector<16xf32>
      %parallel_loop3A_498 = arith.cmpf ogt, %parallel_loop3A_497, %broadcast_in_dim3A_310 : vector<16xf32>
      %parallel_loop3A_499 = arith.index_cast %parallel_loop3A_486 : i32 to index
      %parallel_loop3A_500 = arith.constant 0 : index
      %parallel_loop3A_501 = tpu.vector_load %arg12[%parallel_loop3A_499, %parallel_loop3A_500] {strides = array<i32>} : memref<256x128xf32, #tpu.memory_space<vmem>>, vector<16xf32>,
      %parallel_loop3A_502 = arith.index_cast %parallel_loop3A_486 : i32 to index
      %parallel_loop3A_503 = arith.constant 0 : index
      %parallel_loop3A_504 = tpu.vector_load %arg13[%parallel_loop3A_502, %parallel_loop3A_503] {strides = array<i32>} : memref<256x128xf32, #tpu.memory_space<vmem>>, vector<16xf32>,
      %parallel_loop3A_505 = arith.addf %parallel_loop3A_501, %parallel_loop3A_504 : vector<16xf32>
      %parallel_loop3A_506 = arith.select %parallel_loop3A_498, %get3A_249, %get3A_217 : vector<16xi1>, vector<16xf32>
      %parallel_loop3A_507 = arith.addf %parallel_loop3A_505, %parallel_loop3A_506 : vector<16xf32>
      %parallel_loop3A_508 = arith.index_cast %parallel_loop3A_486 : i32 to index
      %parallel_loop3A_509 = arith.constant 16 : index
      %parallel_loop3A_510 = tpu.vector_load %arg12[%parallel_loop3A_508, %parallel_loop3A_509] {strides = array<i32>} : memref<256x128xf32, #tpu.memory_space<vmem>>, vector<16xf32>,
      %parallel_loop3A_511 = arith.index_cast %parallel_loop3A_486 : i32 to index
      %parallel_loop3A_512 = arith.constant 16 : index
      %parallel_loop3A_513 = tpu.vector_load %arg13[%parallel_loop3A_511, %parallel_loop3A_512] {strides = array<i32>} : memref<256x128xf32, #tpu.memory_space<vmem>>, vector<16xf32>,
      %parallel_loop3A_514 = arith.addf %parallel_loop3A_510, %parallel_loop3A_513 : vector<16xf32>
      %parallel_loop3A_515 = arith.select %parallel_loop3A_498, %get3A_253, %get3A_221 : vector<16xi1>, vector<16xf32>
      %parallel_loop3A_516 = arith.addf %parallel_loop3A_514, %parallel_loop3A_515 : vector<16xf32>
      %parallel_loop3A_517 = arith.index_cast %parallel_loop3A_486 : i32 to index
      %parallel_loop3A_518 = arith.constant 32 : index
      %parallel_loop3A_519 = tpu.vector_load %arg12[%parallel_loop3A_517, %parallel_loop3A_518] {strides = array<i32>} : memref<256x128xf32, #tpu.memory_space<vmem>>, vector<16xf32>,
      %parallel_loop3A_520 = arith.index_cast %parallel_loop3A_486 : i32 to index
      %parallel_loop3A_521 = arith.constant 32 : index
      %parallel_loop3A_522 = tpu.vector_load %arg13[%parallel_loop3A_520, %parallel_loop3A_521] {strides = array<i32>} : memref<256x128xf32, #tpu.memory_space<vmem>>, vector<16xf32>,
      %parallel_loop3A_523 = arith.addf %parallel_loop3A_519, %parallel_loop3A_522 : vector<16xf32>
      %parallel_loop3A_524 = arith.select %parallel_loop3A_498, %get3A_257, %get3A_225 : vector<16xi1>, vector<16xf32>
      %parallel_loop3A_525 = arith.addf %parallel_loop3A_523, %parallel_loop3A_524 : vector<16xf32>
      %parallel_loop3A_526 = arith.index_cast %parallel_loop3A_486 : i32 to index
      %parallel_loop3A_527 = arith.constant 48 : index
      %parallel_loop3A_528 = tpu.vector_load %arg12[%parallel_loop3A_526, %parallel_loop3A_527] {strides = array<i32>} : memref<256x128xf32, #tpu.memory_space<vmem>>, vector<16xf32>,
      %parallel_loop3A_529 = arith.index_cast %parallel_loop3A_486 : i32 to index
      %parallel_loop3A_530 = arith.constant 48 : index
      %parallel_loop3A_531 = tpu.vector_load %arg13[%parallel_loop3A_529, %parallel_loop3A_530] {strides = array<i32>} : memref<256x128xf32, #tpu.memory_space<vmem>>, vector<16xf32>,
      %parallel_loop3A_532 = arith.addf %parallel_loop3A_528, %parallel_loop3A_531 : vector<16xf32>
      %parallel_loop3A_533 = arith.select %parallel_loop3A_498, %get3A_261, %get3A_229 : vector<16xi1>, vector<16xf32>
      %parallel_loop3A_534 = arith.addf %parallel_loop3A_532, %parallel_loop3A_533 : vector<16xf32>
      %parallel_loop3A_535 = arith.index_cast %parallel_loop3A_486 : i32 to index
      %parallel_loop3A_536 = arith.constant 64 : index
      %parallel_loop3A_537 = tpu.vector_load %arg12[%parallel_loop3A_535, %parallel_loop3A_536] {strides = array<i32>} : memref<256x128xf32, #tpu.memory_space<vmem>>, vector<16xf32>,
      %parallel_loop3A_538 = arith.index_cast %parallel_loop3A_486 : i32 to index
      %parallel_loop3A_539 = arith.constant 64 : index
      %parallel_loop3A_540 = tpu.vector_load %arg13[%parallel_loop3A_538, %parallel_loop3A_539] {strides = array<i32>} : memref<256x128xf32, #tpu.memory_space<vmem>>, vector<16xf32>,
      %parallel_loop3A_541 = arith.addf %parallel_loop3A_537, %parallel_loop3A_540 : vector<16xf32>
      %parallel_loop3A_542 = arith.select %parallel_loop3A_498, %get3A_265, %get3A_233 : vector<16xi1>, vector<16xf32>
      %parallel_loop3A_543 = arith.addf %parallel_loop3A_541, %parallel_loop3A_542 : vector<16xf32>
      %parallel_loop3A_544 = arith.index_cast %parallel_loop3A_486 : i32 to index
      %parallel_loop3A_545 = arith.constant 80 : index
      %parallel_loop3A_546 = tpu.vector_load %arg12[%parallel_loop3A_544, %parallel_loop3A_545] {strides = array<i32>} : memref<256x128xf32, #tpu.memory_space<vmem>>, vector<16xf32>,
      %parallel_loop3A_547 = arith.index_cast %parallel_loop3A_486 : i32 to index
      %parallel_loop3A_548 = arith.constant 80 : index
      %parallel_loop3A_549 = tpu.vector_load %arg13[%parallel_loop3A_547, %parallel_loop3A_548] {strides = array<i32>} : memref<256x128xf32, #tpu.memory_space<vmem>>, vector<16xf32>,
      %parallel_loop3A_550 = arith.addf %parallel_loop3A_546, %parallel_loop3A_549 : vector<16xf32>
      %parallel_loop3A_551 = arith.select %parallel_loop3A_498, %get3A_269, %get3A_237 : vector<16xi1>, vector<16xf32>
      %parallel_loop3A_552 = arith.addf %parallel_loop3A_550, %parallel_loop3A_551 : vector<16xf32>
      %parallel_loop3A_553 = arith.index_cast %parallel_loop3A_486 : i32 to index
      %parallel_loop3A_554 = arith.constant 96 : index
      %parallel_loop3A_555 = tpu.vector_load %arg12[%parallel_loop3A_553, %parallel_loop3A_554] {strides = array<i32>} : memref<256x128xf32, #tpu.memory_space<vmem>>, vector<16xf32>,
      %parallel_loop3A_556 = arith.index_cast %parallel_loop3A_486 : i32 to index
      %parallel_loop3A_557 = arith.constant 96 : index
      %parallel_loop3A_558 = tpu.vector_load %arg13[%parallel_loop3A_556, %parallel_loop3A_557] {strides = array<i32>} : memref<256x128xf32, #tpu.memory_space<vmem>>, vector<16xf32>,
      %parallel_loop3A_559 = arith.addf %parallel_loop3A_555, %parallel_loop3A_558 : vector<16xf32>
      %parallel_loop3A_560 = arith.select %parallel_loop3A_498, %get3A_273, %get3A_241 : vector<16xi1>, vector<16xf32>
      %parallel_loop3A_561 = arith.addf %parallel_loop3A_559, %parallel_loop3A_560 : vector<16xf32>
      %parallel_loop3A_562 = arith.index_cast %parallel_loop3A_486 : i32 to index
      %parallel_loop3A_563 = arith.constant 112 : index
      %parallel_loop3A_564 = tpu.vector_load %arg12[%parallel_loop3A_562, %parallel_loop3A_563] {strides = array<i32>} : memref<256x128xf32, #tpu.memory_space<vmem>>, vector<16xf32>,
      %parallel_loop3A_565 = arith.index_cast %parallel_loop3A_486 : i32 to index
      %parallel_loop3A_566 = arith.constant 112 : index
      %parallel_loop3A_567 = tpu.vector_load %arg13[%parallel_loop3A_565, %parallel_loop3A_566] {strides = array<i32>} : memref<256x128xf32, #tpu.memory_space<vmem>>, vector<16xf32>,
      %parallel_loop3A_568 = arith.addf %parallel_loop3A_564, %parallel_loop3A_567 : vector<16xf32>
      %parallel_loop3A_569 = arith.select %parallel_loop3A_498, %get3A_277, %get3A_245 : vector<16xi1>, vector<16xf32>
      %parallel_loop3A_570 = arith.addf %parallel_loop3A_568, %parallel_loop3A_569 : vector<16xf32>
      %parallel_loop3A_571 = arith.mulf %parallel_loop3A_507, %parallel_loop3A_507 : vector<16xf32>
      %parallel_loop3A_572 = arith.addf %parallel_loop3A_507, %parallel_loop3A_516 : vector<16xf32>
      %parallel_loop3A_573 = arith.mulf %parallel_loop3A_516, %parallel_loop3A_516 : vector<16xf32>
      %parallel_loop3A_574 = arith.addf %parallel_loop3A_571, %parallel_loop3A_573 : vector<16xf32>
      %parallel_loop3A_575 = arith.addf %parallel_loop3A_572, %parallel_loop3A_525 : vector<16xf32>
      %parallel_loop3A_576 = arith.mulf %parallel_loop3A_525, %parallel_loop3A_525 : vector<16xf32>
      %parallel_loop3A_577 = arith.addf %parallel_loop3A_574, %parallel_loop3A_576 : vector<16xf32>
      %parallel_loop3A_578 = arith.addf %parallel_loop3A_575, %parallel_loop3A_534 : vector<16xf32>
      %parallel_loop3A_579 = arith.mulf %parallel_loop3A_534, %parallel_loop3A_534 : vector<16xf32>
      %parallel_loop3A_580 = arith.addf %parallel_loop3A_577, %parallel_loop3A_579 : vector<16xf32>
      %parallel_loop3A_581 = arith.addf %parallel_loop3A_578, %parallel_loop3A_543 : vector<16xf32>
      %parallel_loop3A_582 = arith.mulf %parallel_loop3A_543, %parallel_loop3A_543 : vector<16xf32>
      %parallel_loop3A_583 = arith.addf %parallel_loop3A_580, %parallel_loop3A_582 : vector<16xf32>
      %parallel_loop3A_584 = arith.addf %parallel_loop3A_581, %parallel_loop3A_552 : vector<16xf32>
      %parallel_loop3A_585 = arith.mulf %parallel_loop3A_552, %parallel_loop3A_552 : vector<16xf32>
      %parallel_loop3A_586 = arith.addf %parallel_loop3A_583, %parallel_loop3A_585 : vector<16xf32>
      %parallel_loop3A_587 = arith.addf %parallel_loop3A_584, %parallel_loop3A_561 : vector<16xf32>
      %parallel_loop3A_588 = arith.mulf %parallel_loop3A_561, %parallel_loop3A_561 : vector<16xf32>
      %parallel_loop3A_589 = arith.addf %parallel_loop3A_586, %parallel_loop3A_588 : vector<16xf32>
      %parallel_loop3A_590 = arith.addf %parallel_loop3A_587, %parallel_loop3A_570 : vector<16xf32>
      %parallel_loop3A_591 = arith.mulf %parallel_loop3A_570, %parallel_loop3A_570 : vector<16xf32>
      %parallel_loop3A_592 = arith.addf %parallel_loop3A_589, %parallel_loop3A_591 : vector<16xf32>
      %parallel_loop3A_593 = arith.constant 8 : i32
      %parallel_loop3A_594 = vector.broadcast %parallel_loop3A_593 : i32 to vector<16xi32>
      %parallel_loop3A_595 = arith.xori %iota3A, %parallel_loop3A_594 : vector<16xi32>
      %parallel_loop3A_596 = vector.shape_cast %parallel_loop3A_595 : vector<16xi32> to vector<16x1xi32>
      %parallel_loop3A_597 = vector.shape_cast %parallel_loop3A_596 : vector<16x1xi32> to vector<16xi32>
      %parallel_loop3A_598 = tpu.dynamic_gather %parallel_loop3A_590[%parallel_loop3A_597] in [0] : vector<16xf32>, vector<16xi32> -> vector<16xf32>
      %parallel_loop3A_599 = arith.addf %parallel_loop3A_590, %parallel_loop3A_598 : vector<16xf32>
      %parallel_loop3A_600 = arith.constant 4 : i32
      %parallel_loop3A_601 = vector.broadcast %parallel_loop3A_600 : i32 to vector<16xi32>
      %parallel_loop3A_602 = arith.xori %iota3A, %parallel_loop3A_601 : vector<16xi32>
      %parallel_loop3A_603 = vector.shape_cast %parallel_loop3A_602 : vector<16xi32> to vector<16x1xi32>
      %parallel_loop3A_604 = vector.shape_cast %parallel_loop3A_603 : vector<16x1xi32> to vector<16xi32>
      %parallel_loop3A_605 = tpu.dynamic_gather %parallel_loop3A_599[%parallel_loop3A_604] in [0] : vector<16xf32>, vector<16xi32> -> vector<16xf32>
      %parallel_loop3A_606 = arith.addf %parallel_loop3A_599, %parallel_loop3A_605 : vector<16xf32>
      %parallel_loop3A_607 = arith.constant 2 : i32
      %parallel_loop3A_608 = vector.broadcast %parallel_loop3A_607 : i32 to vector<16xi32>
      %parallel_loop3A_609 = arith.xori %iota3A, %parallel_loop3A_608 : vector<16xi32>
      %parallel_loop3A_610 = vector.shape_cast %parallel_loop3A_609 : vector<16xi32> to vector<16x1xi32>
      %parallel_loop3A_611 = vector.shape_cast %parallel_loop3A_610 : vector<16x1xi32> to vector<16xi32>
      %parallel_loop3A_612 = tpu.dynamic_gather %parallel_loop3A_606[%parallel_loop3A_611] in [0] : vector<16xf32>, vector<16xi32> -> vector<16xf32>
      %parallel_loop3A_613 = arith.addf %parallel_loop3A_606, %parallel_loop3A_612 : vector<16xf32>
      %parallel_loop3A_614 = arith.constant 1 : i32
      %parallel_loop3A_615 = vector.broadcast %parallel_loop3A_614 : i32 to vector<16xi32>
      %parallel_loop3A_616 = arith.xori %iota3A, %parallel_loop3A_615 : vector<16xi32>
      %parallel_loop3A_617 = vector.shape_cast %parallel_loop3A_616 : vector<16xi32> to vector<16x1xi32>
      %parallel_loop3A_618 = vector.shape_cast %parallel_loop3A_617 : vector<16x1xi32> to vector<16xi32>
      %parallel_loop3A_619 = tpu.dynamic_gather %parallel_loop3A_613[%parallel_loop3A_618] in [0] : vector<16xf32>, vector<16xi32> -> vector<16xf32>
      %parallel_loop3A_620 = arith.addf %parallel_loop3A_613, %parallel_loop3A_619 : vector<16xf32>
      %parallel_loop3A_621 = arith.constant 8 : i32
      %parallel_loop3A_622 = vector.broadcast %parallel_loop3A_621 : i32 to vector<16xi32>
      %parallel_loop3A_623 = arith.xori %iota3A, %parallel_loop3A_622 : vector<16xi32>
      %parallel_loop3A_624 = vector.shape_cast %parallel_loop3A_623 : vector<16xi32> to vector<16x1xi32>
      %parallel_loop3A_625 = vector.shape_cast %parallel_loop3A_624 : vector<16x1xi32> to vector<16xi32>
      %parallel_loop3A_626 = tpu.dynamic_gather %parallel_loop3A_592[%parallel_loop3A_625] in [0] : vector<16xf32>, vector<16xi32> -> vector<16xf32>
      %parallel_loop3A_627 = arith.addf %parallel_loop3A_592, %parallel_loop3A_626 : vector<16xf32>
      %parallel_loop3A_628 = arith.constant 4 : i32
      %parallel_loop3A_629 = vector.broadcast %parallel_loop3A_628 : i32 to vector<16xi32>
      %parallel_loop3A_630 = arith.xori %iota3A, %parallel_loop3A_629 : vector<16xi32>
      %parallel_loop3A_631 = vector.shape_cast %parallel_loop3A_630 : vector<16xi32> to vector<16x1xi32>
      %parallel_loop3A_632 = vector.shape_cast %parallel_loop3A_631 : vector<16x1xi32> to vector<16xi32>
      %parallel_loop3A_633 = tpu.dynamic_gather %parallel_loop3A_627[%parallel_loop3A_632] in [0] : vector<16xf32>, vector<16xi32> -> vector<16xf32>
      %parallel_loop3A_634 = arith.addf %parallel_loop3A_627, %parallel_loop3A_633 : vector<16xf32>
      %parallel_loop3A_635 = arith.constant 2 : i32
      %parallel_loop3A_636 = vector.broadcast %parallel_loop3A_635 : i32 to vector<16xi32>
      %parallel_loop3A_637 = arith.xori %iota3A, %parallel_loop3A_636 : vector<16xi32>
      %parallel_loop3A_638 = vector.shape_cast %parallel_loop3A_637 : vector<16xi32> to vector<16x1xi32>
      %parallel_loop3A_639 = vector.shape_cast %parallel_loop3A_638 : vector<16x1xi32> to vector<16xi32>
      %parallel_loop3A_640 = tpu.dynamic_gather %parallel_loop3A_634[%parallel_loop3A_639] in [0] : vector<16xf32>, vector<16xi32> -> vector<16xf32>
      %parallel_loop3A_641 = arith.addf %parallel_loop3A_634, %parallel_loop3A_640 : vector<16xf32>
      %parallel_loop3A_642 = arith.constant 1 : i32
      %parallel_loop3A_643 = vector.broadcast %parallel_loop3A_642 : i32 to vector<16xi32>
      %parallel_loop3A_644 = arith.xori %iota3A, %parallel_loop3A_643 : vector<16xi32>
      %parallel_loop3A_645 = vector.shape_cast %parallel_loop3A_644 : vector<16xi32> to vector<16x1xi32>
      %parallel_loop3A_646 = vector.shape_cast %parallel_loop3A_645 : vector<16x1xi32> to vector<16xi32>
      %parallel_loop3A_647 = tpu.dynamic_gather %parallel_loop3A_641[%parallel_loop3A_646] in [0] : vector<16xf32>, vector<16xi32> -> vector<16xf32>
      %parallel_loop3A_648 = arith.addf %parallel_loop3A_641, %parallel_loop3A_647 : vector<16xf32>
      %parallel_loop3A_649 = arith.constant 7.812500e-03 : f32
      %parallel_loop3A_650 = vector.broadcast %parallel_loop3A_649 : f32 to vector<16xf32>
      %parallel_loop3A_651 = arith.mulf %parallel_loop3A_620, %parallel_loop3A_650 : vector<16xf32>
      %parallel_loop3A_652 = arith.constant 7.812500e-03 : f32
      %parallel_loop3A_653 = vector.broadcast %parallel_loop3A_652 : f32 to vector<16xf32>
      %parallel_loop3A_654 = arith.mulf %parallel_loop3A_648, %parallel_loop3A_653 : vector<16xf32>
      %parallel_loop3A_655 = arith.mulf %parallel_loop3A_651, %parallel_loop3A_651 : vector<16xf32>
      %parallel_loop3A_656 = arith.subf %parallel_loop3A_654, %parallel_loop3A_655 : vector<16xf32>
      %parallel_loop3A_657 = arith.constant 0.000000e+00 : f32
      %parallel_loop3A_658 = vector.broadcast %parallel_loop3A_657 : f32 to vector<16xf32>
      %parallel_loop3A_659 = arith.maximumf %parallel_loop3A_656, %parallel_loop3A_658 : vector<16xf32>
      %parallel_loop3A_660 = arith.constant 9.99999996E-13 : f32
      %parallel_loop3A_661 = vector.broadcast %parallel_loop3A_660 : f32 to vector<16xf32>
      %parallel_loop3A_662 = arith.addf %parallel_loop3A_659, %parallel_loop3A_661 : vector<16xf32>
      %parallel_loop3A_663 = tpu.bitcast %parallel_loop3A_662 : vector<16xf32> -> vector<16xi32>
      %parallel_loop3A_664 = arith.constant 1 : i32
      %parallel_loop3A_665 = vector.broadcast %parallel_loop3A_664 : i32 to vector<16xi32>
      %parallel_loop3A_666 = arith.shrui %parallel_loop3A_663, %parallel_loop3A_665 : vector<16xi32>
      %parallel_loop3A_667 = arith.constant 1597463007 : i32
      %parallel_loop3A_668 = vector.broadcast %parallel_loop3A_667 : i32 to vector<16xi32>
      %parallel_loop3A_669 = arith.subi %parallel_loop3A_668, %parallel_loop3A_666 : vector<16xi32>
      %parallel_loop3A_670 = tpu.bitcast %parallel_loop3A_669 : vector<16xi32> -> vector<16xf32>
      %parallel_loop3A_671 = arith.constant 5.000000e-01 : f32
      %parallel_loop3A_672 = vector.broadcast %parallel_loop3A_671 : f32 to vector<16xf32>
      %parallel_loop3A_673 = arith.mulf %parallel_loop3A_672, %parallel_loop3A_662 : vector<16xf32>
      %parallel_loop3A_674 = arith.mulf %parallel_loop3A_673, %parallel_loop3A_670 : vector<16xf32>
      %parallel_loop3A_675 = arith.mulf %parallel_loop3A_674, %parallel_loop3A_670 : vector<16xf32>
      %parallel_loop3A_676 = arith.constant 1.500000e+00 : f32
      %parallel_loop3A_677 = vector.broadcast %parallel_loop3A_676 : f32 to vector<16xf32>
      %parallel_loop3A_678 = arith.subf %parallel_loop3A_677, %parallel_loop3A_675 : vector<16xf32>
      %parallel_loop3A_679 = arith.mulf %parallel_loop3A_670, %parallel_loop3A_678 : vector<16xf32>
      %parallel_loop3A_680 = arith.mulf %parallel_loop3A_673, %parallel_loop3A_679 : vector<16xf32>
      %parallel_loop3A_681 = arith.mulf %parallel_loop3A_680, %parallel_loop3A_679 : vector<16xf32>
      %parallel_loop3A_682 = arith.constant 1.500000e+00 : f32
      %parallel_loop3A_683 = vector.broadcast %parallel_loop3A_682 : f32 to vector<16xf32>
      %parallel_loop3A_684 = arith.subf %parallel_loop3A_683, %parallel_loop3A_681 : vector<16xf32>
      %parallel_loop3A_685 = arith.mulf %parallel_loop3A_679, %parallel_loop3A_684 : vector<16xf32>
      %parallel_loop3A_686 = arith.mulf %parallel_loop3A_651, %parallel_loop3A_685 : vector<16xf32>
      %parallel_loop3A_687 = arith.mulf %parallel_loop3A_507, %parallel_loop3A_685 : vector<16xf32>
      %parallel_loop3A_688 = arith.subf %parallel_loop3A_687, %parallel_loop3A_686 : vector<16xf32>
      %parallel_loop3A_689 = arith.mulf %parallel_loop3A_688, %get3A_279 : vector<16xf32>
      %parallel_loop3A_690 = arith.addf %parallel_loop3A_689, %get3A_295 : vector<16xf32>
      %parallel_loop3A_691 = arith.index_cast %parallel_loop3A_486 : i32 to index
      %parallel_loop3A_692 = arith.constant 0 : index
      %parallel_loop3A_693 = tpu.vector_load %arg12[%parallel_loop3A_691, %parallel_loop3A_692] {strides = array<i32>} : memref<256x128xf32, #tpu.memory_space<vmem>>, vector<16xf32>,
      tpu.vector_store %arg12[%parallel_loop3A_691, %parallel_loop3A_692], %parallel_loop3A_690 {strides = array<i32>} : memref<256x128xf32, #tpu.memory_space<vmem>>, vector<16xf32>,
      %parallel_loop3A_694 = arith.mulf %parallel_loop3A_516, %parallel_loop3A_685 : vector<16xf32>
      %parallel_loop3A_695 = arith.subf %parallel_loop3A_694, %parallel_loop3A_686 : vector<16xf32>
      %parallel_loop3A_696 = arith.mulf %parallel_loop3A_695, %get3A_281 : vector<16xf32>
      %parallel_loop3A_697 = arith.addf %parallel_loop3A_696, %get3A_297 : vector<16xf32>
      %parallel_loop3A_698 = arith.index_cast %parallel_loop3A_486 : i32 to index
      %parallel_loop3A_699 = arith.constant 16 : index
      %parallel_loop3A_700 = tpu.vector_load %arg12[%parallel_loop3A_698, %parallel_loop3A_699] {strides = array<i32>} : memref<256x128xf32, #tpu.memory_space<vmem>>, vector<16xf32>,
      tpu.vector_store %arg12[%parallel_loop3A_698, %parallel_loop3A_699], %parallel_loop3A_697 {strides = array<i32>} : memref<256x128xf32, #tpu.memory_space<vmem>>, vector<16xf32>,
      %parallel_loop3A_701 = arith.mulf %parallel_loop3A_525, %parallel_loop3A_685 : vector<16xf32>
      %parallel_loop3A_702 = arith.subf %parallel_loop3A_701, %parallel_loop3A_686 : vector<16xf32>
      %parallel_loop3A_703 = arith.mulf %parallel_loop3A_702, %get3A_283 : vector<16xf32>
      %parallel_loop3A_704 = arith.addf %parallel_loop3A_703, %get3A_299 : vector<16xf32>
      %parallel_loop3A_705 = arith.index_cast %parallel_loop3A_486 : i32 to index
      %parallel_loop3A_706 = arith.constant 32 : index
      %parallel_loop3A_707 = tpu.vector_load %arg12[%parallel_loop3A_705, %parallel_loop3A_706] {strides = array<i32>} : memref<256x128xf32, #tpu.memory_space<vmem>>, vector<16xf32>,
      tpu.vector_store %arg12[%parallel_loop3A_705, %parallel_loop3A_706], %parallel_loop3A_704 {strides = array<i32>} : memref<256x128xf32, #tpu.memory_space<vmem>>, vector<16xf32>,
      %parallel_loop3A_708 = arith.mulf %parallel_loop3A_534, %parallel_loop3A_685 : vector<16xf32>
      %parallel_loop3A_709 = arith.subf %parallel_loop3A_708, %parallel_loop3A_686 : vector<16xf32>
      %parallel_loop3A_710 = arith.mulf %parallel_loop3A_709, %get3A_285 : vector<16xf32>
      %parallel_loop3A_711 = arith.addf %parallel_loop3A_710, %get3A_301 : vector<16xf32>
      %parallel_loop3A_712 = arith.index_cast %parallel_loop3A_486 : i32 to index
      %parallel_loop3A_713 = arith.constant 48 : index
      %parallel_loop3A_714 = tpu.vector_load %arg12[%parallel_loop3A_712, %parallel_loop3A_713] {strides = array<i32>} : memref<256x128xf32, #tpu.memory_space<vmem>>, vector<16xf32>,
      tpu.vector_store %arg12[%parallel_loop3A_712, %parallel_loop3A_713], %parallel_loop3A_711 {strides = array<i32>} : memref<256x128xf32, #tpu.memory_space<vmem>>, vector<16xf32>,
      %parallel_loop3A_715 = arith.mulf %parallel_loop3A_543, %parallel_loop3A_685 : vector<16xf32>
      %parallel_loop3A_716 = arith.subf %parallel_loop3A_715, %parallel_loop3A_686 : vector<16xf32>
      %parallel_loop3A_717 = arith.mulf %parallel_loop3A_716, %get3A_287 : vector<16xf32>
      %parallel_loop3A_718 = arith.addf %parallel_loop3A_717, %get3A_303 : vector<16xf32>
      %parallel_loop3A_719 = arith.index_cast %parallel_loop3A_486 : i32 to index
      %parallel_loop3A_720 = arith.constant 64 : index
      %parallel_loop3A_721 = tpu.vector_load %arg12[%parallel_loop3A_719, %parallel_loop3A_720] {strides = array<i32>} : memref<256x128xf32, #tpu.memory_space<vmem>>, vector<16xf32>,
      tpu.vector_store %arg12[%parallel_loop3A_719, %parallel_loop3A_720], %parallel_loop3A_718 {strides = array<i32>} : memref<256x128xf32, #tpu.memory_space<vmem>>, vector<16xf32>,
      %parallel_loop3A_722 = arith.mulf %parallel_loop3A_552, %parallel_loop3A_685 : vector<16xf32>
      %parallel_loop3A_723 = arith.subf %parallel_loop3A_722, %parallel_loop3A_686 : vector<16xf32>
      %parallel_loop3A_724 = arith.mulf %parallel_loop3A_723, %get3A_289 : vector<16xf32>
      %parallel_loop3A_725 = arith.addf %parallel_loop3A_724, %get3A_305 : vector<16xf32>
      %parallel_loop3A_726 = arith.index_cast %parallel_loop3A_486 : i32 to index
      %parallel_loop3A_727 = arith.constant 80 : index
      %parallel_loop3A_728 = tpu.vector_load %arg12[%parallel_loop3A_726, %parallel_loop3A_727] {strides = array<i32>} : memref<256x128xf32, #tpu.memory_space<vmem>>, vector<16xf32>,
      tpu.vector_store %arg12[%parallel_loop3A_726, %parallel_loop3A_727], %parallel_loop3A_725 {strides = array<i32>} : memref<256x128xf32, #tpu.memory_space<vmem>>, vector<16xf32>,
      %parallel_loop3A_729 = arith.mulf %parallel_loop3A_561, %parallel_loop3A_685 : vector<16xf32>
      %parallel_loop3A_730 = arith.subf %parallel_loop3A_729, %parallel_loop3A_686 : vector<16xf32>
      %parallel_loop3A_731 = arith.mulf %parallel_loop3A_730, %get3A_291 : vector<16xf32>
      %parallel_loop3A_732 = arith.addf %parallel_loop3A_731, %get3A_307 : vector<16xf32>
      %parallel_loop3A_733 = arith.index_cast %parallel_loop3A_486 : i32 to index
      %parallel_loop3A_734 = arith.constant 96 : index
      %parallel_loop3A_735 = tpu.vector_load %arg12[%parallel_loop3A_733, %parallel_loop3A_734] {strides = array<i32>} : memref<256x128xf32, #tpu.memory_space<vmem>>, vector<16xf32>,
      tpu.vector_store %arg12[%parallel_loop3A_733, %parallel_loop3A_734], %parallel_loop3A_732 {strides = array<i32>} : memref<256x128xf32, #tpu.memory_space<vmem>>, vector<16xf32>,
      %parallel_loop3A_736 = arith.mulf %parallel_loop3A_570, %parallel_loop3A_685 : vector<16xf32>
      %parallel_loop3A_737 = arith.subf %parallel_loop3A_736, %parallel_loop3A_686 : vector<16xf32>
      %parallel_loop3A_738 = arith.mulf %parallel_loop3A_737, %get3A_293 : vector<16xf32>
      %parallel_loop3A_739 = arith.addf %parallel_loop3A_738, %get3A_309 : vector<16xf32>
      %parallel_loop3A_740 = arith.index_cast %parallel_loop3A_486 : i32 to index
      %parallel_loop3A_741 = arith.constant 112 : index
      %parallel_loop3A_742 = tpu.vector_load %arg12[%parallel_loop3A_740, %parallel_loop3A_741] {strides = array<i32>} : memref<256x128xf32, #tpu.memory_space<vmem>>, vector<16xf32>,
      tpu.vector_store %arg12[%parallel_loop3A_740, %parallel_loop3A_741], %parallel_loop3A_739 {strides = array<i32>} : memref<256x128xf32, #tpu.memory_space<vmem>>, vector<16xf32>,
    } {sc.loop_unroll_factor = 4 : i64, sc.parallel_access}
    %add3A_387 = arith.constant 128 : i32
    %add3A_388 = arith.addi %rem3A_4, %add3A_387 : i32
    %dma_start3A_389 = arith.constant 128 : i32
    %dma_start3A_390 = arith.constant 0 : i32
    %dma_start3A_391 = tpu.memref_slice %arg12[%dma_start3A_389, %dma_start3A_390] : memref<256x128xf32, #tpu.memory_space<vmem>> -> memref<64x128xf32, #tpu.memory_space<vmem>>
    %dma_start3A_392 = arith.constant 0 : i32
    %dma_start3A_393 = tpu.memref_slice %arg9[%div3A_3, %add3A_388, %dma_start3A_392] : memref<4x2048x128xf32, #tpu.memory_space<hbm>> -> memref<1x64x128xf32, #tpu.memory_space<hbm>>
    %dma_start3A_394 = tpu.memref_squeeze %dma_start3A_393 : memref<1x64x128xf32, #tpu.memory_space<hbm>> -> memref<64x128xf32, #tpu.memory_space<hbm>>
    %dma_start3A_395 = arith.constant 0 : i32
    %dma_start3A_396 = tpu.memref_slice %arg9[%div3A_3, %add3A_388, %dma_start3A_395] : memref<4x2048x128xf32, #tpu.memory_space<hbm>> -> memref<1x64x128xf32, #tpu.memory_space<hbm>>
    %dma_start3A_397 = tpu.memref_squeeze %dma_start3A_396 : memref<1x64x128xf32, #tpu.memory_space<hbm>> -> memref<64x128xf32, #tpu.memory_space<hbm>>
    %dma_start3A_398 = arith.constant 128 : i32
    %dma_start3A_399 = arith.constant 0 : i32
    %dma_start3A_400 = tpu.memref_slice %arg12[%dma_start3A_398, %dma_start3A_399] : memref<256x128xf32, #tpu.memory_space<vmem>> -> memref<64x128xf32, #tpu.memory_space<vmem>>
    tpu.enqueue_dma source(%dma_start3A_400 : memref<64x128xf32, #tpu.memory_space<vmem>>) target(%dma_start3A_397 : memref<64x128xf32, #tpu.memory_space<hbm>>) target_semaphore(%arg19 : memref<!tpu.dma_semaphore, #tpu.memory_space<semaphore_mem>>)
    %dma_wait3A_401 = arith.constant 3 : i32
    %dma_wait3A_402 = arith.constant 192 : i32
    %dma_wait3A_403 = arith.constant 0 : i32
    %dma_wait3A_404 = tpu.memref_slice %arg12[%dma_wait3A_402, %dma_wait3A_403] : memref<256x128xf32, #tpu.memory_space<vmem>> -> memref<64x128xf32, #tpu.memory_space<vmem>>
    %dma_wait3A_405 = arith.constant 0 : i32
    %dma_wait3A_406 = tpu.memref_slice %arg10[%dma_wait3A_401, %dma_wait3A_405] : memref<4x64xi32, #tpu.memory_space<vmem>> -> memref<1x64xi32, #tpu.memory_space<vmem>>
    %dma_wait3A_407 = tpu.memref_squeeze %dma_wait3A_406 : memref<1x64xi32, #tpu.memory_space<vmem>> -> memref<64xi32, #tpu.memory_space<vmem>>
    %dma_wait3A_408 = arith.constant 0 : i32
    %dma_wait3A_409 = arith.constant 0 : i32
    %dma_wait3A_410 = tpu.memref_slice %arg4[%dma_wait3A_408, %dma_wait3A_409] : memref<100000x128xf32, #tpu.memory_space<hbm>> -> memref<100000x128xf32, #tpu.memory_space<hbm>>
    tpu.wait_indirect_dma semaphore(%arg18 : memref<!tpu.dma_semaphore, #tpu.memory_space<semaphore_mem>>) src(%dma_wait3A_410 : memref<100000x128xf32, #tpu.memory_space<hbm>>) dst(%dma_wait3A_404 : memref<64x128xf32, #tpu.memory_space<vmem>>)
    %dma_wait3A_411 = arith.constant 192 : i32
    %dma_wait3A_412 = arith.constant 0 : i32
    %dma_wait3A_413 = tpu.memref_slice %arg13[%dma_wait3A_411, %dma_wait3A_412] : memref<256x128xf32, #tpu.memory_space<vmem>> -> memref<64x128xf32, #tpu.memory_space<vmem>>
    %dma_wait3A_414 = arith.constant 0 : i32
    %dma_wait3A_415 = tpu.memref_slice %arg6[%add3A_180, %dma_wait3A_414] : memref<2048x128xf32, #tpu.memory_space<hbm>> -> memref<64x128xf32, #tpu.memory_space<hbm>>
    %dma_wait3A_416 = arith.constant 192 : i32
    %dma_wait3A_417 = arith.constant 0 : i32
    %dma_wait3A_418 = tpu.memref_slice %arg13[%dma_wait3A_416, %dma_wait3A_417] : memref<256x128xf32, #tpu.memory_space<vmem>> -> memref<64x128xf32, #tpu.memory_space<vmem>>
    %dma_wait3A_419 = arith.constant 0 : i32
    %dma_wait3A_420 = tpu.memref_slice %arg6[%add3A_180, %dma_wait3A_419] : memref<2048x128xf32, #tpu.memory_space<hbm>> -> memref<64x128xf32, #tpu.memory_space<hbm>>
    tpu.wait_dma2 semaphore(%arg18 : memref<!tpu.dma_semaphore, #tpu.memory_space<semaphore_mem>>) src(%dma_wait3A_420 : memref<64x128xf32, #tpu.memory_space<hbm>>) dst(%dma_wait3A_418 : memref<64x128xf32, #tpu.memory_space<vmem>>)
    %parallel_loop3A_421 = arith.constant 192 : i32
    %parallel_loop3A_422 = arith.constant 256 : i32
    %parallel_loop3A_423 = arith.constant 1 : i32
    scf.for %parallel_loop3A_486 = %parallel_loop3A_421 to %parallel_loop3A_422 step %parallel_loop3A_423  : i32 {
      %parallel_loop3A_487 = arith.constant -16 : i32
      %parallel_loop3A_488 = arith.andi %parallel_loop3A_486, %parallel_loop3A_487 : i32
      %parallel_loop3A_489 = arith.index_cast %parallel_loop3A_488 : i32 to index
      %parallel_loop3A_490 = tpu.vector_load %arg11[%parallel_loop3A_489] {strides = array<i32>} : memref<256xi32, #tpu.memory_space<vmem>>, vector<16xi32>,
      %parallel_loop3A_491 = arith.sitofp %parallel_loop3A_490 : vector<16xi32> to vector<16xf32>
      %parallel_loop3A_492 = arith.constant 15 : i32
      %parallel_loop3A_493 = arith.andi %parallel_loop3A_486, %parallel_loop3A_492 : i32
      %parallel_loop3A_494 = vector.broadcast %parallel_loop3A_493 : i32 to vector<16xi32>
      %parallel_loop3A_495 = vector.shape_cast %parallel_loop3A_494 : vector<16xi32> to vector<16x1xi32>
      %parallel_loop3A_496 = vector.shape_cast %parallel_loop3A_495 : vector<16x1xi32> to vector<16xi32>
      %parallel_loop3A_497 = tpu.dynamic_gather %parallel_loop3A_491[%parallel_loop3A_496] in [0] : vector<16xf32>, vector<16xi32> -> vector<16xf32>
      %parallel_loop3A_498 = arith.cmpf ogt, %parallel_loop3A_497, %broadcast_in_dim3A_310 : vector<16xf32>
      %parallel_loop3A_499 = arith.index_cast %parallel_loop3A_486 : i32 to index
      %parallel_loop3A_500 = arith.constant 0 : index
      %parallel_loop3A_501 = tpu.vector_load %arg12[%parallel_loop3A_499, %parallel_loop3A_500] {strides = array<i32>} : memref<256x128xf32, #tpu.memory_space<vmem>>, vector<16xf32>,
      %parallel_loop3A_502 = arith.index_cast %parallel_loop3A_486 : i32 to index
      %parallel_loop3A_503 = arith.constant 0 : index
      %parallel_loop3A_504 = tpu.vector_load %arg13[%parallel_loop3A_502, %parallel_loop3A_503] {strides = array<i32>} : memref<256x128xf32, #tpu.memory_space<vmem>>, vector<16xf32>,
      %parallel_loop3A_505 = arith.addf %parallel_loop3A_501, %parallel_loop3A_504 : vector<16xf32>
      %parallel_loop3A_506 = arith.select %parallel_loop3A_498, %get3A_249, %get3A_217 : vector<16xi1>, vector<16xf32>
      %parallel_loop3A_507 = arith.addf %parallel_loop3A_505, %parallel_loop3A_506 : vector<16xf32>
      %parallel_loop3A_508 = arith.index_cast %parallel_loop3A_486 : i32 to index
      %parallel_loop3A_509 = arith.constant 16 : index
      %parallel_loop3A_510 = tpu.vector_load %arg12[%parallel_loop3A_508, %parallel_loop3A_509] {strides = array<i32>} : memref<256x128xf32, #tpu.memory_space<vmem>>, vector<16xf32>,
      %parallel_loop3A_511 = arith.index_cast %parallel_loop3A_486 : i32 to index
      %parallel_loop3A_512 = arith.constant 16 : index
      %parallel_loop3A_513 = tpu.vector_load %arg13[%parallel_loop3A_511, %parallel_loop3A_512] {strides = array<i32>} : memref<256x128xf32, #tpu.memory_space<vmem>>, vector<16xf32>,
      %parallel_loop3A_514 = arith.addf %parallel_loop3A_510, %parallel_loop3A_513 : vector<16xf32>
      %parallel_loop3A_515 = arith.select %parallel_loop3A_498, %get3A_253, %get3A_221 : vector<16xi1>, vector<16xf32>
      %parallel_loop3A_516 = arith.addf %parallel_loop3A_514, %parallel_loop3A_515 : vector<16xf32>
      %parallel_loop3A_517 = arith.index_cast %parallel_loop3A_486 : i32 to index
      %parallel_loop3A_518 = arith.constant 32 : index
      %parallel_loop3A_519 = tpu.vector_load %arg12[%parallel_loop3A_517, %parallel_loop3A_518] {strides = array<i32>} : memref<256x128xf32, #tpu.memory_space<vmem>>, vector<16xf32>,
      %parallel_loop3A_520 = arith.index_cast %parallel_loop3A_486 : i32 to index
      %parallel_loop3A_521 = arith.constant 32 : index
      %parallel_loop3A_522 = tpu.vector_load %arg13[%parallel_loop3A_520, %parallel_loop3A_521] {strides = array<i32>} : memref<256x128xf32, #tpu.memory_space<vmem>>, vector<16xf32>,
      %parallel_loop3A_523 = arith.addf %parallel_loop3A_519, %parallel_loop3A_522 : vector<16xf32>
      %parallel_loop3A_524 = arith.select %parallel_loop3A_498, %get3A_257, %get3A_225 : vector<16xi1>, vector<16xf32>
      %parallel_loop3A_525 = arith.addf %parallel_loop3A_523, %parallel_loop3A_524 : vector<16xf32>
      %parallel_loop3A_526 = arith.index_cast %parallel_loop3A_486 : i32 to index
      %parallel_loop3A_527 = arith.constant 48 : index
      %parallel_loop3A_528 = tpu.vector_load %arg12[%parallel_loop3A_526, %parallel_loop3A_527] {strides = array<i32>} : memref<256x128xf32, #tpu.memory_space<vmem>>, vector<16xf32>,
      %parallel_loop3A_529 = arith.index_cast %parallel_loop3A_486 : i32 to index
      %parallel_loop3A_530 = arith.constant 48 : index
      %parallel_loop3A_531 = tpu.vector_load %arg13[%parallel_loop3A_529, %parallel_loop3A_530] {strides = array<i32>} : memref<256x128xf32, #tpu.memory_space<vmem>>, vector<16xf32>,
      %parallel_loop3A_532 = arith.addf %parallel_loop3A_528, %parallel_loop3A_531 : vector<16xf32>
      %parallel_loop3A_533 = arith.select %parallel_loop3A_498, %get3A_261, %get3A_229 : vector<16xi1>, vector<16xf32>
      %parallel_loop3A_534 = arith.addf %parallel_loop3A_532, %parallel_loop3A_533 : vector<16xf32>
      %parallel_loop3A_535 = arith.index_cast %parallel_loop3A_486 : i32 to index
      %parallel_loop3A_536 = arith.constant 64 : index
      %parallel_loop3A_537 = tpu.vector_load %arg12[%parallel_loop3A_535, %parallel_loop3A_536] {strides = array<i32>} : memref<256x128xf32, #tpu.memory_space<vmem>>, vector<16xf32>,
      %parallel_loop3A_538 = arith.index_cast %parallel_loop3A_486 : i32 to index
      %parallel_loop3A_539 = arith.constant 64 : index
      %parallel_loop3A_540 = tpu.vector_load %arg13[%parallel_loop3A_538, %parallel_loop3A_539] {strides = array<i32>} : memref<256x128xf32, #tpu.memory_space<vmem>>, vector<16xf32>,
      %parallel_loop3A_541 = arith.addf %parallel_loop3A_537, %parallel_loop3A_540 : vector<16xf32>
      %parallel_loop3A_542 = arith.select %parallel_loop3A_498, %get3A_265, %get3A_233 : vector<16xi1>, vector<16xf32>
      %parallel_loop3A_543 = arith.addf %parallel_loop3A_541, %parallel_loop3A_542 : vector<16xf32>
      %parallel_loop3A_544 = arith.index_cast %parallel_loop3A_486 : i32 to index
      %parallel_loop3A_545 = arith.constant 80 : index
      %parallel_loop3A_546 = tpu.vector_load %arg12[%parallel_loop3A_544, %parallel_loop3A_545] {strides = array<i32>} : memref<256x128xf32, #tpu.memory_space<vmem>>, vector<16xf32>,
      %parallel_loop3A_547 = arith.index_cast %parallel_loop3A_486 : i32 to index
      %parallel_loop3A_548 = arith.constant 80 : index
      %parallel_loop3A_549 = tpu.vector_load %arg13[%parallel_loop3A_547, %parallel_loop3A_548] {strides = array<i32>} : memref<256x128xf32, #tpu.memory_space<vmem>>, vector<16xf32>,
      %parallel_loop3A_550 = arith.addf %parallel_loop3A_546, %parallel_loop3A_549 : vector<16xf32>
      %parallel_loop3A_551 = arith.select %parallel_loop3A_498, %get3A_269, %get3A_237 : vector<16xi1>, vector<16xf32>
      %parallel_loop3A_552 = arith.addf %parallel_loop3A_550, %parallel_loop3A_551 : vector<16xf32>
      %parallel_loop3A_553 = arith.index_cast %parallel_loop3A_486 : i32 to index
      %parallel_loop3A_554 = arith.constant 96 : index
      %parallel_loop3A_555 = tpu.vector_load %arg12[%parallel_loop3A_553, %parallel_loop3A_554] {strides = array<i32>} : memref<256x128xf32, #tpu.memory_space<vmem>>, vector<16xf32>,
      %parallel_loop3A_556 = arith.index_cast %parallel_loop3A_486 : i32 to index
      %parallel_loop3A_557 = arith.constant 96 : index
      %parallel_loop3A_558 = tpu.vector_load %arg13[%parallel_loop3A_556, %parallel_loop3A_557] {strides = array<i32>} : memref<256x128xf32, #tpu.memory_space<vmem>>, vector<16xf32>,
      %parallel_loop3A_559 = arith.addf %parallel_loop3A_555, %parallel_loop3A_558 : vector<16xf32>
      %parallel_loop3A_560 = arith.select %parallel_loop3A_498, %get3A_273, %get3A_241 : vector<16xi1>, vector<16xf32>
      %parallel_loop3A_561 = arith.addf %parallel_loop3A_559, %parallel_loop3A_560 : vector<16xf32>
      %parallel_loop3A_562 = arith.index_cast %parallel_loop3A_486 : i32 to index
      %parallel_loop3A_563 = arith.constant 112 : index
      %parallel_loop3A_564 = tpu.vector_load %arg12[%parallel_loop3A_562, %parallel_loop3A_563] {strides = array<i32>} : memref<256x128xf32, #tpu.memory_space<vmem>>, vector<16xf32>,
      %parallel_loop3A_565 = arith.index_cast %parallel_loop3A_486 : i32 to index
      %parallel_loop3A_566 = arith.constant 112 : index
      %parallel_loop3A_567 = tpu.vector_load %arg13[%parallel_loop3A_565, %parallel_loop3A_566] {strides = array<i32>} : memref<256x128xf32, #tpu.memory_space<vmem>>, vector<16xf32>,
      %parallel_loop3A_568 = arith.addf %parallel_loop3A_564, %parallel_loop3A_567 : vector<16xf32>
      %parallel_loop3A_569 = arith.select %parallel_loop3A_498, %get3A_277, %get3A_245 : vector<16xi1>, vector<16xf32>
      %parallel_loop3A_570 = arith.addf %parallel_loop3A_568, %parallel_loop3A_569 : vector<16xf32>
      %parallel_loop3A_571 = arith.mulf %parallel_loop3A_507, %parallel_loop3A_507 : vector<16xf32>
      %parallel_loop3A_572 = arith.addf %parallel_loop3A_507, %parallel_loop3A_516 : vector<16xf32>
      %parallel_loop3A_573 = arith.mulf %parallel_loop3A_516, %parallel_loop3A_516 : vector<16xf32>
      %parallel_loop3A_574 = arith.addf %parallel_loop3A_571, %parallel_loop3A_573 : vector<16xf32>
      %parallel_loop3A_575 = arith.addf %parallel_loop3A_572, %parallel_loop3A_525 : vector<16xf32>
      %parallel_loop3A_576 = arith.mulf %parallel_loop3A_525, %parallel_loop3A_525 : vector<16xf32>
      %parallel_loop3A_577 = arith.addf %parallel_loop3A_574, %parallel_loop3A_576 : vector<16xf32>
      %parallel_loop3A_578 = arith.addf %parallel_loop3A_575, %parallel_loop3A_534 : vector<16xf32>
      %parallel_loop3A_579 = arith.mulf %parallel_loop3A_534, %parallel_loop3A_534 : vector<16xf32>
      %parallel_loop3A_580 = arith.addf %parallel_loop3A_577, %parallel_loop3A_579 : vector<16xf32>
      %parallel_loop3A_581 = arith.addf %parallel_loop3A_578, %parallel_loop3A_543 : vector<16xf32>
      %parallel_loop3A_582 = arith.mulf %parallel_loop3A_543, %parallel_loop3A_543 : vector<16xf32>
      %parallel_loop3A_583 = arith.addf %parallel_loop3A_580, %parallel_loop3A_582 : vector<16xf32>
      %parallel_loop3A_584 = arith.addf %parallel_loop3A_581, %parallel_loop3A_552 : vector<16xf32>
      %parallel_loop3A_585 = arith.mulf %parallel_loop3A_552, %parallel_loop3A_552 : vector<16xf32>
      %parallel_loop3A_586 = arith.addf %parallel_loop3A_583, %parallel_loop3A_585 : vector<16xf32>
      %parallel_loop3A_587 = arith.addf %parallel_loop3A_584, %parallel_loop3A_561 : vector<16xf32>
      %parallel_loop3A_588 = arith.mulf %parallel_loop3A_561, %parallel_loop3A_561 : vector<16xf32>
      %parallel_loop3A_589 = arith.addf %parallel_loop3A_586, %parallel_loop3A_588 : vector<16xf32>
      %parallel_loop3A_590 = arith.addf %parallel_loop3A_587, %parallel_loop3A_570 : vector<16xf32>
      %parallel_loop3A_591 = arith.mulf %parallel_loop3A_570, %parallel_loop3A_570 : vector<16xf32>
      %parallel_loop3A_592 = arith.addf %parallel_loop3A_589, %parallel_loop3A_591 : vector<16xf32>
      %parallel_loop3A_593 = arith.constant 8 : i32
      %parallel_loop3A_594 = vector.broadcast %parallel_loop3A_593 : i32 to vector<16xi32>
      %parallel_loop3A_595 = arith.xori %iota3A, %parallel_loop3A_594 : vector<16xi32>
      %parallel_loop3A_596 = vector.shape_cast %parallel_loop3A_595 : vector<16xi32> to vector<16x1xi32>
      %parallel_loop3A_597 = vector.shape_cast %parallel_loop3A_596 : vector<16x1xi32> to vector<16xi32>
      %parallel_loop3A_598 = tpu.dynamic_gather %parallel_loop3A_590[%parallel_loop3A_597] in [0] : vector<16xf32>, vector<16xi32> -> vector<16xf32>
      %parallel_loop3A_599 = arith.addf %parallel_loop3A_590, %parallel_loop3A_598 : vector<16xf32>
      %parallel_loop3A_600 = arith.constant 4 : i32
      %parallel_loop3A_601 = vector.broadcast %parallel_loop3A_600 : i32 to vector<16xi32>
      %parallel_loop3A_602 = arith.xori %iota3A, %parallel_loop3A_601 : vector<16xi32>
      %parallel_loop3A_603 = vector.shape_cast %parallel_loop3A_602 : vector<16xi32> to vector<16x1xi32>
      %parallel_loop3A_604 = vector.shape_cast %parallel_loop3A_603 : vector<16x1xi32> to vector<16xi32>
      %parallel_loop3A_605 = tpu.dynamic_gather %parallel_loop3A_599[%parallel_loop3A_604] in [0] : vector<16xf32>, vector<16xi32> -> vector<16xf32>
      %parallel_loop3A_606 = arith.addf %parallel_loop3A_599, %parallel_loop3A_605 : vector<16xf32>
      %parallel_loop3A_607 = arith.constant 2 : i32
      %parallel_loop3A_608 = vector.broadcast %parallel_loop3A_607 : i32 to vector<16xi32>
      %parallel_loop3A_609 = arith.xori %iota3A, %parallel_loop3A_608 : vector<16xi32>
      %parallel_loop3A_610 = vector.shape_cast %parallel_loop3A_609 : vector<16xi32> to vector<16x1xi32>
      %parallel_loop3A_611 = vector.shape_cast %parallel_loop3A_610 : vector<16x1xi32> to vector<16xi32>
      %parallel_loop3A_612 = tpu.dynamic_gather %parallel_loop3A_606[%parallel_loop3A_611] in [0] : vector<16xf32>, vector<16xi32> -> vector<16xf32>
      %parallel_loop3A_613 = arith.addf %parallel_loop3A_606, %parallel_loop3A_612 : vector<16xf32>
      %parallel_loop3A_614 = arith.constant 1 : i32
      %parallel_loop3A_615 = vector.broadcast %parallel_loop3A_614 : i32 to vector<16xi32>
      %parallel_loop3A_616 = arith.xori %iota3A, %parallel_loop3A_615 : vector<16xi32>
      %parallel_loop3A_617 = vector.shape_cast %parallel_loop3A_616 : vector<16xi32> to vector<16x1xi32>
      %parallel_loop3A_618 = vector.shape_cast %parallel_loop3A_617 : vector<16x1xi32> to vector<16xi32>
      %parallel_loop3A_619 = tpu.dynamic_gather %parallel_loop3A_613[%parallel_loop3A_618] in [0] : vector<16xf32>, vector<16xi32> -> vector<16xf32>
      %parallel_loop3A_620 = arith.addf %parallel_loop3A_613, %parallel_loop3A_619 : vector<16xf32>
      %parallel_loop3A_621 = arith.constant 8 : i32
      %parallel_loop3A_622 = vector.broadcast %parallel_loop3A_621 : i32 to vector<16xi32>
      %parallel_loop3A_623 = arith.xori %iota3A, %parallel_loop3A_622 : vector<16xi32>
      %parallel_loop3A_624 = vector.shape_cast %parallel_loop3A_623 : vector<16xi32> to vector<16x1xi32>
      %parallel_loop3A_625 = vector.shape_cast %parallel_loop3A_624 : vector<16x1xi32> to vector<16xi32>
      %parallel_loop3A_626 = tpu.dynamic_gather %parallel_loop3A_592[%parallel_loop3A_625] in [0] : vector<16xf32>, vector<16xi32> -> vector<16xf32>
      %parallel_loop3A_627 = arith.addf %parallel_loop3A_592, %parallel_loop3A_626 : vector<16xf32>
      %parallel_loop3A_628 = arith.constant 4 : i32
      %parallel_loop3A_629 = vector.broadcast %parallel_loop3A_628 : i32 to vector<16xi32>
      %parallel_loop3A_630 = arith.xori %iota3A, %parallel_loop3A_629 : vector<16xi32>
      %parallel_loop3A_631 = vector.shape_cast %parallel_loop3A_630 : vector<16xi32> to vector<16x1xi32>
      %parallel_loop3A_632 = vector.shape_cast %parallel_loop3A_631 : vector<16x1xi32> to vector<16xi32>
      %parallel_loop3A_633 = tpu.dynamic_gather %parallel_loop3A_627[%parallel_loop3A_632] in [0] : vector<16xf32>, vector<16xi32> -> vector<16xf32>
      %parallel_loop3A_634 = arith.addf %parallel_loop3A_627, %parallel_loop3A_633 : vector<16xf32>
      %parallel_loop3A_635 = arith.constant 2 : i32
      %parallel_loop3A_636 = vector.broadcast %parallel_loop3A_635 : i32 to vector<16xi32>
      %parallel_loop3A_637 = arith.xori %iota3A, %parallel_loop3A_636 : vector<16xi32>
      %parallel_loop3A_638 = vector.shape_cast %parallel_loop3A_637 : vector<16xi32> to vector<16x1xi32>
      %parallel_loop3A_639 = vector.shape_cast %parallel_loop3A_638 : vector<16x1xi32> to vector<16xi32>
      %parallel_loop3A_640 = tpu.dynamic_gather %parallel_loop3A_634[%parallel_loop3A_639] in [0] : vector<16xf32>, vector<16xi32> -> vector<16xf32>
      %parallel_loop3A_641 = arith.addf %parallel_loop3A_634, %parallel_loop3A_640 : vector<16xf32>
      %parallel_loop3A_642 = arith.constant 1 : i32
      %parallel_loop3A_643 = vector.broadcast %parallel_loop3A_642 : i32 to vector<16xi32>
      %parallel_loop3A_644 = arith.xori %iota3A, %parallel_loop3A_643 : vector<16xi32>
      %parallel_loop3A_645 = vector.shape_cast %parallel_loop3A_644 : vector<16xi32> to vector<16x1xi32>
      %parallel_loop3A_646 = vector.shape_cast %parallel_loop3A_645 : vector<16x1xi32> to vector<16xi32>
      %parallel_loop3A_647 = tpu.dynamic_gather %parallel_loop3A_641[%parallel_loop3A_646] in [0] : vector<16xf32>, vector<16xi32> -> vector<16xf32>
      %parallel_loop3A_648 = arith.addf %parallel_loop3A_641, %parallel_loop3A_647 : vector<16xf32>
      %parallel_loop3A_649 = arith.constant 7.812500e-03 : f32
      %parallel_loop3A_650 = vector.broadcast %parallel_loop3A_649 : f32 to vector<16xf32>
      %parallel_loop3A_651 = arith.mulf %parallel_loop3A_620, %parallel_loop3A_650 : vector<16xf32>
      %parallel_loop3A_652 = arith.constant 7.812500e-03 : f32
      %parallel_loop3A_653 = vector.broadcast %parallel_loop3A_652 : f32 to vector<16xf32>
      %parallel_loop3A_654 = arith.mulf %parallel_loop3A_648, %parallel_loop3A_653 : vector<16xf32>
      %parallel_loop3A_655 = arith.mulf %parallel_loop3A_651, %parallel_loop3A_651 : vector<16xf32>
      %parallel_loop3A_656 = arith.subf %parallel_loop3A_654, %parallel_loop3A_655 : vector<16xf32>
      %parallel_loop3A_657 = arith.constant 0.000000e+00 : f32
      %parallel_loop3A_658 = vector.broadcast %parallel_loop3A_657 : f32 to vector<16xf32>
      %parallel_loop3A_659 = arith.maximumf %parallel_loop3A_656, %parallel_loop3A_658 : vector<16xf32>
      %parallel_loop3A_660 = arith.constant 9.99999996E-13 : f32
      %parallel_loop3A_661 = vector.broadcast %parallel_loop3A_660 : f32 to vector<16xf32>
      %parallel_loop3A_662 = arith.addf %parallel_loop3A_659, %parallel_loop3A_661 : vector<16xf32>
      %parallel_loop3A_663 = tpu.bitcast %parallel_loop3A_662 : vector<16xf32> -> vector<16xi32>
      %parallel_loop3A_664 = arith.constant 1 : i32
      %parallel_loop3A_665 = vector.broadcast %parallel_loop3A_664 : i32 to vector<16xi32>
      %parallel_loop3A_666 = arith.shrui %parallel_loop3A_663, %parallel_loop3A_665 : vector<16xi32>
      %parallel_loop3A_667 = arith.constant 1597463007 : i32
      %parallel_loop3A_668 = vector.broadcast %parallel_loop3A_667 : i32 to vector<16xi32>
      %parallel_loop3A_669 = arith.subi %parallel_loop3A_668, %parallel_loop3A_666 : vector<16xi32>
      %parallel_loop3A_670 = tpu.bitcast %parallel_loop3A_669 : vector<16xi32> -> vector<16xf32>
      %parallel_loop3A_671 = arith.constant 5.000000e-01 : f32
      %parallel_loop3A_672 = vector.broadcast %parallel_loop3A_671 : f32 to vector<16xf32>
      %parallel_loop3A_673 = arith.mulf %parallel_loop3A_672, %parallel_loop3A_662 : vector<16xf32>
      %parallel_loop3A_674 = arith.mulf %parallel_loop3A_673, %parallel_loop3A_670 : vector<16xf32>
      %parallel_loop3A_675 = arith.mulf %parallel_loop3A_674, %parallel_loop3A_670 : vector<16xf32>
      %parallel_loop3A_676 = arith.constant 1.500000e+00 : f32
      %parallel_loop3A_677 = vector.broadcast %parallel_loop3A_676 : f32 to vector<16xf32>
      %parallel_loop3A_678 = arith.subf %parallel_loop3A_677, %parallel_loop3A_675 : vector<16xf32>
      %parallel_loop3A_679 = arith.mulf %parallel_loop3A_670, %parallel_loop3A_678 : vector<16xf32>
      %parallel_loop3A_680 = arith.mulf %parallel_loop3A_673, %parallel_loop3A_679 : vector<16xf32>
      %parallel_loop3A_681 = arith.mulf %parallel_loop3A_680, %parallel_loop3A_679 : vector<16xf32>
      %parallel_loop3A_682 = arith.constant 1.500000e+00 : f32
      %parallel_loop3A_683 = vector.broadcast %parallel_loop3A_682 : f32 to vector<16xf32>
      %parallel_loop3A_684 = arith.subf %parallel_loop3A_683, %parallel_loop3A_681 : vector<16xf32>
      %parallel_loop3A_685 = arith.mulf %parallel_loop3A_679, %parallel_loop3A_684 : vector<16xf32>
      %parallel_loop3A_686 = arith.mulf %parallel_loop3A_651, %parallel_loop3A_685 : vector<16xf32>
      %parallel_loop3A_687 = arith.mulf %parallel_loop3A_507, %parallel_loop3A_685 : vector<16xf32>
      %parallel_loop3A_688 = arith.subf %parallel_loop3A_687, %parallel_loop3A_686 : vector<16xf32>
      %parallel_loop3A_689 = arith.mulf %parallel_loop3A_688, %get3A_279 : vector<16xf32>
      %parallel_loop3A_690 = arith.addf %parallel_loop3A_689, %get3A_295 : vector<16xf32>
      %parallel_loop3A_691 = arith.index_cast %parallel_loop3A_486 : i32 to index
      %parallel_loop3A_692 = arith.constant 0 : index
      %parallel_loop3A_693 = tpu.vector_load %arg12[%parallel_loop3A_691, %parallel_loop3A_692] {strides = array<i32>} : memref<256x128xf32, #tpu.memory_space<vmem>>, vector<16xf32>,
      tpu.vector_store %arg12[%parallel_loop3A_691, %parallel_loop3A_692], %parallel_loop3A_690 {strides = array<i32>} : memref<256x128xf32, #tpu.memory_space<vmem>>, vector<16xf32>,
      %parallel_loop3A_694 = arith.mulf %parallel_loop3A_516, %parallel_loop3A_685 : vector<16xf32>
      %parallel_loop3A_695 = arith.subf %parallel_loop3A_694, %parallel_loop3A_686 : vector<16xf32>
      %parallel_loop3A_696 = arith.mulf %parallel_loop3A_695, %get3A_281 : vector<16xf32>
      %parallel_loop3A_697 = arith.addf %parallel_loop3A_696, %get3A_297 : vector<16xf32>
      %parallel_loop3A_698 = arith.index_cast %parallel_loop3A_486 : i32 to index
      %parallel_loop3A_699 = arith.constant 16 : index
      %parallel_loop3A_700 = tpu.vector_load %arg12[%parallel_loop3A_698, %parallel_loop3A_699] {strides = array<i32>} : memref<256x128xf32, #tpu.memory_space<vmem>>, vector<16xf32>,
      tpu.vector_store %arg12[%parallel_loop3A_698, %parallel_loop3A_699], %parallel_loop3A_697 {strides = array<i32>} : memref<256x128xf32, #tpu.memory_space<vmem>>, vector<16xf32>,
      %parallel_loop3A_701 = arith.mulf %parallel_loop3A_525, %parallel_loop3A_685 : vector<16xf32>
      %parallel_loop3A_702 = arith.subf %parallel_loop3A_701, %parallel_loop3A_686 : vector<16xf32>
      %parallel_loop3A_703 = arith.mulf %parallel_loop3A_702, %get3A_283 : vector<16xf32>
      %parallel_loop3A_704 = arith.addf %parallel_loop3A_703, %get3A_299 : vector<16xf32>
      %parallel_loop3A_705 = arith.index_cast %parallel_loop3A_486 : i32 to index
      %parallel_loop3A_706 = arith.constant 32 : index
      %parallel_loop3A_707 = tpu.vector_load %arg12[%parallel_loop3A_705, %parallel_loop3A_706] {strides = array<i32>} : memref<256x128xf32, #tpu.memory_space<vmem>>, vector<16xf32>,
      tpu.vector_store %arg12[%parallel_loop3A_705, %parallel_loop3A_706], %parallel_loop3A_704 {strides = array<i32>} : memref<256x128xf32, #tpu.memory_space<vmem>>, vector<16xf32>,
      %parallel_loop3A_708 = arith.mulf %parallel_loop3A_534, %parallel_loop3A_685 : vector<16xf32>
      %parallel_loop3A_709 = arith.subf %parallel_loop3A_708, %parallel_loop3A_686 : vector<16xf32>
      %parallel_loop3A_710 = arith.mulf %parallel_loop3A_709, %get3A_285 : vector<16xf32>
      %parallel_loop3A_711 = arith.addf %parallel_loop3A_710, %get3A_301 : vector<16xf32>
      %parallel_loop3A_712 = arith.index_cast %parallel_loop3A_486 : i32 to index
      %parallel_loop3A_713 = arith.constant 48 : index
      %parallel_loop3A_714 = tpu.vector_load %arg12[%parallel_loop3A_712, %parallel_loop3A_713] {strides = array<i32>} : memref<256x128xf32, #tpu.memory_space<vmem>>, vector<16xf32>,
      tpu.vector_store %arg12[%parallel_loop3A_712, %parallel_loop3A_713], %parallel_loop3A_711 {strides = array<i32>} : memref<256x128xf32, #tpu.memory_space<vmem>>, vector<16xf32>,
      %parallel_loop3A_715 = arith.mulf %parallel_loop3A_543, %parallel_loop3A_685 : vector<16xf32>
      %parallel_loop3A_716 = arith.subf %parallel_loop3A_715, %parallel_loop3A_686 : vector<16xf32>
      %parallel_loop3A_717 = arith.mulf %parallel_loop3A_716, %get3A_287 : vector<16xf32>
      %parallel_loop3A_718 = arith.addf %parallel_loop3A_717, %get3A_303 : vector<16xf32>
      %parallel_loop3A_719 = arith.index_cast %parallel_loop3A_486 : i32 to index
      %parallel_loop3A_720 = arith.constant 64 : index
      %parallel_loop3A_721 = tpu.vector_load %arg12[%parallel_loop3A_719, %parallel_loop3A_720] {strides = array<i32>} : memref<256x128xf32, #tpu.memory_space<vmem>>, vector<16xf32>,
      tpu.vector_store %arg12[%parallel_loop3A_719, %parallel_loop3A_720], %parallel_loop3A_718 {strides = array<i32>} : memref<256x128xf32, #tpu.memory_space<vmem>>, vector<16xf32>,
      %parallel_loop3A_722 = arith.mulf %parallel_loop3A_552, %parallel_loop3A_685 : vector<16xf32>
      %parallel_loop3A_723 = arith.subf %parallel_loop3A_722, %parallel_loop3A_686 : vector<16xf32>
      %parallel_loop3A_724 = arith.mulf %parallel_loop3A_723, %get3A_289 : vector<16xf32>
      %parallel_loop3A_725 = arith.addf %parallel_loop3A_724, %get3A_305 : vector<16xf32>
      %parallel_loop3A_726 = arith.index_cast %parallel_loop3A_486 : i32 to index
      %parallel_loop3A_727 = arith.constant 80 : index
      %parallel_loop3A_728 = tpu.vector_load %arg12[%parallel_loop3A_726, %parallel_loop3A_727] {strides = array<i32>} : memref<256x128xf32, #tpu.memory_space<vmem>>, vector<16xf32>,
      tpu.vector_store %arg12[%parallel_loop3A_726, %parallel_loop3A_727], %parallel_loop3A_725 {strides = array<i32>} : memref<256x128xf32, #tpu.memory_space<vmem>>, vector<16xf32>,
      %parallel_loop3A_729 = arith.mulf %parallel_loop3A_561, %parallel_loop3A_685 : vector<16xf32>
      %parallel_loop3A_730 = arith.subf %parallel_loop3A_729, %parallel_loop3A_686 : vector<16xf32>
      %parallel_loop3A_731 = arith.mulf %parallel_loop3A_730, %get3A_291 : vector<16xf32>
      %parallel_loop3A_732 = arith.addf %parallel_loop3A_731, %get3A_307 : vector<16xf32>
      %parallel_loop3A_733 = arith.index_cast %parallel_loop3A_486 : i32 to index
      %parallel_loop3A_734 = arith.constant 96 : index
      %parallel_loop3A_735 = tpu.vector_load %arg12[%parallel_loop3A_733, %parallel_loop3A_734] {strides = array<i32>} : memref<256x128xf32, #tpu.memory_space<vmem>>, vector<16xf32>,
      tpu.vector_store %arg12[%parallel_loop3A_733, %parallel_loop3A_734], %parallel_loop3A_732 {strides = array<i32>} : memref<256x128xf32, #tpu.memory_space<vmem>>, vector<16xf32>,
      %parallel_loop3A_736 = arith.mulf %parallel_loop3A_570, %parallel_loop3A_685 : vector<16xf32>
      %parallel_loop3A_737 = arith.subf %parallel_loop3A_736, %parallel_loop3A_686 : vector<16xf32>
      %parallel_loop3A_738 = arith.mulf %parallel_loop3A_737, %get3A_293 : vector<16xf32>
      %parallel_loop3A_739 = arith.addf %parallel_loop3A_738, %get3A_309 : vector<16xf32>
      %parallel_loop3A_740 = arith.index_cast %parallel_loop3A_486 : i32 to index
      %parallel_loop3A_741 = arith.constant 112 : index
      %parallel_loop3A_742 = tpu.vector_load %arg12[%parallel_loop3A_740, %parallel_loop3A_741] {strides = array<i32>} : memref<256x128xf32, #tpu.memory_space<vmem>>, vector<16xf32>,
      tpu.vector_store %arg12[%parallel_loop3A_740, %parallel_loop3A_741], %parallel_loop3A_739 {strides = array<i32>} : memref<256x128xf32, #tpu.memory_space<vmem>>, vector<16xf32>,
    } {sc.loop_unroll_factor = 4 : i64, sc.parallel_access}
    %add3A_424 = arith.constant 192 : i32
    %add3A_425 = arith.addi %rem3A_4, %add3A_424 : i32
    %dma_start3A_426 = arith.constant 192 : i32
    %dma_start3A_427 = arith.constant 0 : i32
    %dma_start3A_428 = tpu.memref_slice %arg12[%dma_start3A_426, %dma_start3A_427] : memref<256x128xf32, #tpu.memory_space<vmem>> -> memref<64x128xf32, #tpu.memory_space<vmem>>
    %dma_start3A_429 = arith.constant 0 : i32
    %dma_start3A_430 = tpu.memref_slice %arg9[%div3A_3, %add3A_425, %dma_start3A_429] : memref<4x2048x128xf32, #tpu.memory_space<hbm>> -> memref<1x64x128xf32, #tpu.memory_space<hbm>>
    %dma_start3A_431 = tpu.memref_squeeze %dma_start3A_430 : memref<1x64x128xf32, #tpu.memory_space<hbm>> -> memref<64x128xf32, #tpu.memory_space<hbm>>
    %dma_start3A_432 = arith.constant 0 : i32
    %dma_start3A_433 = tpu.memref_slice %arg9[%div3A_3, %add3A_425, %dma_start3A_432] : memref<4x2048x128xf32, #tpu.memory_space<hbm>> -> memref<1x64x128xf32, #tpu.memory_space<hbm>>
    %dma_start3A_434 = tpu.memref_squeeze %dma_start3A_433 : memref<1x64x128xf32, #tpu.memory_space<hbm>> -> memref<64x128xf32, #tpu.memory_space<hbm>>
    %dma_start3A_435 = arith.constant 192 : i32
    %dma_start3A_436 = arith.constant 0 : i32
    %dma_start3A_437 = tpu.memref_slice %arg12[%dma_start3A_435, %dma_start3A_436] : memref<256x128xf32, #tpu.memory_space<vmem>> -> memref<64x128xf32, #tpu.memory_space<vmem>>
    tpu.enqueue_dma source(%dma_start3A_437 : memref<64x128xf32, #tpu.memory_space<vmem>>) target(%dma_start3A_434 : memref<64x128xf32, #tpu.memory_space<hbm>>) target_semaphore(%arg19 : memref<!tpu.dma_semaphore, #tpu.memory_space<semaphore_mem>>)
    %dma_wait3A_438 = arith.constant 0 : i32
    %dma_wait3A_439 = arith.constant 0 : i32
    %dma_wait3A_440 = tpu.memref_slice %arg12[%dma_wait3A_438, %dma_wait3A_439] : memref<256x128xf32, #tpu.memory_space<vmem>> -> memref<64x128xf32, #tpu.memory_space<vmem>>
    %dma_wait3A_441 = arith.constant 0 : i32
    %dma_wait3A_442 = tpu.memref_slice %arg9[%div3A_3, %add3A_314, %dma_wait3A_441] : memref<4x2048x128xf32, #tpu.memory_space<hbm>> -> memref<1x64x128xf32, #tpu.memory_space<hbm>>
    %dma_wait3A_443 = tpu.memref_squeeze %dma_wait3A_442 : memref<1x64x128xf32, #tpu.memory_space<hbm>> -> memref<64x128xf32, #tpu.memory_space<hbm>>
    %dma_wait3A_444 = arith.constant 0 : i32
    %dma_wait3A_445 = tpu.memref_slice %arg9[%div3A_3, %add3A_314, %dma_wait3A_444] : memref<4x2048x128xf32, #tpu.memory_space<hbm>> -> memref<1x64x128xf32, #tpu.memory_space<hbm>>
    %dma_wait3A_446 = tpu.memref_squeeze %dma_wait3A_445 : memref<1x64x128xf32, #tpu.memory_space<hbm>> -> memref<64x128xf32, #tpu.memory_space<hbm>>
    %dma_wait3A_447 = arith.constant 0 : i32
    %dma_wait3A_448 = arith.constant 0 : i32
    %dma_wait3A_449 = tpu.memref_slice %arg12[%dma_wait3A_447, %dma_wait3A_448] : memref<256x128xf32, #tpu.memory_space<vmem>> -> memref<64x128xf32, #tpu.memory_space<vmem>>
    tpu.wait_dma2 semaphore(%arg19 : memref<!tpu.dma_semaphore, #tpu.memory_space<semaphore_mem>>) src(%dma_wait3A_449 : memref<64x128xf32, #tpu.memory_space<vmem>>) dst(%dma_wait3A_446 : memref<64x128xf32, #tpu.memory_space<hbm>>)
    %dma_wait3A_450 = arith.constant 64 : i32
    %dma_wait3A_451 = arith.constant 0 : i32
    %dma_wait3A_452 = tpu.memref_slice %arg12[%dma_wait3A_450, %dma_wait3A_451] : memref<256x128xf32, #tpu.memory_space<vmem>> -> memref<64x128xf32, #tpu.memory_space<vmem>>
    %dma_wait3A_453 = arith.constant 0 : i32
    %dma_wait3A_454 = tpu.memref_slice %arg9[%div3A_3, %add3A_351, %dma_wait3A_453] : memref<4x2048x128xf32, #tpu.memory_space<hbm>> -> memref<1x64x128xf32, #tpu.memory_space<hbm>>
    %dma_wait3A_455 = tpu.memref_squeeze %dma_wait3A_454 : memref<1x64x128xf32, #tpu.memory_space<hbm>> -> memref<64x128xf32, #tpu.memory_space<hbm>>
    %dma_wait3A_456 = arith.constant 0 : i32
    %dma_wait3A_457 = tpu.memref_slice %arg9[%div3A_3, %add3A_351, %dma_wait3A_456] : memref<4x2048x128xf32, #tpu.memory_space<hbm>> -> memref<1x64x128xf32, #tpu.memory_space<hbm>>
    %dma_wait3A_458 = tpu.memref_squeeze %dma_wait3A_457 : memref<1x64x128xf32, #tpu.memory_space<hbm>> -> memref<64x128xf32, #tpu.memory_space<hbm>>
    %dma_wait3A_459 = arith.constant 64 : i32
    %dma_wait3A_460 = arith.constant 0 : i32
    %dma_wait3A_461 = tpu.memref_slice %arg12[%dma_wait3A_459, %dma_wait3A_460] : memref<256x128xf32, #tpu.memory_space<vmem>> -> memref<64x128xf32, #tpu.memory_space<vmem>>
    tpu.wait_dma2 semaphore(%arg19 : memref<!tpu.dma_semaphore, #tpu.memory_space<semaphore_mem>>) src(%dma_wait3A_461 : memref<64x128xf32, #tpu.memory_space<vmem>>) dst(%dma_wait3A_458 : memref<64x128xf32, #tpu.memory_space<hbm>>)
    %dma_wait3A_462 = arith.constant 128 : i32
    %dma_wait3A_463 = arith.constant 0 : i32
    %dma_wait3A_464 = tpu.memref_slice %arg12[%dma_wait3A_462, %dma_wait3A_463] : memref<256x128xf32, #tpu.memory_space<vmem>> -> memref<64x128xf32, #tpu.memory_space<vmem>>
    %dma_wait3A_465 = arith.constant 0 : i32
    %dma_wait3A_466 = tpu.memref_slice %arg9[%div3A_3, %add3A_388, %dma_wait3A_465] : memref<4x2048x128xf32, #tpu.memory_space<hbm>> -> memref<1x64x128xf32, #tpu.memory_space<hbm>>
    %dma_wait3A_467 = tpu.memref_squeeze %dma_wait3A_466 : memref<1x64x128xf32, #tpu.memory_space<hbm>> -> memref<64x128xf32, #tpu.memory_space<hbm>>
    %dma_wait3A_468 = arith.constant 0 : i32
    %dma_wait3A_469 = tpu.memref_slice %arg9[%div3A_3, %add3A_388, %dma_wait3A_468] : memref<4x2048x128xf32, #tpu.memory_space<hbm>> -> memref<1x64x128xf32, #tpu.memory_space<hbm>>
    %dma_wait3A_470 = tpu.memref_squeeze %dma_wait3A_469 : memref<1x64x128xf32, #tpu.memory_space<hbm>> -> memref<64x128xf32, #tpu.memory_space<hbm>>
    %dma_wait3A_471 = arith.constant 128 : i32
    %dma_wait3A_472 = arith.constant 0 : i32
    %dma_wait3A_473 = tpu.memref_slice %arg12[%dma_wait3A_471, %dma_wait3A_472] : memref<256x128xf32, #tpu.memory_space<vmem>> -> memref<64x128xf32, #tpu.memory_space<vmem>>
    tpu.wait_dma2 semaphore(%arg19 : memref<!tpu.dma_semaphore, #tpu.memory_space<semaphore_mem>>) src(%dma_wait3A_473 : memref<64x128xf32, #tpu.memory_space<vmem>>) dst(%dma_wait3A_470 : memref<64x128xf32, #tpu.memory_space<hbm>>)
    %dma_wait3A_474 = arith.constant 192 : i32
    %dma_wait3A_475 = arith.constant 0 : i32
    %dma_wait3A_476 = tpu.memref_slice %arg12[%dma_wait3A_474, %dma_wait3A_475] : memref<256x128xf32, #tpu.memory_space<vmem>> -> memref<64x128xf32, #tpu.memory_space<vmem>>
    %dma_wait3A_477 = arith.constant 0 : i32
    %dma_wait3A_478 = tpu.memref_slice %arg9[%div3A_3, %add3A_425, %dma_wait3A_477] : memref<4x2048x128xf32, #tpu.memory_space<hbm>> -> memref<1x64x128xf32, #tpu.memory_space<hbm>>
    %dma_wait3A_479 = tpu.memref_squeeze %dma_wait3A_478 : memref<1x64x128xf32, #tpu.memory_space<hbm>> -> memref<64x128xf32, #tpu.memory_space<hbm>>
    %dma_wait3A_480 = arith.constant 0 : i32
    %dma_wait3A_481 = tpu.memref_slice %arg9[%div3A_3, %add3A_425, %dma_wait3A_480] : memref<4x2048x128xf32, #tpu.memory_space<hbm>> -> memref<1x64x128xf32, #tpu.memory_space<hbm>>
    %dma_wait3A_482 = tpu.memref_squeeze %dma_wait3A_481 : memref<1x64x128xf32, #tpu.memory_space<hbm>> -> memref<64x128xf32, #tpu.memory_space<hbm>>
    %dma_wait3A_483 = arith.constant 192 : i32
    %dma_wait3A_484 = arith.constant 0 : i32
    %dma_wait3A_485 = tpu.memref_slice %arg12[%dma_wait3A_483, %dma_wait3A_484] : memref<256x128xf32, #tpu.memory_space<vmem>> -> memref<64x128xf32, #tpu.memory_space<vmem>>
    tpu.wait_dma2 semaphore(%arg19 : memref<!tpu.dma_semaphore, #tpu.memory_space<semaphore_mem>>) src(%dma_wait3A_485 : memref<64x128xf32, #tpu.memory_space<vmem>>) dst(%dma_wait3A_482 : memref<64x128xf32, #tpu.memory_space<hbm>>)
    return
  }
}

</mosaic_0001>

<sc_bundles>
// kernel: kernel.3.cloned.1.call-start
scs
__scs_entry_jumppad:
0x0: {  	(pc) =	sbr.rel $0x88, $3  }
0x1: {  	(tag) =	ssettag $0x0;
	lr =	simm.s32 $0x1  }
0x2: {  	[smem:$0x3F9A] =	sst lr;
	_ =	strace $0xD0000000  }
0x3: {  	_ = 	snop  }
0x4: {  	_ = 	snop  }
0x5: {  	_ = 	snop  }
0x6: {  	_ = 	snop  }
0x7: {  	_ = 	snop  }
__scs_overlays_trampoline_lowered:
0x8: {  	[smem:$0x3FA9] =	sst s0  }
0x9: {  	[smem:$0x3FAA] =	sst s1  }
0xa: {  	[smem:$0x3FAB] =	sst s2  }
0xb: {  	[smem:$0x3FAC] =	sst s3  }
0xc: {  	[smem:$0x3FAD] =	sst s4  }
0xd: {  	[smem:$0x3FAE] =	sst s5  }
0xe: {  	[smem:$0x3FAF] =	sst s6  }
0xf: {  	[smem:$0x3FB0] =	sst s7  }
0x10: {  	[smem:$0x3FB1] =	sst s8  }
0x11: {  	[smem:$0x3FB2] =	sst s9;
	s0 =	simm.s32 @!p0 $0x0  }
0x12: {  	s1 =	sld [smem:$0x3F98];
	s0 =	simm.s32 @p0 $0x1  }
0x13: {  	[smem:$0x3FB3] =	sst s0;
	s0 =	simm.s32 @!p1 $0x0  }
0x14: {  	s2 =	sld [smem:$0x3F97];
	s0 =	simm.s32 @p1 $0x1  }
0x15: {  	[smem:$0x3FB4] =	sst s0;
	s0 =	simm.s32 @!p2 $0x0  }
0x16: {  	s3 =	sld [smem:$0x3FDB];
	s0 =	simm.s32 @p2 $0x1  }
0x17: {  	s4 =	simm.s32 $0x1BF5;
	[smem:$0x3FB6] =	sst s0  }
0x18: {  	s0 =	sld [smem:$0x3F99];
	_ =	swait.ge [sflag:s4], $0x0  }
0x19: {  	s7 =	sld [smem:$0x3F9A]  }
0x1a: {  	s8 =	sadd.s32 $0xFFFFE003, lr  }
0x1b: {  	s9 =	sadd.s32 $0xFFFFFEF7, lr;
	s5 =	simm.s32 $0xFFFFFFFF;
	p2 =	slt.u32 s8, $0xFFFFF086  }
0x1c: {  	p1 =	slt.u32 s9, $0xF7A;
	s5 =	simm.s32 @!p2 $0x0  }
0x1d: {  	s5 =	simm.s32 @p1 $0x1;
	p0 =	seq.s32 s7, s2  }
0x1e: {  	s7 =	smul.u32 @!p0 $0xF7A, s2;
	p2 =	seq.s32 @!p0 s5, $0x0  }
0x1f: {  	s9 =	smul.u32 $0xF7A, s1;
	s8 =	simm.s32 @!p0 $0x1BF5;
	p2 =	por !p2, p0  }
0x20: {  	[sflag:s8] =	ssyncset.s32 @!p0 $0xFFFFF086;
	s6 =	sadd.s32 @!p0 s3, s7;
	s7 =	simm.s32 @!p0 $0x108  }
0x21: {  	s3 =	sadd.s32 s3, s9;
	s6 =	sadd.s32 @!p0 $0x88, s6;
	s7 =	simm.s32 @p2 $0x1082  }
0x22: {  	[simem:s7], [sflag:s8] =	dma.local @!p0 [hbm:s6], $0xF7A  }
0x23: {  	s9 =	sor.u32 $0xD0000000, s2;
	s6 =	simm.s32 $0x108;
	_ =	swait.ge @!p0 [sflag:s8], $0x0  }
0x24: {  	s3 =	sadd.s32 $0x88, s3;
	s6 =	simm.s32 @!p1 $0x1082;
	[sflag:s4] =	ssyncset.s32 $0xFFFFF086  }
0x25: {  	[simem:s6], [sflag:s4] =	dma.local [hbm:s3], $0xF7A  }
0x26: {  	[smem:$0x3F9A] =	sst s1;
	(tag) =	ssettag s2;
	_ =	strace s9  }
0x27: {  	s1 =	sld [smem:$0x3FAA]  }
0x28: {  	s2 =	sld [smem:$0x3FAB]  }
0x29: {  	s4 =	sld [smem:$0x3FAD]  }
0x2a: {  	p0 =	seq.s32 s5, $0x0;
	s5 =	sld [smem:$0x3FAE]  }
0x2b: {  	s6 =	sld [smem:$0x3FAF]  }
0x2c: {  	s7 =	sld [smem:$0x3FB0]  }
0x2d: {  	s3 =	simm.s32 $0x108;
	s8 =	sld [smem:$0x3FB1]  }
0x2e: {  	s3 =	simm.s32 @!p0 $0x1082;
	s9 =	sld [smem:$0x3FB2]  }
0x2f: {  	lr =	sadd.s32 s0, s3;
	s0 =	sld [smem:$0x3FA9]  }
0x30: {  	s3 =	sld [smem:$0x3FAC]  }
0x31: {  	[smem:$0x3FB5] =	sst s10  }
0x32: {  	s10 =	sld [smem:$0x3FB3];
	_ =	sdelay $0x3  }
0x33: {  	p0 =	seq.s32 s10, $0x1;
	s10 =	sld [smem:$0x3FB5];
	_ =	sdelay $0x3  }
0x34: {  	[smem:$0x3FB5] =	sst s10  }
0x35: {  	s10 =	sld [smem:$0x3FB4];
	_ =	sdelay $0x3  }
0x36: {  	p1 =	seq.s32 s10, $0x1;
	s10 =	sld [smem:$0x3FB5];
	_ =	sdelay $0x3  }
0x37: {  	[smem:$0x3FB5] =	sst s10  }
0x38: {  	s10 =	sld [smem:$0x3FB6]  }
0x39: {  	_ = 	snop;
	(pc) =	sbr.ind lr, $3  }
0x3a: {  	_ = 	snop  }
0x3b: {  	_ = 	snop  }
0x3c: {  	p2 =	seq.s32 s10, $0x1;
	s10 =	sld [smem:$0x3FB5]  }
0x3d: {  	_ =	shalt  }
0x3e: {  	_ =	shalt  }
0x3f: {  	_ =	shalt  }
0x40: {  	_ =	shalt  }
0x41: {  	_ =	shalt  }
0x42: {  	_ =	shalt  }
0x43: {  	_ =	shalt  }
0x44: {  	_ =	shalt  }
0x45: {  	_ =	shalt  }
0x46: {  	_ =	shalt  }
0x47: {  	_ =	shalt  }
0x48: {  	_ =	shalt  }
0x49: {  	_ =	shalt  }
0x4a: {  	_ =	shalt  }
0x4b: {  	_ =	shalt  }
0x4c: {  	_ =	shalt  }
0x4d: {  	_ =	shalt  }
0x4e: {  	_ =	shalt  }
0x4f: {  	_ =	shalt  }
0x50: {  	_ =	shalt  }
0x51: {  	_ =	shalt  }
0x52: {  	_ =	shalt  }
0x53: {  	_ =	shalt  }
0x54: {  	_ =	shalt  }
0x55: {  	_ =	shalt  }
0x56: {  	_ =	shalt  }
0x57: {  	_ =	shalt  }
0x58: {  	_ =	shalt  }
0x59: {  	_ =	shalt  }
0x5a: {  	_ =	shalt  }
0x5b: {  	_ =	shalt  }
0x5c: {  	_ =	shalt  }
0x5d: {  	_ =	shalt  }
0x5e: {  	_ =	shalt  }
0x5f: {  	_ =	shalt  }
0x60: {  	_ =	shalt  }
0x61: {  	_ =	shalt  }
0x62: {  	_ =	shalt  }
0x63: {  	_ =	shalt  }
0x64: {  	_ =	shalt  }
0x65: {  	_ =	shalt  }
0x66: {  	_ =	shalt  }
0x67: {  	_ =	shalt  }
0x68: {  	_ =	shalt  }
0x69: {  	_ =	shalt  }
0x6a: {  	_ =	shalt  }
0x6b: {  	_ =	shalt  }
0x6c: {  	_ =	shalt  }
0x6d: {  	_ =	shalt  }
0x6e: {  	_ =	shalt  }
0x6f: {  	_ =	shalt  }
0x70: {  	_ =	shalt  }
0x71: {  	_ =	shalt  }
0x72: {  	_ =	shalt  }
0x73: {  	_ =	shalt  }
0x74: {  	_ =	shalt  }
0x75: {  	_ =	shalt  }
0x76: {  	_ =	shalt  }
0x77: {  	_ =	shalt  }
0x78: {  	_ =	shalt  }
0x79: {  	_ =	shalt  }
0x7a: {  	_ =	shalt  }
0x7b: {  	_ =	shalt  }
0x7c: {  	_ =	shalt  }
0x7d: {  	_ =	shalt  }
0x7e: {  	_ =	shalt  }
0x7f: {  	_ =	shalt  }
0x80: {  	_ =	shalt  }
0x81: {  	_ =	shalt  }
0x82: {  	_ =	shalt  }
0x83: {  	_ =	shalt  }
0x84: {  	_ =	shalt  }
0x85: {  	_ =	shalt  }
0x86: {  	_ =	shalt  }
0x87: {  	_ =	shalt  }
.Lfunc_end0:
.L_simem_size_0:
called_computation_lowered:
.L_overlay_start_0:
0x88: {  	s2 =	sld [smem:$0x3FD9]  }
0x89: {  	s3 =	sld [smem:$0x3FFE];
	_ =	sdelay $0x1  }
0x8a: {  	s1 =	srdreg.scid  }
0x8b: {  	s0 =	sand.u32 $0x1, s1  }
0x8c: {  	s18 =	sshll.u32 s0, $0xA;
	s2 =	sadd.s32 s3, s2  }
0x8d: {  	s2 =	sadd.s32 s2, s18  }
0x8e: {  	[smem:$0x3FC1] =	sst s2  }
0x8f: {  	_ = 	snop  }
0x90: {  	s2 =	sld [smem:$0x3FC9]  }
0x91: {  	s19 =	sld [smem:$0x3FC8]  }
0x92: {  	s4 =	sld [smem:$0x3FC7]  }
0x93: {  	s5 =	sld [smem:$0x3FC6]  }
0x94: {  	s6 =	sld [smem:$0x3FC5]  }
0x95: {  	s7 =	sld [smem:$0x3FC4]  }
0x96: {  	s8 =	sld [smem:$0x3FC3]  }
0x97: {  	s9 =	sld [smem:$0x3FD0];
	(tm) =	ssettm $0x1  }
0x98: {  	s10 =	sld [smem:$0x3FFB];
	_ =	sdelay $0x3  }
0x99: {  	_ =	strace s10  }
0x9a: {  	s10 =	sld [smem:$0x3FFC];
	_ =	sdelay $0x3  }
0x9b: {  	_ =	strace s10  }
0x9c: {  	s10 =	sld [smem:$0x3FFD];
	_ =	sdelay $0x3  }
0x9d: {  	_ =	strace s10  }
0x9e: {  	_ =	strace $0x8FFFFFFF  }
0x9f: {  	s20 =	sld [smem:$0x3FDB];
	_ =	sdelay $0x1  }
0xa0: {  	s11 =	simm.s32 $_scs_section_size  }
0xa1: {  	s12 =	simm.s32 $_size__tile_overlayer_lowered;
	s13 =	simm.s32 $_tile_overlayer_lowered  }
0xa2: {  	s23 =	simm.s32 $0x1BFF;
	s22 =	sshll.u32 s13, $0x1;
	s10 =	sadd.s32 s11, s20  }
0xa3: {  	s14 =	simm.s32 $0x0;
	s21 =	sshll.u32 s12, $0x1;
	s12 =	sadd.s32 s22, s10  }
0xa4: {  	[timem:s14], [sflag:s23] =	dma.local [hbm:s12], s21  }
0xa5: {  	_ =	swait.ge [sflag:s23], s21  }
0xa6: {  	s11 =	ssub.s32 $0x0, s21;
	[sflag:s23] =	ssyncset.done $0x0  }
0xa7: {  	[sflag:s23] =	ssyncadd.s32 s11;
	_ =	sdelay $0x1  }
0xa8: {  	s24 =	simm.s32 $0x1B8B  }
0xa9: {  	_ =	swait.ge [sflag:s24], $0x1  }
0xaa: {  	[sflag:s24] =	ssyncset.done $0x0  }
0xab: {  	s25 =	simm.s32 $0x1B8E;
	[sflag:s24] =	ssyncadd.s32 $0xFFFFFFFF  }
0xac: {  	s26 =	simm.s32 $execute0_lowered;
	[smem:$0x3FD2] =	sst s25  }
0xad: {  	s11 =	sshll.u32 s26, $0x1;
	_ =	strace $0x80000046;
	[dreg:$0x1] =	wrdreg $0xFFFFFFFF  }
0xae: {  	s28 =	simm.s32 $_size_execute0_lowered;
	s10 =	sadd.s32 s10, s11;
	[dreg:$0x0] =	wrdreg $0x0  }
0xaf: {  	s11 =	sshll.u32 s28, $0x1;
	[dreg:$0x2] =	wrdreg s10  }
0xb0: {  	[dreg:$0x3] =	wrdreg s11  }
0xb1: {  	[dreg:$0x4] =	wrdreg $0xC0  }
0xb2: {  	_ =	task [dreg:s14], $0x5FFFF  }
0xb3: {  	[dreg:$0x1] =	wrdreg $0xFFFFFFFF  }
0xb4: {  	[dreg:$0x0] =	wrdreg $0x60  }
0xb5: {  	[dreg:$0x2] =	wrdreg s2  }
0xb6: {  	[dreg:$0x3] =	wrdreg s19  }
0xb7: {  	[dreg:$0x4] =	wrdreg s4  }
0xb8: {  	[dreg:$0x5] =	wrdreg s5  }
0xb9: {  	[dreg:$0x6] =	wrdreg s6  }
0xba: {  	[dreg:$0x7] =	wrdreg s7  }
0xbb: {  	[dreg:$0x8] =	wrdreg s8  }
0xbc: {  	[dreg:$0x9] =	wrdreg s9  }
0xbd: {  	[dreg:$0xa] =	wrdreg $0x9  }
0xbe: {  	_ =	task.clear_ibuf [dreg:s14], $0xBFFFF;
	_ =	strace $0x90000046  }
0xbf: {  	s29 =	simm.s32 $0x9;
	_ =	strace $0x80000048  }
0xc0: {  	_ =	swait.ge [sflag:s29], $0x1  }
0xc1: {  	[sflag:s29] =	ssyncadd.s32 $0xFFFFFFFF  }
0xc2: {  	_ =	strace $0x90000048  }
0xc3: {  	_ =	sfence  }
0xc4: {  	s30 =	sld [smem:$0x0];
	_ =	sdelay $0x2  }
0xc5: {  	s31 =	sshll.u32 s1, $0xD;
	s1 =	sshrl.u32 s1, $0x2  }
0xc6: {  	s3 =	sand.u32 $0x4000, s31;
	s1 =	sadd.s32 s1, s30  }
0xc7: {  	s0 =	sor.u32 s3, s0;
	s1 =	sshll.u32 s1, $0x11  }
0xc8: {  	s0 =	sor.u32 s1, s0  }
0xc9: {  	s0 =	sadd.s32 $0x8F2B, s0  }
0xca: {  	[sflag:s0] =	ssyncadd.remote.s32 $0x1  }
0xcb: {  	_ =	sfence.sel $0xFFFF  }
0xcc: {  	[dreg:$0x0] =	wrdreg $0xFFFFFFFF;
	(pc) =	sbr.abs _section_cstart, $3  }
0xcd: {  	[dreg:$0x1] =	wrdreg $0xFFFFFFFF  }
0xce: {  	_ =	task.clear_ibuf [dreg:s14], $0x2FFFF;
	_ =	strace $0x9FFFFFFF  }
0xcf: {  	(tm) =	ssettm $0x7FFFFFFF  }
tec
execute0_lowered:
.L_overlay_start_1:
0x0: {  	(tag) =	ssettag $0x1  }
0x1: {  	s2 =	rddreg [dreg:$0x0]  }
0x2: {  	s3 =	rddreg [dreg:$0x1]  }
0x3: {  	s1 =	rddreg [dreg:$0x2]  }
0x4: {  	s4 =	rddreg [dreg:$0x4]  }
0x5: {  	s0 =	srdreg.scid;
	s8 =	stileid.u32  }
0x6: {  	s28 =	simm.s32 $0x180;
	s29 =	simm.s32 $0x3;
	s30 =	simm.s32 $0x40  }
0x7: {  	s31 =	simm.s32 $0x300;
	s5 =	sand.u32 $0x1, s0;
	s24 =	sshll.u32 s8, $0x9  }
0x8: {  	s0 =	rddreg [dreg:$0x7];
	s14 =	sshrl.u32 s8, $0x2;
	s12 =	sadd.s32 $0x8, s2  }
0x9: {  	s6 =	sshll.u32 s5, $0x8;
	s7 =	sand.u32 $0x600, s24;
	s10 =	sshll.u32 s14, $0x7  }
0xa: {  	s5 =	ssub.s32 $0x2, s5;
	s22 =	sshll.u32 s14, $0x12;
	s7 =	sor.u32 s6, s7  }
0xb: {  	s6 =	simm.s32 $0x0;
	s9 =	sshrl.u32 s5, $0x1;
	s25 =	sshll.u32 s7, $0x2  }
0xc: {  	[smem:$0x7FF] =	sst s6;
	s5 =	ssub.s32 s5, s9;
	s15 =	sor.u32 $0xC0, s7  }
0xd: {  	s18 =	sshll.u32 s7, $0x7;
	s20 =	sshll.u32 s7, $0x4;
	s8 =	sor.u32 s10, s25  }
0xe: {  	_ =	strace $0x80000047;
	s16 =	sshll.u32 s15, $0x2;
	s24 =	sshll.u32 s15, $0x4  }
0xf: {  	s11 =	sshrl.u32 s8, $0x3;
	s8 =	sor.u32 $0x80, s7;
	s17 =	sand.u32 $0x1E00, s16  }
0x10: {  	s16 =	sor.u32 s22, s18;
	s3 =	sadd.s32 s3, s11;
	s26 =	sadd.s32 s2, s11  }
0x11: {  	s13 =	sshll.u32 s8, $0x2;
	s9 =	sadd.s32 s11, s12;
	[dreg:$0x9] =	wrdreg s3  }
0x12: {  	v0 =	vimm.s32 $0xFEDCBA98;
	v1 =	vimm.s32 $0x76543210;
	s23 =	sshll.u32 s8, $0x7;
	s16 =	sshrl.u32 s16, $0x3;
	[dreg:$0xa] =	wrdreg s26  }
0x13: {  	v2 =	vimm.s32 $0xBA98FEDC;
	v3 =	vimm.s32 $0x32107654;
	v4 =	vimm.s32 $0xDCFE98BA;
	s13 =	sor.u32 s10, s13;
	s3 =	sshll.u32 s8, $0x4;
	s16 =	sadd.s32 s0, s16  }
0x14: {  	v5 =	vimm.s32 $0x54761032;
	v6 =	vimm.s32 $0xEFCDAB89;
	v7 =	vimm.s32 $0x67452301;
	s26 =	sor.u32 s22, s23;
	s11 =	sshrl.u32 s13, $0x3;
	s13 =	sor.u32 s10, s17  }
0x15: {  	v0 =	vunpack.c.l.s4.s8 v0;
	v1 =	vunpack.c.l.s4.s8 v1;
	v2 =	vunpack.c.l.s4.s8 v2;
	s17 =	sor.u32 $0x2000, s18;
	s14 =	sadd.s32 s4, s3;
	s18 =	sshll.u32 s15, $0x7  }
0x16: {  	v3 =	vunpack.c.l.s4.s8 v3;
	v4 =	vunpack.c.l.s4.s8 v4;
	v5 =	vunpack.c.l.s4.s8 v5;
	s15 =	sadd.s32 s4, s24;
	s24 =	simm.s32 $0x1;
	s10 =	sadd.s32 s2, s11  }
0x17: {  	v6 =	vunpack.c.l.s4.s8 v6;
	v7 =	vunpack.c.l.s4.s8 v7;
	v0 =	vunpack.c.0.s8.s32 v0;
	s19 =	sshrl.u32 s13, $0x3;
	s21 =	sshrl.u32 s17, $0x3;
	s25 =	sor.u32 s22, s17  }
0x18: {  	v2 =	vunpack.c.0.s8.s32 v2;
	v3 =	vunpack.c.0.s8.s32 v3;
	v4 =	vunpack.c.0.s8.s32 v4;
	s2 =	sor.u32 s22, s18;
	s22 =	simm.s32 $0x6300;
	s11 =	sadd.s32 s19, s12  }
0x19: {  	v5 =	vunpack.c.0.s8.s32 v5;
	v6 =	vunpack.c.0.s8.s32 v6;
	v7 =	vunpack.c.0.s8.s32 v7;
	s12 =	sadd.s32 s4, s20;
	s13 =	sadd.s32 s4, s21;
	s3 =	sshrl.u32 s25, $0x3  }
0x1a: {  	v1 =	vunpack.c.0.s8.s32 v1;
	v2 =	vcombine.low v3, v2;
	s4 =	sshrl.u32 s26, $0x3;
	s2 =	sshrl.u32 s2, $0x3;
	s20 =	smax.u32 s5, $0x1  }
0x1b: {  	v3 =	vcombine.low v5, v4;
	v4 =	vcombine.low v7, v6;
	v0 =	vand.u32 $0xF, v0;
	s21 =	simm.s32 $0x80;
	s26 =	simm.s32 $0x100;
	s25 =	simm.s32 $0x2  }
0x1c: {  	v0 =	vcombine.low v0, v1;
	s17 =	sadd.s32 s0, s3;
	s18 =	sadd.s32 s0, s4;
	s19 =	sadd.s32 s0, s2  }
0x1d: {  	v1 =	vand.u32 $0xF, v2;
	v2 =	vand.u32 $0xF, v3;
	v3 =	vand.u32 $0xF, v4;
	s0 =	simm.s32 $0x2300;
	s3 =	simm.s32 $0x4300;
	s4 =	simm.s32 $0x0  }
.LBB2_1:
0x1e: {  	s2 =	rddreg [dreg:$0x9];
	s5 =	simm.s32 $0x200  }
0x1f: {  	[tilespmem:s5], [sflag:$0x3] =	stream.strided.gather [hbm4b:s2+s21], $0x100, s5, s21, $0x38;
	[tilespmem:$0x10500] =	vst v63  }
0x20: {  	s7 =	simm.s32 $0x10300;
	s5 =	rddreg [dreg:$0x3]  }
0x21: {  	[tilespmem:s7], [sflag:$0x3] =	stream.linear.gather [hbm4b:s5+s6], $0x100, $0x38;
	[tilespmem:$0x10500] =	vst v63  }
0x22: {  	s8 =	rddreg [dreg:$0x5];
	s23 =	simm.s32 $0x10400  }
0x23: {  	[tilespmem:s23], [sflag:$0x3] =	stream.linear.gather [hbm4b:s8+s6], $0x80, $0x38;
	[tilespmem:$0x10500] =	vst v63  }
0x24: {  	s7 =	rddreg [dreg:$0x6];
	s8 =	simm.s32 $0x10480  }
0x25: {  	[tilespmem:s8], [sflag:$0x3] =	stream.linear.gather [hbm4b:s7+s6], $0x80, $0x38;
	[tilespmem:$0x10500] =	vst v63  }
0x26: {  	s23 =	rddreg [dreg:$0xa]  }
0x27: {  	[tilespmem:s6], [sflag:$0x3] =	stream.linear.gather [hbm4b:s23+s6], $0x40, $0x38;
	[tilespmem:$0x10500] =	vst v63  }
0x28: {  	_ = 	snop  }
0x29: {  	[tilespmem:s21], [sflag:$0x3] =	stream.linear.gather [hbm4b:s9+s6], $0x40, $0x38;
	[tilespmem:$0x10500] =	vst v63  }
0x2a: {  	_ = 	snop  }
0x2b: {  	[tilespmem:s26], [sflag:$0x3] =	stream.linear.gather [hbm4b:s10+s6], $0x40, $0x38;
	[tilespmem:$0x10500] =	vst v63  }
0x2c: {  	_ = 	snop  }
0x2d: {  	[tilespmem:s28], [sflag:$0x3] =	stream.linear.gather [hbm4b:s11+s6], $0x40, $0x38;
	[tilespmem:$0x10500] =	vst v63  }
0x2e: {  	_ =	swait.ge [sflag:s29], $0x40  }
0x2f: {  	[sflag:s29] =	ssyncset.done $0x0  }
0x30: {  	[sflag:s29] =	ssyncadd.s32 $0xFFFFFFC0  }
0x31: {  	_ =	swait.ge [sflag:s29], $0x40  }
0x32: {  	[sflag:s29] =	ssyncset.done $0x0  }
0x33: {  	[sflag:s29] =	ssyncadd.s32 $0xFFFFFFC0  }
0x34: {  	_ =	swait.ge [sflag:s29], $0x40  }
0x35: {  	[sflag:s29] =	ssyncset.done $0x0  }
0x36: {  	[sflag:s29] =	ssyncadd.s32 $0xFFFFFFC0  }
0x37: {  	_ =	swait.ge [sflag:s29], $0x40  }
0x38: {  	[sflag:s29] =	ssyncset.done $0x0  }
0x39: {  	[sflag:s29] =	ssyncadd.s32 $0xFFFFFFC0  }
0x3a: {  	[tilespmem:s31], [sflag:$0x1] =	stream.indirect.gather [hbm4b:s1+s30], $0x80, s6, s30, $0xb8;
	[tilespmem:$0x10500] =	vst v63  }
0x3b: {  	s5 =	simm.s32 $0x8300  }
0x3c: {  	[tilespmem:s5], [sflag:$0x1] =	stream.linear.gather [hbm4b:s12+s6], $0x2000, $0x38;
	[tilespmem:$0x10500] =	vst v63  }
0x3d: {  	_ = 	snop  }
0x3e: {  	[tilespmem:s0], [sflag:$0x2] =	stream.indirect.gather [hbm4b:s1+s30], $0x80, s21, s30, $0xb8;
	[tilespmem:$0x10500] =	vst v63  }
0x3f: {  	s7 =	simm.s32 $0xA300  }
0x40: {  	[tilespmem:s7], [sflag:$0x2] =	stream.linear.gather [hbm4b:s13+s6], $0x2000, $0x38;
	[tilespmem:$0x10500] =	vst v63  }
0x41: {  	_ = 	snop  }
0x42: {  	[tilespmem:s3], [sflag:$0x1] =	stream.indirect.gather [hbm4b:s1+s30], $0x80, s26, s30, $0xb8;
	[tilespmem:$0x10500] =	vst v63  }
0x43: {  	s8 =	simm.s32 $0xC300  }
0x44: {  	[tilespmem:s8], [sflag:$0x1] =	stream.linear.gather [hbm4b:s14+s6], $0x2000, $0x38;
	[tilespmem:$0x10500] =	vst v63  }
0x45: {  	_ = 	snop  }
0x46: {  	[tilespmem:s22], [sflag:$0x2] =	stream.indirect.gather [hbm4b:s1+s30], $0x80, s28, s30, $0xb8;
	[tilespmem:$0x10500] =	vst v63  }
0x47: {  	s23 =	simm.s32 $0xE300  }
0x48: {  	[tilespmem:s23], [sflag:$0x2] =	stream.linear.gather [hbm4b:s15+s6], $0x2000, $0x38;
	[tilespmem:$0x10500] =	vst v63  }
0x49: {  	_ =	swait.ge [sflag:s24], $0x2000  }
0x4a: {  	[sflag:s24] =	ssyncset.done $0x0  }
0x4b: {  	[sflag:s24] =	ssyncadd.s32 $0xFFFFE000  }
0x4c: {  	_ =	swait.ge [sflag:s24], $0x2000  }
0x4d: {  	[sflag:s24] =	ssyncset.done $0x0  }
0x4e: {  	[sflag:s24] =	ssyncadd.s32 $0xFFFFE000  }
0x4f: {  	_ =	swait.ge [sflag:s29], $0x100  }
0x50: {  	[sflag:s29] =	ssyncset.done $0x0  }
0x51: {  	[sflag:s29] =	ssyncadd.s32 $0xFFFFFF00  }
0x52: {  	_ =	swait.ge [sflag:s29], $0x100  }
0x53: {  	[sflag:s29] =	ssyncset.done $0x0  }
0x54: {  	[sflag:s29] =	ssyncadd.s32 $0xFFFFFF00  }
0x55: {  	_ =	swait.ge [sflag:s29], $0x80  }
0x56: {  	[sflag:s29] =	ssyncset.done $0x0  }
0x57: {  	[sflag:s29] =	ssyncadd.s32 $0xFFFFFF80  }
0x58: {  	_ =	swait.ge [sflag:s29], $0x80  }
0x59: {  	[sflag:s29] =	ssyncset.done $0x0  }
0x5a: {  	[sflag:s29] =	ssyncadd.s32 $0xFFFFFF80  }
0x5b: {  	v4 =	vld [tilespmem:$0x10300]  }
0x5c: {  	v26 =	vld [tilespmem:$0x10310]  }
0x5d: {  	v27 =	vld [tilespmem:$0x10320]  }
0x5e: {  	v28 =	vld [tilespmem:$0x10330]  }
0x5f: {  	v29 =	vld [tilespmem:$0x10340]  }
0x60: {  	v30 =	vld [tilespmem:$0x10350]  }
0x61: {  	v31 =	vld [tilespmem:$0x10360]  }
0x62: {  	v32 =	vld [tilespmem:$0x10370]  }
0x63: {  	v59 =	vld [tilespmem:$0x103D0]  }
0x64: {  	v63 =	vld [tilespmem:$0x103E0]  }
0x65: {  	v15 =	vld [tilespmem:$0x103F0]  }
0x66: {  	v45 =	vld [tilespmem:$0x10400]  }
0x67: {  	v46 =	vld [tilespmem:$0x10410];
	[tilespmem:$0x1FEC0] =	vst v4  }
0x68: {  	v47 =	vld [tilespmem:$0x10420];
	[tilespmem:$0x1FED0] =	vst v59  }
0x69: {  	v48 =	vld [tilespmem:$0x10430];
	[tilespmem:$0x1FEE0] =	vst v63  }
0x6a: {  	v49 =	vld [tilespmem:$0x10440];
	[tilespmem:$0x1FEF0] =	vst v15  }
0x6b: {  	v50 =	vld [tilespmem:$0x10450];
	[tilespmem:$0x1FF00] =	vst v45  }
0x6c: {  	v51 =	vld [tilespmem:$0x10460];
	[tilespmem:$0x1FF10] =	vst v46  }
0x6d: {  	v7 =	vld [tilespmem:$0x10470];
	[tilespmem:$0x1FF20] =	vst v47  }
0x6e: {  	v37 =	vld [tilespmem:$0x10480];
	[tilespmem:$0x1FF30] =	vst v48  }
0x6f: {  	v41 =	vld [tilespmem:$0x10490];
	[tilespmem:$0x1FF40] =	vst v49  }
0x70: {  	v17 =	vld [tilespmem:$0x104A0];
	[tilespmem:$0x1FF50] =	vst v50  }
0x71: {  	v12 =	vld [tilespmem:$0x104B0];
	[tilespmem:$0x1FF60] =	vst v51  }
0x72: {  	v9 =	vld [tilespmem:$0x104C0];
	[tilespmem:$0x1FF70] =	vst v7  }
0x73: {  	v10 =	vld [tilespmem:$0x104D0];
	[tilespmem:$0x1FF80] =	vst v37  }
0x74: {  	v52 =	vld [tilespmem:$0x104E0];
	[tilespmem:$0x1FF90] =	vst v41  }
0x75: {  	v53 =	vld [tilespmem:$0x104F0];
	[tilespmem:$0x1FFA0] =	vst v17  }
0x76: {  	v25 =	vld [tilespmem:$0x10380];
	[tilespmem:$0x1FFB0] =	vst v12  }
0x77: {  	v34 =	vld [tilespmem:$0x10390];
	[tilespmem:$0x1FFC0] =	vst v9  }
0x78: {  	v35 =	vld [tilespmem:$0x103A0];
	[tilespmem:$0x1FFD0] =	vst v10  }
0x79: {  	v24 =	vld [tilespmem:$0x103B0];
	[tilespmem:$0x1FFE0] =	vst v52  }
0x7a: {  	s2 =	simm.s32 $0x8400;
	s5 =	simm.s32 $0x400;
	s23 =	simm.s32 $0xFFFFFFFC;
	v23 =	vld [tilespmem:$0x103C0];
	[tilespmem:$0x1FFF0] =	vst v53  }
.LBB2_2:
0x7b: {  	s7 =	sadd.s32 $0x4, s23;
	v5 =	vld [tilespmem:s5+$0xFFFFFF00]  }
0x7c: {  	v6 =	vld [tilespmem:s2+$0xFFFFFF00];
	s8 =	sand.u32 $0x30, s7  }
0x7d: {  	v4 =	vld [tilespmem:s8+$0x200]  }
0x7e: {  	v7 =	vld [tilespmem:s5+$0xFFFFFF10]  }
0x7f: {  	v8 =	vld [tilespmem:s2+$0xFFFFFF10]  }
0x80: {  	v9 =	vld [tilespmem:s5+$0xFFFFFF20]  }
0x81: {  	v19 =	vld [tilespmem:$0x1FEC0]  }
0x82: {  	s8 =	sand.u32 $0xC, s7;
	v55 =	vcvt.s32.f32 v4;
	v4 =	vld [tilespmem:s2+$0xFFFFFF20]  }
0x83: {  	v37 =	vld [tilespmem:s5+$0xFFFFFF30];
	v36 =	vmov s8  }
0x84: {  	v39 =	vld [tilespmem:s2+$0xFFFFFF30];
	v36 =	vperm.xlane v55, v36  }
0x85: {  	v41 =	vld [tilespmem:s5+$0xFFFFFF40]  }
0x86: {  	v60 =	vld [tilespmem:s2+$0xFFFFFF40];
	v5 =	vadd.f32 v6, v5;
	v58 =	vadd.f32 v8, v7;
	vm0 =	vgt.f32 v36, $5.000000000e-01  }
0x87: {  	v62 =	vld [tilespmem:s5+$0xFFFFFF50];
	v61 =	vsel vm0, v25, v19;
	v36 =	vsel vm0, v34, v26;
	v4 =	vadd.f32 v4, v9  }
0x88: {  	v18 =	vld [tilespmem:s2+$0xFFFFFF50];
	v40 =	vadd.f32 v5, v61;
	v38 =	vadd.f32 v58, v36;
	v5 =	vsel vm0, v35, v27  }
0x89: {  	v33 =	vld [tilespmem:s5+$0xFFFFFF60];
	v36 =	vadd.f32 v4, v5;
	v4 =	vadd.f32 v39, v37;
	v5 =	vsel vm0, v24, v28  }
0x8a: {  	v42 =	vld [tilespmem:s2+$0xFFFFFF60];
	v48 =	vmul.f32 v40, v40;
	v43 =	vadd.f32 v38, v40;
	v44 =	vmul.f32 v38, v38  }
0x8b: {  	v49 =	vld [tilespmem:s5+$0xFFFFFF70];
	v37 =	vadd.f32 v4, v5;
	v4 =	vadd.f32 v60, v41;
	v5 =	vsel vm0, v23, v29  }
0x8c: {  	v45 =	vld [tilespmem:s2+$0xFFFFFF70];
	v51 =	vmul.f32 v36, v36;
	v50 =	vadd.f32 v44, v48;
	v43 =	vadd.f32 v36, v43  }
0x8d: {  	s8 =	sadd.s32 $0x5, s23;
	v39 =	vadd.f32 v4, v5;
	v4 =	vadd.f32 v18, v62  }
0x8e: {  	v46 =	vld [tilespmem:s2+$0xFFFFFFA0];
	s8 =	sand.u32 $0xD, s8;
	v5 =	vsel vm0, v59, v30;
	v54 =	vmul.f32 v37, v37;
	v52 =	vadd.f32 v51, v50  }
0x8f: {  	v47 =	vmov s8;
	v61 =	vld [tilespmem:s5+$0xFFFFFF80];
	v41 =	vadd.f32 v4, v5;
	v4 =	vadd.f32 v42, v33  }
0x90: {  	v53 =	vadd.f32 v37, v43;
	v5 =	vsel vm0, v63, v31;
	v33 =	vld [tilespmem:s5+$0xFFFFFF90];
	v6 =	vadd.f32 v54, v52  }
0x91: {  	v57 =	vmul.f32 v39, v39;
	v52 =	vld [tilespmem:s2+$0xFFFFFF90];
	v42 =	vadd.f32 v4, v5;
	v4 =	vadd.f32 v45, v49  }
0x92: {  	v47 =	vperm.xlane v55, v47;
	v56 =	vadd.f32 v39, v53;
	v54 =	vld [tilespmem:s5+$0xFFFFFFA0];
	v5 =	vsel vm0, v15, v32  }
0x93: {  	v60 =	vmul.f32 v41, v41;
	v6 =	vadd.f32 v57, v6;
	v43 =	vadd.f32 v4, v5;
	v4 =	vld [tilespmem:s2+$0xFFFFFF80]  }
0x94: {  	v58 =	vadd.f32 v41, v56  }
0x95: {  	vm13 =	vgt.f32 v47, $5.000000000e-01;
	v48 =	vld [tilespmem:s5+$0xFFFFFFB0];
	v18 =	vmul.f32 v42, v42;
	v5 =	vadd.f32 v60, v6  }
0x96: {  	v47 =	vsel vm13, v34, v26;
	v49 =	vld [tilespmem:s2+$0xFFFFFFB0];
	v62 =	vadd.f32 v42, v58;
	v8 =	vadd.f32 v52, v33  }
0x97: {  	v50 =	vld [tilespmem:s5+$0xFFFFFFC0];
	v53 =	vmul.f32 v43, v43;
	v46 =	vadd.f32 v46, v54;
	v5 =	vadd.f32 v18, v5  }
0x98: {  	v57 =	vld [tilespmem:s2+$0xFFFFFFC0];
	v58 =	vsel vm13, v25, v19;
	v6 =	vadd.f32 v43, v62;
	v4 =	vadd.f32 v4, v61  }
0x99: {  	v51 =	vld [tilespmem:s5+$0xFFFFFFD0];
	v60 =	vsel vm13, v24, v28;
	v45 =	vadd.f32 v8, v47;
	v5 =	vadd.f32 v53, v5  }
0x9a: {  	v8 =	vld [tilespmem:s2+$0xFFFFFFD0];
	v56 =	vperm.xlane v6, v0;
	v44 =	vadd.f32 v4, v58;
	v4 =	vsel vm13, v35, v27  }
0x9b: {  	v52 =	vld [tilespmem:s5+$0xFFFFFFE0];
	v54 =	vmul.f32 v45, v45;
	v46 =	vadd.f32 v46, v4;
	v4 =	vadd.f32 v49, v48  }
0x9c: {  	v53 =	vld [tilespmem:s2+$0xFFFFFFE0];
	v6 =	vadd.f32 v6, v56;
	v61 =	vmul.f32 v44, v44;
	v62 =	vadd.f32 v45, v44  }
0x9d: {  	v18 =	vsel vm13, v23, v29;
	v47 =	vadd.f32 v4, v60;
	v4 =	vadd.f32 v57, v50  }
0x9e: {  	v56 =	vld [tilespmem:s5+$0xFFFFFFF0];
	v58 =	vmul.f32 v46, v46;
	v33 =	vadd.f32 v54, v61;
	v49 =	vadd.f32 v46, v62  }
0x9f: {  	v59 =	vsel vm13, v59, v30;
	v57 =	vld [tilespmem:s2+$0xFFFFFFF0];
	v48 =	vadd.f32 v4, v18;
	v4 =	vadd.f32 v8, v51  }
0xa0: {  	v7 =	vperm.xlane v5, v0;
	v60 =	vadd.f32 v58, v33;
	v61 =	vadd.f32 v47, v49  }
0xa1: {  	v62 =	vmul.f32 v47, v47;
	v49 =	vadd.f32 v4, v59;
	v4 =	vadd.f32 v53, v52  }
0xa2: {  	v63 =	vsel vm13, v63, v31;
	v5 =	vadd.f32 v7, v5;
	v18 =	vadd.f32 v48, v61  }
0xa3: {  	v33 =	vmul.f32 v48, v48;
	v9 =	vadd.f32 v62, v60;
	v50 =	vadd.f32 v4, v63  }
0xa4: {  	v4 =	vadd.f32 v57, v56;
	v59 =	vadd.f32 v49, v18  }
0xa5: {  	v58 =	vsel vm13, v15, v32;
	v61 =	vperm.xlane v6, v1;
	v9 =	vadd.f32 v33, v9  }
0xa6: {  	v60 =	vmul.f32 v49, v49;
	v51 =	vadd.f32 v4, v58;
	v62 =	vadd.f32 v50, v59  }
0xa7: {  	v6 =	vadd.f32 v6, v61;
	v18 =	vperm.xlane v5, v1  }
0xa8: {  	v63 =	vmul.f32 v50, v50;
	v4 =	vadd.f32 v60, v9;
	v7 =	vadd.f32 v51, v62  }
0xa9: {  	v56 =	vperm.xlane v6, v2;
	v5 =	vadd.f32 v18, v5  }
0xaa: {  	v33 =	vmul.f32 v51, v51;
	v4 =	vadd.f32 v63, v4;
	v57 =	vperm.xlane v7, v0  }
0xab: {  	v6 =	vadd.f32 v6, v56  }
0xac: {  	v9 =	vperm.xlane v5, v2;
	v4 =	vadd.f32 v33, v4;
	v7 =	vadd.f32 v7, v57  }
0xad: {  	v10 =	vld [tilespmem:s2+$0x10];
	s8 =	sadd.s32 $0x6, s23;
	v52 =	vperm.xlane v6, v3  }
0xae: {  	s8 =	sand.u32 $0xE, s8;
	v5 =	vadd.f32 v9, v5;
	v9 =	vld [tilespmem:s5+$0x10];
	v58 =	vperm.xlane v4, v0;
	v59 =	vperm.xlane v7, v1  }
0xaf: {  	v11 =	vmov s8;
	v33 =	vld [tilespmem:s2+$0x20];
	v6 =	vadd.f32 v6, v52  }
0xb0: {  	v53 =	vperm.xlane v55, v11;
	v52 =	vld [tilespmem:s5+$0x0];
	v4 =	vadd.f32 v58, v4;
	v7 =	vadd.f32 v7, v59  }
0xb1: {  	v60 =	vperm.xlane v5, v3;
	v57 =	vld [tilespmem:s5+$0x20];
	v8 =	vmul.f32 $7.812500000e-03, v6  }
0xb2: {  	v6 =	vld [tilespmem:s2+$0x0];
	v61 =	vperm.xlane v4, v1;
	v62 =	vperm.xlane v7, v2  }
0xb3: {  	v5 =	vadd.f32 v60, v5  }
0xb4: {  	v12 =	vld [tilespmem:$0x1FED0];
	vm14 =	vgt.f32 v53, $5.000000000e-01;
	v4 =	vadd.f32 v61, v4;
	v7 =	vadd.f32 v7, v62  }
0xb5: {  	v56 =	vld [tilespmem:s2+$0x40];
	v9 =	vadd.f32 v10, v9;
	v5 =	vmul.f32 $7.812500000e-03, v5;
	v63 =	vmul.f32 v8, v8  }
0xb6: {  	v60 =	vld [tilespmem:s2+$0x30];
	v54 =	vadd.f32 v33, v57;
	v18 =	vperm.xlane v4, v2;
	v58 =	vperm.xlane v7, v3  }
0xb7: {  	v53 =	vsel vm14, v34, v26;
	v59 =	vld [tilespmem:s5+$0x30];
	v5 =	vsub.f32 v5, v63;
	v6 =	vadd.f32 v6, v52  }
0xb8: {  	v4 =	vadd.f32 v18, v4;
	v18 =	vsel vm14, v25, v19;
	v7 =	vadd.f32 v7, v58;
	v58 =	vld [tilespmem:s5+$0x40]  }
0xb9: {  	v14 =	vld [tilespmem:s5+$0xA0];
	v53 =	vadd.f32 v9, v53;
	v5 =	vmax.f32 v5, $0.0e+00;
	v52 =	vadd.f32 v6, v18  }
0xba: {  	v57 =	vld [tilespmem:s5+$0x50];
	v33 =	vsel vm14, v35, v27;
	v63 =	vadd.f32 $9.999999960e-13, v5;
	v5 =	vperm.xlane v4, v3  }
0xbb: {  	v9 =	vld [tilespmem:s2+$0x50];
	v54 =	vadd.f32 v54, v33;
	v33 =	vadd.f32 v53, v52  }
0xbc: {  	v10 =	vmul.f32 v53, v53;
	v61 =	vadd.f32 v5, v4;
	v4 =	vld [tilespmem:s5+$0x60];
	v5 =	vadd.f32 v60, v59  }
0xbd: {  	v18 =	vsel vm14, v24, v28;
	v62 =	vmul.f32 v52, v52;
	v59 =	vld [tilespmem:s2+$0x60];
	v56 =	vadd.f32 v56, v58  }
0xbe: {  	v17 =	vld [tilespmem:s5+$0xC0];
	v11 =	vadd.f32 v54, v33;
	v58 =	vadd.f32 v5, v18;
	v5 =	vsel vm14, v23, v29  }
0xbf: {  	v6 =	vld [tilespmem:s5+$0x70];
	v18 =	vmul.f32 v54, v54;
	v60 =	vadd.f32 v56, v5;
	v5 =	vadd.f32 v10, v62  }
0xc0: {  	v9 =	vadd.f32 v9, v57;
	v56 =	vld [tilespmem:s2+$0x70]  }
0xc1: {  	v11 =	vadd.f32 v58, v11;
	v10 =	vadd.f32 v18, v5;
	v5 =	vld [tilespmem:$0x1FEE0]  }
0xc2: {  	v33 =	vsel vm14, v12, v30;
	v12 =	vld [tilespmem:s5+$0x80];
	v59 =	vadd.f32 v59, v4;
	v18 =	vmul.f32 v58, v58  }
0xc3: {  	v4 =	vadd.f32 v9, v33;
	v33 =	vadd.f32 v60, v11;
	v11 =	vld [tilespmem:s2+$0x80]  }
0xc4: {  	v13 =	vsel vm14, v15, v32;
	v15 =	vld [tilespmem:s5+$0xB0];
	v10 =	vadd.f32 v18, v10;
	v18 =	vmul.f32 v60, v60  }
0xc5: {  	v57 =	vld [tilespmem:s2+$0xB0];
	v9 =	vmul.f32 $7.812500000e-03, v7;
	v6 =	vadd.f32 v56, v6  }
0xc6: {  	v62 =	vld [tilespmem:s2+$0x90];
	v33 =	vadd.f32 v4, v33;
	v10 =	vadd.f32 v18, v10;
	v5 =	vsel vm14, v5, v31  }
0xc7: {  	v18 =	vmul.f32 v4, v4;
	v7 =	vadd.f32 v6, v13;
	v13 =	vld [tilespmem:s2+$0xA0];
	v5 =	vadd.f32 v59, v5  }
0xc8: {  	s23 =	sadd.s32 $0x7, s23;
	v61 =	vmul.f32 $7.812500000e-03, v61;
	v16 =	vmul.f32 v9, v9;
	v11 =	vadd.f32 v11, v12;
	v12 =	vld [tilespmem:s2+$0xC0]  }
0xc9: {  	v59 =	vld [tilespmem:s5+$0x90];
	v10 =	vadd.f32 v18, v10;
	v18 =	vmov s23;
	v6 =	vadd.f32 v5, v33  }
0xca: {  	v15 =	vadd.f32 v57, v15;
	v55 =	vperm.xlane v55, v18;
	v33 =	vmul.f32 v5, v5  }
0xcb: {  	v16 =	vsub.f32 v61, v16;
	v6 =	vadd.f32 v7, v6  }
0xcc: {  	vm15 =	vgt.f32 v55, $5.000000000e-01;
	v10 =	vadd.f32 v33, v10;
	v33 =	vmul.f32 v7, v7  }
0xcd: {  	v55 =	vsel vm15, v25, v19;
	v13 =	vadd.f32 v13, v14;
	v18 =	vperm.xlane v6, v0  }
0xce: {  	v19 =	vld [tilespmem:s5+$0xD0];
	v14 =	vsel vm15, v34, v26;
	v12 =	vadd.f32 v12, v17;
	v62 =	vadd.f32 v62, v59  }
0xcf: {  	v10 =	vadd.f32 v33, v10;
	v33 =	vshrl.u32 v63, $0x1;
	v18 =	vadd.f32 v6, v18;
	v6 =	vld [tilespmem:s2+$0xD0]  }
0xd0: {  	v17 =	vld [tilespmem:$0x1FED0];
	v61 =	vadd.f32 v11, v55;
	v11 =	vsub.s32 $0x5F3759DF, v33;
	v33 =	vsel vm15, v35, v27  }
0xd1: {  	v62 =	vadd.f32 v62, v14;
	v14 =	vld [tilespmem:s5+$0xE0];
	v55 =	vadd.f32 v13, v33;
	v13 =	vsel vm15, v24, v28  }
0xd2: {  	v56 =	vadd.f32 v15, v13;
	v13 =	vld [tilespmem:s2+$0xE0];
	_ =	sdelay $0x1  }
0xd3: {  	v15 =	vsel vm15, v23, v29;
	v6 =	vadd.f32 v6, v19  }
0xd4: {  	v17 =	vsel vm15, v17, v30;
	v59 =	vadd.f32 v12, v15;
	v12 =	vld [tilespmem:s2+$0xF0]  }
0xd5: {  	v20 =	vmul.f32 $5.000000000e-01, v63;
	v57 =	vadd.f32 v6, v17;
	v6 =	vld [tilespmem:s5+$0xF0]  }
0xd6: {  	v21 =	vmul.f32 v62, v62;
	v19 =	vmul.f32 v61, v61;
	v13 =	vadd.f32 v13, v14;
	v14 =	vld [tilespmem:$0x1FEE0]  }
0xd7: {  	v22 =	vmul.f32 v11, v20;
	v33 =	vadd.f32 v62, v61  }
0xd8: {  	v63 =	vmul.f32 v55, v55;
	v15 =	vadd.f32 v21, v19  }
0xd9: {  	v17 =	vadd.f32 v55, v33;
	v21 =	vmul.f32 v11, v22  }
0xda: {  	v33 =	vmul.f32 v56, v56;
	v15 =	vadd.f32 v63, v15;
	v6 =	vadd.f32 v12, v6;
	v12 =	vld [tilespmem:$0x1FEF0]  }
0xdb: {  	v17 =	vadd.f32 v56, v17;
	v21 =	vsub.f32 $1.500000000e+00, v21;
	v14 =	vsel vm15, v14, v31  }
0xdc: {  	v63 =	vadd.f32 v13, v14;
	v13 =	vadd.f32 v33, v15;
	v15 =	vmul.f32 v59, v59  }
0xdd: {  	v14 =	vadd.f32 v59, v17  }
0xde: {  	v11 =	vmul.f32 v11, v21;
	v17 =	vperm.xlane v10, v0;
	v13 =	vadd.f32 v15, v13  }
0xdf: {  	v14 =	vadd.f32 v57, v14;
	v15 =	vmul.f32 v57, v57;
	v12 =	vsel vm15, v12, v32  }
0xe0: {  	v33 =	vperm.xlane v18, v1;
	v10 =	vadd.f32 v17, v10;
	v6 =	vadd.f32 v6, v12  }
0xe1: {  	v12 =	vadd.f32 v15, v13;
	v13 =	vadd.f32 v63, v14;
	v14 =	vmul.f32 v63, v63  }
0xe2: {  	v17 =	vperm.xlane v10, v1;
	v15 =	vmax.f32 v16, $0.0e+00;
	v16 =	vadd.f32 v18, v33  }
0xe3: {  	v12 =	vadd.f32 v14, v12;
	v13 =	vadd.f32 v6, v13;
	v14 =	vmul.f32 v6, v6  }
0xe4: {  	v10 =	vadd.f32 v17, v10;
	v18 =	vmul.f32 v11, v20;
	v15 =	vadd.f32 $9.999999960e-13, v15  }
0xe5: {  	v17 =	vperm.xlane v16, v2;
	v12 =	vadd.f32 v14, v12;
	v14 =	vperm.xlane v13, v0  }
0xe6: {  	v20 =	vperm.xlane v10, v2;
	v18 =	vmul.f32 v18, v11;
	v33 =	vshrl.u32 v15, $0x1  }
0xe7: {  	v16 =	vadd.f32 v16, v17;
	v13 =	vadd.f32 v13, v14;
	v14 =	vperm.xlane v12, v0  }
0xe8: {  	v15 =	vmul.f32 $5.000000000e-01, v15;
	v17 =	vsub.s32 $0x5F3759DF, v33;
	v10 =	vadd.f32 v20, v10  }
0xe9: {  	v33 =	vperm.xlane v16, v3;
	v20 =	vperm.xlane v13, v1;
	v12 =	vadd.f32 v14, v12  }
0xea: {  	v18 =	vsub.f32 $1.500000000e+00, v18;
	v21 =	vperm.xlane v10, v3;
	v14 =	vmul.f32 v17, v15  }
0xeb: {  	v16 =	vadd.f32 v16, v33;
	v13 =	vadd.f32 v13, v20;
	v33 =	vperm.xlane v12, v1  }
0xec: {  	v11 =	vmul.f32 v18, v11;
	v10 =	vadd.f32 v21, v10;
	v14 =	vmul.f32 v17, v14  }
0xed: {  	v16 =	vmul.f32 $7.812500000e-03, v16;
	v20 =	vperm.xlane v13, v2;
	v12 =	vadd.f32 v33, v12  }
0xee: {  	v18 =	vmul.f32 v11, v8;
	v10 =	vmul.f32 $7.812500000e-03, v10;
	v14 =	vsub.f32 $1.500000000e+00, v14  }
0xef: {  	v33 =	vmul.f32 v16, v16;
	v13 =	vadd.f32 v13, v20;
	v20 =	vperm.xlane v12, v2  }
0xf0: {  	v21 =	vmul.f32 v11, v37;
	v14 =	vmul.f32 v17, v14  }
0xf1: {  	v10 =	vsub.f32 v10, v33;
	v17 =	vperm.xlane v13, v3;
	v12 =	vadd.f32 v20, v12  }
0xf2: {  	v22 =	vmul.f32 v11, v39;
	v33 =	vmul.f32 v14, v15  }
0xf3: {  	v10 =	vmax.f32 v10, $0.0e+00;
	v13 =	vadd.f32 v13, v17;
	v15 =	vperm.xlane v12, v3  }
0xf4: {  	v42 =	vmul.f32 v11, v42;
	v10 =	vadd.f32 $9.999999960e-13, v10;
	v33 =	vmul.f32 v33, v14  }
0xf5: {  	v20 =	vmul.f32 v11, v38;
	v12 =	vadd.f32 v15, v12;
	v8 =	vmul.f32 $7.812500000e-03, v13  }
0xf6: {  	v13 =	vsub.f32 $1.500000000e+00, v33;
	v15 =	vshrl.u32 v10, $0x1;
	v10 =	vmul.f32 $5.000000000e-01, v10  }
0xf7: {  	v15 =	vsub.s32 $0x5F3759DF, v15;
	v12 =	vmul.f32 $7.812500000e-03, v12;
	v38 =	vmul.f32 v8, v8  }
0xf8: {  	v21 =	vsub.f32 v21, v18;
	v13 =	vmul.f32 v13, v14;
	v14 =	vmul.f32 v15, v10  }
0xf9: {  	v41 =	vmul.f32 v11, v41;
	v22 =	vsub.f32 v22, v18;
	v37 =	vsub.f32 v42, v18  }
0xfa: {  	v17 =	vmul.f32 v11, v40;
	v12 =	vsub.f32 v12, v38;
	v14 =	vmul.f32 v15, v14  }
0xfb: {  	v40 =	vmul.f32 v11, v36;
	v20 =	vsub.f32 v20, v18;
	v11 =	vmul.f32 v11, v43  }
0xfc: {  	v36 =	vsub.f32 v41, v18;
	v14 =	vsub.f32 $1.500000000e+00, v14;
	v12 =	vmax.f32 v12, $0.0e+00  }
0xfd: {  	v17 =	vsub.f32 v17, v18;
	v9 =	vmul.f32 v13, v9;
	v12 =	vadd.f32 $9.999999960e-13, v12  }
0xfe: {  	v19 =	vsub.f32 v40, v18;
	v38 =	vmul.f32 v13, v45;
	v14 =	vmul.f32 v15, v14  }
0xff: {  	v39 =	vmul.f32 v13, v46;
	v33 =	vshrl.u32 v12, $0x1;
	v12 =	vmul.f32 $5.000000000e-01, v12  }
0x100: {  	v40 =	vmul.f32 v13, v47;
	v10 =	vmul.f32 v14, v10;
	v41 =	vsub.s32 $0x5F3759DF, v33  }
0x101: {  	v11 =	vsub.f32 v11, v18;
	v18 =	vmul.f32 v13, v49;
	v33 =	vmul.f32 v41, v12  }
0x102: {  	v38 =	vsub.f32 v38, v9;
	v15 =	vmul.f32 v13, v44;
	v10 =	vmul.f32 v10, v14  }
0x103: {  	v18 =	vsub.f32 v18, v9;
	v44 =	vmul.f32 v13, v50;
	v43 =	vmul.f32 v41, v33  }
0x104: {  	v42 =	vmul.f32 v13, v48;
	v15 =	vsub.f32 v15, v9;
	v10 =	vsub.f32 $1.500000000e+00, v10  }
0x105: {  	v46 =	vld [tilespmem:$0x1FF10];
	v13 =	vmul.f32 v13, v51;
	v33 =	vsub.f32 $1.500000000e+00, v43;
	v43 =	vsub.f32 v44, v9  }
0x106: {  	v45 =	vld [tilespmem:$0x1FF00];
	v10 =	vmul.f32 v10, v14;
	v14 =	vsub.f32 v39, v9;
	v39 =	vsub.f32 v40, v9  }
0x107: {  	v40 =	vsub.f32 v42, v9;
	v9 =	vsub.f32 v13, v9;
	v13 =	vmul.f32 v41, v33;
	v33 =	vld [tilespmem:$0x1FF90]  }
0x108: {  	v47 =	vld [tilespmem:$0x1FF20]  }
0x109: {  	v48 =	vld [tilespmem:$0x1FF30]  }
0x10a: {  	v20 =	vmul.f32 v20, v46;
	v44 =	vld [tilespmem:$0x1FF80];
	v12 =	vmul.f32 v13, v12  }
0x10b: {  	v49 =	vld [tilespmem:$0x1FF40]  }
0x10c: {  	v12 =	vmul.f32 v12, v13;
	v20 =	vadd.f32 v20, v33;
	v33 =	vld [tilespmem:$0x1FFB0]  }
0x10d: {  	v51 =	vld [tilespmem:$0x1FF60];
	v17 =	vmul.f32 v17, v45  }
0x10e: {  	v41 =	vmul.f32 v10, v52;
	v52 =	vld [tilespmem:$0x1FFE0];
	v12 =	vsub.f32 $1.500000000e+00, v12  }
0x10f: {  	v21 =	vmul.f32 v21, v48;
	v17 =	vadd.f32 v17, v44;
	v44 =	vld [tilespmem:$0x1FFA0]  }
0x110: {  	v19 =	vmul.f32 v19, v47;
	v12 =	vmul.f32 v12, v13;
	v13 =	vld [tilespmem:$0x1FFA0]  }
0x111: {  	v22 =	vmul.f32 v22, v49;
	v15 =	vmul.f32 v15, v45;
	v21 =	vadd.f32 v21, v33;
	v33 =	vld [tilespmem:$0x1FFC0]  }
0x112: {  	v37 =	vmul.f32 v37, v51;
	v16 =	vmul.f32 v10, v16  }
0x113: {  	v50 =	vld [tilespmem:$0x1FF50];
	v4 =	vmul.f32 v10, v4;
	v14 =	vmul.f32 v14, v47  }
0x114: {  	[tilespmem:s5+$0xFFFFFF00] =	vst v17;
	v17 =	vadd.f32 v37, v52;
	v37 =	vmul.f32 v10, v54;
	v54 =	vmul.f32 v10, v58;
	v58 =	vld [tilespmem:$0x1FF80]  }
0x115: {  	v5 =	vmul.f32 v10, v5;
	v19 =	vadd.f32 v19, v44;
	v44 =	vld [tilespmem:$0x1FF70];
	v13 =	vadd.f32 v14, v13  }
0x116: {  	v7 =	vmul.f32 v10, v7;
	[tilespmem:s5+$0xFFFFFF10] =	vst v20;
	v22 =	vadd.f32 v22, v33;
	v33 =	vmul.f32 v10, v53;
	v53 =	vld [tilespmem:$0x1FFF0]  }
0x117: {  	v4 =	vsub.f32 v4, v16;
	v5 =	vsub.f32 v5, v16;
	v20 =	vmul.f32 v10, v60;
	[tilespmem:s5+$0xFFFFFFA0] =	vst v13;
	v13 =	vld [tilespmem:$0x1FFC0]  }
0x118: {  	v42 =	vmul.f32 v38, v46;
	v38 =	vld [tilespmem:$0x1FFD0];
	v7 =	vsub.f32 v7, v16;
	v60 =	vsub.f32 v41, v16  }
0x119: {  	v20 =	vsub.f32 v20, v16;
	[tilespmem:s5+$0xFFFFFF40] =	vst v22;
	v22 =	vsub.f32 v54, v16;
	v54 =	vld [tilespmem:$0x1FFB0]  }
0x11a: {  	v41 =	vld [tilespmem:$0x1FF90];
	v15 =	vadd.f32 v15, v58;
	v11 =	vmul.f32 v11, v44;
	v14 =	vmul.f32 v40, v49  }
0x11b: {  	v4 =	vmul.f32 v4, v50;
	v58 =	vld [tilespmem:$0x1FFD0];
	[tilespmem:s5+$0xFFFFFF30] =	vst v21;
	v21 =	vsub.f32 v37, v16;
	v33 =	vsub.f32 v33, v16  }
0x11c: {  	[tilespmem:s5+$0xFFFFFF60] =	vst v17;
	v16 =	vmul.f32 v39, v48;
	v11 =	vadd.f32 v11, v53;
	v13 =	vadd.f32 v14, v13;
	v14 =	vld [tilespmem:$0x1FF70]  }
0x11d: {  	v5 =	vmul.f32 v5, v51;
	v4 =	vadd.f32 v4, v38;
	v37 =	vld [tilespmem:$0x1FF80];
	[tilespmem:s5+$0xFFFFFF80] =	vst v15  }
0x11e: {  	v44 =	vld [tilespmem:$0x1FFD0];
	v15 =	vmul.f32 v18, v50;
	[tilespmem:s5+$0xFFFFFF70] =	vst v11;
	v11 =	vadd.f32 v16, v54  }
0x11f: {  	v5 =	vadd.f32 v5, v52;
	v17 =	vld [tilespmem:$0x1FFA0];
	[tilespmem:s5+$0x50] =	vst v4;
	v16 =	vmul.f32 v43, v51  }
0x120: {  	v36 =	vmul.f32 v36, v50;
	v10 =	vmul.f32 v60, v45;
	v39 =	vld [tilespmem:$0x1FF70];
	[tilespmem:s5+$0xFFFFFFB0] =	vst v11;
	v11 =	vadd.f32 v15, v58  }
0x121: {  	[tilespmem:s5+$0x60] =	vst v5;
	v15 =	vmul.f32 v33, v46;
	v33 =	vld [tilespmem:$0x1FFB0];
	v9 =	vmul.f32 v9, v14;
	v14 =	vadd.f32 v16, v52  }
0x122: {  	v8 =	vmul.f32 v12, v8;
	v6 =	vmul.f32 v12, v6;
	v10 =	vadd.f32 v10, v37;
	[tilespmem:s5+$0xFFFFFFC0] =	vst v13  }
0x123: {  	v36 =	vadd.f32 v36, v44;
	v13 =	vmul.f32 v21, v47;
	[tilespmem:s5+$0xFFFFFFE0] =	vst v14;
	v14 =	vmul.f32 v12, v61  }
0x124: {  	[tilespmem:s5+$0xFFFFFF20] =	vst v19;
	v60 =	vadd.f32 v15, v41;
	v15 =	vmul.f32 v22, v48;
	v9 =	vadd.f32 v9, v53  }
0x125: {  	[tilespmem:s5+$0xFFFFFF50] =	vst v36;
	v36 =	vld [tilespmem:$0x1FFC0];
	v7 =	vmul.f32 v7, v39;
	v13 =	vadd.f32 v13, v17;
	v14 =	vsub.f32 v14, v8  }
0x126: {  	v43 =	vmul.f32 v12, v56;
	[tilespmem:s5+$0xFFFFFFF0] =	vst v9;
	v9 =	vadd.f32 v15, v33;
	v15 =	vmul.f32 v12, v62  }
0x127: {  	v44 =	vadd.f32 v42, v41;
	[tilespmem:s5+$0x20] =	vst v13;
	v13 =	vmul.f32 v14, v45;
	v14 =	vmul.f32 v12, v55  }
0x128: {  	[tilespmem:s5+$0x0] =	vst v10;
	v7 =	vadd.f32 v7, v53;
	v16 =	vmul.f32 v20, v49;
	v40 =	vsub.f32 v15, v8  }
0x129: {  	[tilespmem:s5+$0xFFFFFF90] =	vst v44;
	v44 =	vadd.f32 v13, v37;
	v13 =	vsub.f32 v14, v8;
	v14 =	vmul.f32 v12, v59  }
0x12a: {  	v58 =	vld [tilespmem:$0x1FFC0];
	[tilespmem:s5+$0xFFFFFFD0] =	vst v11;
	v10 =	vadd.f32 v16, v36;
	v42 =	vmul.f32 v40, v46;
	v46 =	vmul.f32 v12, v57  }
0x12b: {  	[tilespmem:s5+$0x70] =	vst v7;
	v5 =	vmul.f32 v13, v47;
	v13 =	vsub.f32 v14, v8;
	v14 =	vmul.f32 v12, v63;
	v12 =	vld [tilespmem:$0x1FFB0]  }
0x12c: {  	[tilespmem:s5+$0x10] =	vst v60;
	v60 =	vld [tilespmem:$0x1FFD0];
	v45 =	vsub.f32 v43, v8  }
0x12d: {  	[tilespmem:s5+$0x40] =	vst v10;
	v62 =	vld [tilespmem:$0x1FF70]  }
0x12e: {  	[tilespmem:s5+$0x30] =	vst v9;
	v48 =	vmul.f32 v45, v48;
	v4 =	vadd.f32 v42, v41;
	v54 =	vsub.f32 v46, v8  }
0x12f: {  	[tilespmem:s5+$0x80] =	vst v44;
	v5 =	vadd.f32 v5, v17;
	v55 =	vmul.f32 v13, v49;
	v56 =	vsub.f32 v14, v8  }
0x130: {  	v6 =	vsub.f32 v6, v8;
	[tilespmem:s5+$0x90] =	vst v4;
	v57 =	vmul.f32 v54, v50;
	v4 =	vadd.f32 v48, v12  }
0x131: {  	p0 =	slt.u32 s7, $0x3C;
	[tilespmem:s5+$0xA0] =	vst v5;
	v5 =	vadd.f32 v55, v58;
	v61 =	vmul.f32 v56, v51  }
.Ltmp0:
0x132: {  	v6 =	vmul.f32 v6, v62;
	[tilespmem:s5+$0xB0] =	vst v4;
	v4 =	vadd.f32 v57, v60;
	(pc) =	sbr.rel @p0 .LBB2_2-.Ltmp0, $4  }
0x133: {  	[tilespmem:s5+$0xC0] =	vst v5;
	v5 =	vadd.f32 v61, v52  }
0x134: {  	v15 =	vld [tilespmem:$0x1FEF0];
	[tilespmem:s5+$0xD0] =	vst v4;
	v4 =	vadd.f32 v6, v53  }
0x135: {  	v59 =	vld [tilespmem:$0x1FED0];
	[tilespmem:s5+$0xE0] =	vst v5  }
0x136: {  	s23 =	smov.u32 s7;
	s2 =	sadd.s32 $0x200, s2;
	v63 =	vld [tilespmem:$0x1FEE0];
	[tilespmem:s5+$0xF0] =	vst v4;
	s5 =	sadd.s32 $0x200, s5  }
0x137: {  	[hbm4b:s16+s6] =	stream.linear.scatter [tilespmem:s31], [sflag:$0x3], $0x2000, $0x38;
	[tilespmem:$0x10500] =	vst v63  }
0x138: {  	_ =	swait.ge [sflag:s25], $0x2000  }
0x139: {  	[sflag:s25] =	ssyncset.done $0x0  }
0x13a: {  	[sflag:s25] =	ssyncadd.s32 $0xFFFFE000  }
0x13b: {  	_ =	swait.ge [sflag:s25], $0x2000  }
0x13c: {  	s7 =	simm.s32 $0x3C;
	[sflag:s25] =	ssyncset.done $0x0  }
0x13d: {  	s2 =	simm.s32 $0xA4F0;
	s5 =	simm.s32 $0x24F0;
	[tilespmem:$0x1FEB0] =	vst v23;
	[sflag:s25] =	ssyncadd.s32 $0xFFFFE000  }
.LBB2_4:
0x13e: {  	s23 =	sadd.s32 $0x4, s7;
	v5 =	vld [tilespmem:s5+$0xFFFFFE10]  }
0x13f: {  	v6 =	vld [tilespmem:s2+$0xFFFFFE10];
	s8 =	sand.u32 $0x70, s23  }
0x140: {  	v4 =	vld [tilespmem:s8+$0x200]  }
0x141: {  	v7 =	vld [tilespmem:s5+$0xFFFFFE20]  }
0x142: {  	v8 =	vld [tilespmem:s2+$0xFFFFFE20]  }
0x143: {  	v9 =	vld [tilespmem:s5+$0xFFFFFE30]  }
0x144: {  	v33 =	vld [tilespmem:$0x1FEC0]  }
0x145: {  	s8 =	sand.u32 $0xC, s23;
	v55 =	vcvt.s32.f32 v4;
	v4 =	vld [tilespmem:s2+$0xFFFFFE30]  }
0x146: {  	v11 =	vld [tilespmem:s5+$0xFFFFFE40];
	v10 =	vmov s8  }
0x147: {  	v12 =	vld [tilespmem:s2+$0xFFFFFE40];
	v10 =	vperm.xlane v55, v10  }
0x148: {  	v13 =	vld [tilespmem:s5+$0xFFFFFE50]  }
0x149: {  	v49 =	vld [tilespmem:s2+$0xFFFFFE50];
	v5 =	vadd.f32 v6, v5;
	v48 =	vadd.f32 v8, v7;
	vm0 =	vgt.f32 v10, $5.000000000e-01  }
0x14a: {  	v51 =	vld [tilespmem:s5+$0xFFFFFE60];
	v50 =	vsel vm0, v25, v33;
	v10 =	vsel vm0, v34, v26;
	v4 =	vadd.f32 v4, v9  }
0x14b: {  	v52 =	vld [tilespmem:s2+$0xFFFFFE60];
	v40 =	vadd.f32 v5, v50;
	v38 =	vadd.f32 v48, v10;
	v5 =	vsel vm0, v35, v27  }
0x14c: {  	v53 =	vld [tilespmem:s5+$0xFFFFFE70];
	v36 =	vadd.f32 v4, v5;
	v4 =	vadd.f32 v12, v11;
	v5 =	vsel vm0, v24, v28  }
0x14d: {  	v54 =	vld [tilespmem:s2+$0xFFFFFE70];
	v56 =	vmul.f32 v40, v40;
	v12 =	vadd.f32 v38, v40;
	v14 =	vmul.f32 v38, v38  }
0x14e: {  	v57 =	vld [tilespmem:s5+$0xFFFFFE80];
	v37 =	vadd.f32 v4, v5;
	v4 =	vadd.f32 v49, v13;
	v5 =	vsel vm0, v23, v29  }
0x14f: {  	v13 =	vld [tilespmem:s2+$0xFFFFFE80];
	v11 =	vadd.f32 v14, v56;
	v12 =	vadd.f32 v36, v12;
	v14 =	vmul.f32 v36, v36  }
0x150: {  	v39 =	vadd.f32 v4, v5;
	v4 =	vadd.f32 v52, v51  }
0x151: {  	v5 =	vsel vm0, v59, v30;
	v61 =	vmul.f32 v37, v37;
	v51 =	vld [tilespmem:s5+$0xFFFFFEA0];
	v58 =	vadd.f32 v14, v11  }
0x152: {  	v52 =	vld [tilespmem:s2+$0xFFFFFEA0];
	v41 =	vadd.f32 v4, v5;
	v4 =	vadd.f32 v54, v53  }
0x153: {  	v60 =	vadd.f32 v37, v12;
	v12 =	vld [tilespmem:s2+$0xFFFFFEB0];
	v5 =	vsel vm0, v63, v31;
	v6 =	vadd.f32 v61, v58  }
0x154: {  	s8 =	sadd.s32 $0x5, s7;
	v45 =	vmul.f32 v39, v39;
	v54 =	vld [tilespmem:s5+$0xFFFFFEB0];
	v42 =	vadd.f32 v4, v5;
	v4 =	vadd.f32 v13, v57  }
0x155: {  	s8 =	sand.u32 $0xD, s8;
	v48 =	vld [tilespmem:s5+$0xFFFFFE90];
	v62 =	vadd.f32 v39, v60;
	v5 =	vsel vm0, v15, v32;
	v47 =	vmul.f32 v41, v41  }
0x156: {  	v13 =	vmov s8;
	v6 =	vadd.f32 v45, v6;
	v43 =	vadd.f32 v4, v5;
	v4 =	vld [tilespmem:s2+$0xFFFFFE90]  }
0x157: {  	v46 =	vadd.f32 v41, v62;
	v13 =	vperm.xlane v55, v13  }
0x158: {  	v14 =	vld [tilespmem:s5+$0xFFFFFEC0];
	v8 =	vadd.f32 v52, v51;
	v50 =	vmul.f32 v42, v42;
	v5 =	vadd.f32 v47, v6  }
0x159: {  	v15 =	vld [tilespmem:s2+$0xFFFFFEC0];
	v49 =	vadd.f32 v42, v46;
	vm13 =	vgt.f32 v13, $5.000000000e-01;
	v11 =	vadd.f32 v12, v54  }
0x15a: {  	v16 =	vld [tilespmem:s5+$0xFFFFFED0];
	v53 =	vmul.f32 v43, v43;
	v58 =	vsel vm13, v25, v33;
	v5 =	vadd.f32 v50, v5  }
0x15b: {  	v57 =	vld [tilespmem:s2+$0xFFFFFED0];
	v13 =	vsel vm13, v34, v26;
	v6 =	vadd.f32 v43, v49;
	v4 =	vadd.f32 v4, v48  }
0x15c: {  	v60 =	vld [tilespmem:s2+$0xFFFFFEE0];
	v61 =	vsel vm13, v24, v28;
	v45 =	vadd.f32 v8, v13;
	v5 =	vadd.f32 v53, v5  }
0x15d: {  	v12 =	vld [tilespmem:s5+$0xFFFFFEE0];
	v56 =	vperm.xlane v6, v0;
	v44 =	vadd.f32 v4, v58;
	v4 =	vsel vm13, v35, v27  }
0x15e: {  	v62 =	vld [tilespmem:s5+$0xFFFFFEF0];
	v17 =	vmul.f32 v45, v45;
	v46 =	vadd.f32 v11, v4;
	v4 =	vadd.f32 v15, v14  }
0x15f: {  	v13 =	vld [tilespmem:s2+$0xFFFFFEF0];
	v6 =	vadd.f32 v6, v56;
	v14 =	vmul.f32 v44, v44;
	v15 =	vadd.f32 v45, v44  }
0x160: {  	v52 =	vsel vm13, v23, v29;
	v47 =	vadd.f32 v4, v61;
	v4 =	vadd.f32 v57, v16  }
0x161: {  	v53 =	vld [tilespmem:s5+$0xFFFFFF00];
	v14 =	vadd.f32 v17, v14;
	v15 =	vadd.f32 v46, v15;
	v17 =	vmul.f32 v46, v46  }
0x162: {  	v54 =	vsel vm13, v59, v30;
	v16 =	vld [tilespmem:s2+$0xFFFFFF00];
	v48 =	vadd.f32 v4, v52;
	v4 =	vadd.f32 v60, v12  }
0x163: {  	v7 =	vperm.xlane v5, v0;
	v60 =	vld [tilespmem:$0x1FEF0];
	v56 =	vadd.f32 v17, v14;
	v12 =	vadd.f32 v47, v15  }
0x164: {  	v14 =	vmul.f32 v47, v47;
	v49 =	vadd.f32 v4, v54;
	v4 =	vadd.f32 v13, v62  }
0x165: {  	v5 =	vadd.f32 v7, v5;
	v57 =	vsel vm13, v63, v31;
	v58 =	vadd.f32 v48, v12  }
0x166: {  	v9 =	vadd.f32 v14, v56;
	v12 =	vmul.f32 v48, v48;
	v50 =	vadd.f32 v4, v57  }
0x167: {  	v4 =	vadd.f32 v16, v53;
	v62 =	vmul.f32 v49, v49;
	v61 =	vadd.f32 v49, v58  }
0x168: {  	v8 =	vsel vm13, v60, v32;
	v9 =	vadd.f32 v12, v9;
	v12 =	vperm.xlane v6, v1  }
0x169: {  	v56 =	vperm.xlane v5, v1;
	v51 =	vadd.f32 v4, v8;
	v53 =	vadd.f32 v50, v61  }
0x16a: {  	v54 =	vmul.f32 v50, v50;
	v4 =	vadd.f32 v62, v9;
	v6 =	vadd.f32 v6, v12  }
0x16b: {  	v5 =	vadd.f32 v56, v5;
	v7 =	vadd.f32 v51, v53  }
0x16c: {  	v57 =	vmul.f32 v51, v51;
	v4 =	vadd.f32 v54, v4;
	v58 =	vperm.xlane v6, v2  }
0x16d: {  	v9 =	vperm.xlane v5, v2;
	v60 =	vperm.xlane v7, v0  }
0x16e: {  	v4 =	vadd.f32 v57, v4;
	v6 =	vadd.f32 v6, v58  }
0x16f: {  	v5 =	vadd.f32 v9, v5;
	v7 =	vadd.f32 v7, v60  }
0x170: {  	v17 =	vld [tilespmem:s2+$0xFFFFFF40];
	v61 =	vperm.xlane v4, v0;
	v10 =	vperm.xlane v6, v3  }
0x171: {  	v56 =	vld [tilespmem:s2+$0xFFFFFF10];
	v52 =	vperm.xlane v5, v3;
	v62 =	vperm.xlane v7, v1  }
0x172: {  	v54 =	vld [tilespmem:s5+$0xFFFFFF10];
	v4 =	vadd.f32 v61, v4;
	v6 =	vadd.f32 v6, v10  }
0x173: {  	s8 =	sadd.s32 $0x6, s7;
	v13 =	vld [tilespmem:s2+$0xFFFFFF20];
	v5 =	vadd.f32 v52, v5;
	v7 =	vadd.f32 v7, v62  }
0x174: {  	s8 =	sand.u32 $0xE, s8;
	v58 =	vld [tilespmem:s5+$0xFFFFFF20];
	v53 =	vperm.xlane v4, v1;
	v8 =	vmul.f32 $7.812500000e-03, v6  }
0x175: {  	v14 =	vld [tilespmem:s5+$0xFFFFFF30];
	v5 =	vmul.f32 $7.812500000e-03, v5;
	v61 =	vmov s8;
	v57 =	vperm.xlane v7, v2  }
0x176: {  	v16 =	vld [tilespmem:s5+$0xFFFFFF40];
	v11 =	vperm.xlane v55, v61;
	v4 =	vadd.f32 v53, v4;
	v12 =	vmul.f32 v8, v8  }
0x177: {  	v61 =	vld [tilespmem:s2+$0xFFFFFF80];
	v6 =	vadd.f32 v56, v54;
	v7 =	vadd.f32 v7, v57  }
0x178: {  	vm14 =	vgt.f32 v11, $5.000000000e-01;
	v60 =	vperm.xlane v4, v2;
	v5 =	vsub.f32 v5, v12;
	v12 =	vld [tilespmem:s2+$0xFFFFFF30]  }
0x179: {  	v9 =	vadd.f32 v13, v58;
	v11 =	vsel vm14, v25, v33;
	v57 =	vld [tilespmem:s5+$0xFFFFFF80];
	v15 =	vperm.xlane v7, v3  }
0x17a: {  	v62 =	vld [tilespmem:s2+$0xFFFFFF50];
	v13 =	vsel vm14, v34, v26;
	v52 =	vadd.f32 v6, v11;
	v4 =	vadd.f32 v60, v4  }
0x17b: {  	v53 =	vadd.f32 v9, v13;
	v5 =	vmax.f32 v5, $0.0e+00;
	v7 =	vadd.f32 v7, v15;
	v15 =	vld [tilespmem:s5+$0xFFFFFF50]  }
0x17c: {  	v9 =	vld [tilespmem:s2+$0xFFFFFF60];
	v18 =	vadd.f32 $9.999999960e-13, v5;
	v5 =	vperm.xlane v4, v3  }
0x17d: {  	v13 =	vadd.f32 v53, v52;
	v12 =	vadd.f32 v12, v14;
	v14 =	vld [tilespmem:s5+$0xFFFFFF60]  }
0x17e: {  	v54 =	vsel vm14, v35, v27;
	v6 =	vadd.f32 v61, v57;
	v11 =	vadd.f32 v5, v4;
	v4 =	vld [tilespmem:s5+$0xFFFFFF70]  }
0x17f: {  	v56 =	vsel vm14, v24, v28;
	v5 =	vadd.f32 v17, v16;
	v54 =	vadd.f32 v12, v54;
	v12 =	vld [tilespmem:s2+$0xFFFFFF70]  }
0x180: {  	v16 =	vmul.f32 v53, v53;
	v10 =	vadd.f32 v62, v15;
	v15 =	vmul.f32 v52, v52  }
0x181: {  	v58 =	vadd.f32 v5, v56;
	v5 =	vsel vm14, v23, v29;
	v13 =	vadd.f32 v54, v13  }
0x182: {  	v57 =	vld [tilespmem:$0x1FEF0];
	v60 =	vadd.f32 v10, v5;
	v5 =	vadd.f32 v16, v15;
	v15 =	vmul.f32 v54, v54  }
0x183: {  	v20 =	vld [tilespmem:s5+$0xFFFFFFB0];
	v9 =	vadd.f32 v9, v14;
	v14 =	vsel vm14, v59, v30;
	v13 =	vadd.f32 v58, v13  }
0x184: {  	v17 =	vld [tilespmem:s5+$0xFFFFFF90];
	v16 =	vmul.f32 v58, v58;
	v12 =	vadd.f32 v12, v4;
	v15 =	vadd.f32 v15, v5  }
0x185: {  	v4 =	vadd.f32 v9, v14;
	v5 =	vsel vm14, v63, v31;
	v62 =	vadd.f32 v60, v13;
	v13 =	vld [tilespmem:s2+$0xFFFFFF90]  }
0x186: {  	v21 =	vld [tilespmem:s5+$0xFFFFFFC0];
	v14 =	vmul.f32 v60, v60;
	v5 =	vadd.f32 v12, v5;
	v12 =	vadd.f32 v16, v15  }
0x187: {  	v22 =	vld [tilespmem:s2+$0xFFFFFFC0];
	v19 =	vsel vm14, v57, v32;
	v56 =	vadd.f32 v4, v62  }
0x188: {  	s8 =	sadd.s32 $0x7, s7;
	v10 =	vld [tilespmem:s2+$0xFFFFFFB0];
	v9 =	vmul.f32 $7.812500000e-03, v7;
	v12 =	vadd.f32 v14, v12;
	v14 =	vmul.f32 v4, v4  }
0x189: {  	v57 =	vld [tilespmem:s5+$0xFFFFFFD0];
	v7 =	vadd.f32 v6, v19;
	v19 =	vmov s8;
	v61 =	vadd.f32 v5, v56  }
0x18a: {  	v13 =	vadd.f32 v13, v17;
	v17 =	vld [tilespmem:s2+$0xFFFFFFD0];
	v12 =	vadd.f32 v14, v12;
	v14 =	vmul.f32 v5, v5  }
0x18b: {  	v11 =	vmul.f32 $7.812500000e-03, v11;
	v19 =	vperm.xlane v55, v19;
	v15 =	vld [tilespmem:s5+$0xFFFFFFA0]  }
0x18c: {  	v16 =	vld [tilespmem:s2+$0xFFFFFFA0];
	v6 =	vadd.f32 v7, v61;
	v12 =	vadd.f32 v14, v12;
	v14 =	vmul.f32 v7, v7  }
0x18d: {  	v62 =	vmul.f32 v9, v9;
	vm15 =	vgt.f32 v19, $5.000000000e-01;
	v19 =	vld [tilespmem:s5+$0xFFFFFFE0];
	v10 =	vadd.f32 v10, v20  }
0x18e: {  	v56 =	vperm.xlane v6, v0;
	v12 =	vadd.f32 v14, v12;
	v14 =	vsel vm15, v25, v33;
	v33 =	vld [tilespmem:s2+$0xFFFFFFE0]  }
0x18f: {  	v55 =	vshrl.u32 v18, $0x1;
	v20 =	vadd.f32 v22, v21;
	v57 =	vadd.f32 v17, v57;
	v17 =	vld [tilespmem:$0x1FEB0]  }
0x190: {  	v11 =	vsub.f32 v11, v62;
	v23 =	vadd.f32 v6, v56;
	v56 =	vsel vm15, v24, v28  }
0x191: {  	v61 =	vadd.f32 v13, v14;
	v14 =	vadd.f32 v16, v15;
	v16 =	vsel vm15, v35, v27  }
0x192: {  	v13 =	vsub.s32 $0x5F3759DF, v55;
	v15 =	vsel vm15, v34, v26;
	v55 =	vadd.f32 v10, v16;
	v16 =	vld [tilespmem:s2+$0xFFFFFFF0]  }
0x193: {  	v62 =	vadd.f32 v14, v15;
	v14 =	vld [tilespmem:s5+$0xFFFFFFF0];
	v15 =	vmul.f32 $5.000000000e-01, v18;
	v6 =	vadd.f32 v33, v19  }
0x194: {  	v18 =	vsel vm15, v59, v30;
	v17 =	vsel vm15, v17, v29;
	v19 =	vmul.f32 v61, v61;
	v33 =	vld [tilespmem:s2+$0x0]  }
0x195: {  	v21 =	vmul.f32 v62, v62;
	v59 =	vadd.f32 v57, v17;
	v57 =	vadd.f32 v6, v18;
	v6 =	vld [tilespmem:s5+$0x0]  }
0x196: {  	v56 =	vadd.f32 v20, v56;
	v20 =	vadd.f32 v62, v61;
	v22 =	vmul.f32 v13, v15  }
0x197: {  	v11 =	vmax.f32 v11, $0.0e+00;
	v17 =	vadd.f32 v21, v19;
	v19 =	vmul.f32 v55, v55  }
0x198: {  	v11 =	vadd.f32 $9.999999960e-13, v11;
	v18 =	vadd.f32 v55, v20;
	v20 =	vmul.f32 v13, v22  }
0x199: {  	v14 =	vadd.f32 v16, v14;
	v17 =	vadd.f32 v19, v17;
	v19 =	vmul.f32 v56, v56  }
0x19a: {  	v16 =	vsel vm15, v63, v31;
	v18 =	vadd.f32 v56, v18;
	v6 =	vadd.f32 v33, v6;
	v33 =	vld [tilespmem:$0x1FEF0]  }
0x19b: {  	v63 =	vadd.f32 v14, v16;
	v14 =	vadd.f32 v19, v17;
	v17 =	vmul.f32 v59, v59  }
0x19c: {  	v20 =	vsub.f32 $1.500000000e+00, v20;
	v16 =	vadd.f32 v59, v18  }
0x19d: {  	v18 =	vperm.xlane v12, v0;
	v14 =	vadd.f32 v17, v14;
	v17 =	vmul.f32 v57, v57  }
0x19e: {  	v19 =	vperm.xlane v23, v1;
	v13 =	vmul.f32 v13, v20;
	v16 =	vadd.f32 v57, v16  }
0x19f: {  	v12 =	vadd.f32 v18, v12;
	v10 =	vsel vm15, v33, v32;
	v33 =	vadd.f32 v17, v14  }
0x1a0: {  	v14 =	vadd.f32 v63, v16;
	v16 =	vmul.f32 v63, v63;
	v6 =	vadd.f32 v6, v10  }
0x1a1: {  	v15 =	vmul.f32 v13, v15;
	v18 =	vperm.xlane v12, v1;
	v17 =	vadd.f32 v23, v19  }
0x1a2: {  	v10 =	vadd.f32 v16, v33;
	v14 =	vadd.f32 v6, v14;
	v16 =	vmul.f32 v6, v6  }
0x1a3: {  	v15 =	vmul.f32 v15, v13;
	v12 =	vadd.f32 v18, v12;
	v19 =	vshrl.u32 v11, $0x1  }
0x1a4: {  	v18 =	vperm.xlane v17, v2;
	v10 =	vadd.f32 v16, v10;
	v16 =	vperm.xlane v14, v0  }
0x1a5: {  	v11 =	vmul.f32 $5.000000000e-01, v11;
	v15 =	vsub.f32 $1.500000000e+00, v15;
	v20 =	vperm.xlane v12, v2  }
0x1a6: {  	v17 =	vadd.f32 v17, v18;
	v14 =	vadd.f32 v14, v16;
	v16 =	vperm.xlane v10, v0  }
0x1a7: {  	v13 =	vmul.f32 v15, v13;
	v18 =	vsub.s32 $0x5F3759DF, v19;
	v12 =	vadd.f32 v20, v12  }
0x1a8: {  	v19 =	vperm.xlane v17, v3;
	v20 =	vperm.xlane v14, v1;
	v10 =	vadd.f32 v16, v10  }
0x1a9: {  	v21 =	vperm.xlane v12, v3;
	v16 =	vmul.f32 v18, v11  }
0x1aa: {  	v17 =	vadd.f32 v17, v19;
	v14 =	vadd.f32 v14, v20;
	v19 =	vperm.xlane v10, v1  }
0x1ab: {  	v22 =	vmul.f32 v13, v39;
	v12 =	vadd.f32 v21, v12;
	v16 =	vmul.f32 v18, v16  }
0x1ac: {  	v17 =	vmul.f32 $7.812500000e-03, v17;
	v20 =	vperm.xlane v14, v2;
	v10 =	vadd.f32 v19, v10  }
0x1ad: {  	v23 =	vmul.f32 v13, v41;
	v12 =	vmul.f32 $7.812500000e-03, v12;
	v16 =	vsub.f32 $1.500000000e+00, v16  }
0x1ae: {  	v19 =	vmul.f32 v17, v17;
	v14 =	vadd.f32 v14, v20;
	v20 =	vperm.xlane v10, v2  }
0x1af: {  	v41 =	vmul.f32 v13, v42;
	v15 =	vmul.f32 v18, v16  }
0x1b0: {  	v12 =	vsub.f32 v12, v19;
	v16 =	vperm.xlane v14, v3;
	v10 =	vadd.f32 v20, v10  }
0x1b1: {  	v18 =	vmul.f32 v13, v8;
	v8 =	vmul.f32 v15, v11  }
0x1b2: {  	v33 =	vmax.f32 v12, $0.0e+00;
	v12 =	vadd.f32 v14, v16;
	v14 =	vperm.xlane v10, v3  }
0x1b3: {  	v21 =	vmul.f32 v13, v37;
	v11 =	vadd.f32 $9.999999960e-13, v33;
	v19 =	vmul.f32 v8, v15  }
0x1b4: {  	v20 =	vmul.f32 v13, v38;
	v10 =	vadd.f32 v14, v10;
	v8 =	vmul.f32 $7.812500000e-03, v12  }
0x1b5: {  	v12 =	vsub.f32 $1.500000000e+00, v19;
	v14 =	vshrl.u32 v11, $0x1;
	v11 =	vmul.f32 $5.000000000e-01, v11  }
0x1b6: {  	v14 =	vsub.s32 $0x5F3759DF, v14;
	v10 =	vmul.f32 $7.812500000e-03, v10;
	v19 =	vmul.f32 v8, v8  }
0x1b7: {  	v21 =	vsub.f32 v21, v18;
	v12 =	vmul.f32 v12, v15;
	v15 =	vmul.f32 v14, v11  }
0x1b8: {  	v22 =	vsub.f32 v22, v18;
	v23 =	vsub.f32 v23, v18;
	v16 =	vmul.f32 v13, v40  }
0x1b9: {  	v10 =	vsub.f32 v10, v19;
	v19 =	vmul.f32 v13, v36;
	v15 =	vmul.f32 v14, v15  }
0x1ba: {  	v20 =	vsub.f32 v20, v18;
	v13 =	vmul.f32 v13, v43;
	v9 =	vmul.f32 v12, v9  }
0x1bb: {  	v37 =	vmul.f32 v12, v45;
	v38 =	vmul.f32 v12, v46;
	v15 =	vsub.f32 $1.500000000e+00, v15  }
0x1bc: {  	v36 =	vsub.f32 v41, v18;
	v39 =	vmul.f32 v12, v47;
	v41 =	vmul.f32 v12, v48  }
0x1bd: {  	v16 =	vsub.f32 v16, v18;
	v14 =	vmul.f32 v14, v15;
	v15 =	vmul.f32 v12, v44;
	v44 =	vld [tilespmem:$0x1FF00]  }
0x1be: {  	v43 =	vmul.f32 v12, v50;
	v19 =	vsub.f32 v19, v18;
	v10 =	vmax.f32 v10, $0.0e+00  }
0x1bf: {  	v13 =	vsub.f32 v13, v18;
	v18 =	vmul.f32 v12, v49;
	v12 =	vmul.f32 v12, v51;
	v51 =	vld [tilespmem:$0x1FF80]  }
0x1c0: {  	v10 =	vadd.f32 $9.999999960e-13, v10;
	_ =	sdelay $0x1  }
0x1c1: {  	v46 =	vld [tilespmem:$0x1FF20];
	v33 =	vshrl.u32 v10, $0x1;
	v10 =	vmul.f32 $5.000000000e-01, v10;
	v16 =	vmul.f32 v16, v44  }
0x1c2: {  	v11 =	vmul.f32 v14, v11;
	v40 =	vsub.s32 $0x5F3759DF, v33  }
0x1c3: {  	v33 =	vmul.f32 v40, v10;
	v16 =	vadd.f32 v16, v51;
	v51 =	vld [tilespmem:$0x1FFA0]  }
0x1c4: {  	v11 =	vmul.f32 v11, v14  }
0x1c5: {  	v37 =	vsub.f32 v37, v9;
	v18 =	vsub.f32 v18, v9;
	v42 =	vmul.f32 v40, v33  }
0x1c6: {  	v19 =	vmul.f32 v19, v46;
	v15 =	vsub.f32 v15, v9;
	v11 =	vsub.f32 $1.500000000e+00, v11  }
0x1c7: {  	v33 =	vsub.f32 $1.500000000e+00, v42;
	v42 =	vsub.f32 v43, v9  }
0x1c8: {  	v11 =	vmul.f32 v11, v14;
	v14 =	vsub.f32 v38, v9;
	v19 =	vadd.f32 v19, v51;
	v51 =	vld [tilespmem:$0x1FF70]  }
0x1c9: {  	v38 =	vsub.f32 v39, v9;
	v39 =	vsub.f32 v41, v9  }
0x1ca: {  	v9 =	vsub.f32 v12, v9;
	v12 =	vmul.f32 v40, v33;
	v40 =	vmul.f32 v11, v52;
	v52 =	vld [tilespmem:$0x1FFF0]  }
0x1cb: {  	v49 =	vld [tilespmem:$0x1FF50];
	_ =	sdelay $0x1  }
0x1cc: {  	v13 =	vmul.f32 v13, v51;
	v51 =	vld [tilespmem:$0x1FFD0];
	_ =	sdelay $0x1  }
0x1cd: {  	v45 =	vld [tilespmem:$0x1FF10];
	v13 =	vadd.f32 v13, v52  }
0x1ce: {  	v23 =	vmul.f32 v23, v49  }
0x1cf: {  	[tilespmem:s5+$0xFFFFFE80] =	vst v13;
	v13 =	vld [tilespmem:$0x1FF90]  }
0x1d0: {  	v50 =	vld [tilespmem:$0x1FF60];
	v23 =	vadd.f32 v23, v51;
	_ =	sdelay $0x1  }
0x1d1: {  	v51 =	vld [tilespmem:$0x1FFE0];
	[tilespmem:s5+$0xFFFFFE60] =	vst v23;
	v23 =	vmul.f32 v37, v45;
	_ =	sdelay $0x1  }
0x1d2: {  	v47 =	vld [tilespmem:$0x1FF30];
	v13 =	vadd.f32 v23, v13  }
0x1d3: {  	v36 =	vmul.f32 v36, v50  }
0x1d4: {  	[tilespmem:s5+$0xFFFFFEA0] =	vst v13;
	v13 =	vld [tilespmem:$0x1FFB0]  }
0x1d5: {  	[tilespmem:s5+$0xFFFFFE10] =	vst v16;
	v16 =	vadd.f32 v36, v51  }
0x1d6: {  	v10 =	vmul.f32 v12, v10;
	[tilespmem:s5+$0xFFFFFE30] =	vst v19  }
0x1d7: {  	v19 =	vld [tilespmem:$0x1FF80];
	[tilespmem:s5+$0xFFFFFE70] =	vst v16;
	v16 =	vmul.f32 v38, v47  }
0x1d8: {  	v10 =	vmul.f32 v10, v12  }
0x1d9: {  	v13 =	vadd.f32 v16, v13  }
0x1da: {  	v15 =	vmul.f32 v15, v44;
	v33 =	vld [tilespmem:$0x1FF90];
	v10 =	vsub.f32 $1.500000000e+00, v10  }
0x1db: {  	[tilespmem:s5+$0xFFFFFEC0] =	vst v13;
	v13 =	vld [tilespmem:$0x1FFD0]  }
0x1dc: {  	v10 =	vmul.f32 v10, v12;
	v12 =	vld [tilespmem:$0x1FFA0];
	v15 =	vadd.f32 v15, v19;
	_ =	sdelay $0x1  }
0x1dd: {  	[tilespmem:s5+$0xFFFFFE90] =	vst v15;
	v15 =	vmul.f32 v18, v49  }
0x1de: {  	v20 =	vmul.f32 v20, v45;
	v14 =	vmul.f32 v14, v46  }
0x1df: {  	v48 =	vld [tilespmem:$0x1FF40];
	v17 =	vmul.f32 v11, v17;
	v13 =	vadd.f32 v15, v13  }
0x1e0: {  	v41 =	vmul.f32 v11, v53;
	v20 =	vadd.f32 v20, v33;
	v33 =	vld [tilespmem:$0x1FFB0];
	v12 =	vadd.f32 v14, v12  }
0x1e1: {  	[tilespmem:s5+$0xFFFFFEE0] =	vst v13;
	v13 =	vld [tilespmem:$0x1FF90]  }
0x1e2: {  	v19 =	vsub.f32 v41, v17;
	[tilespmem:s5+$0xFFFFFEB0] =	vst v12;
	v12 =	vld [tilespmem:$0x1FFC0]  }
0x1e3: {  	v21 =	vmul.f32 v21, v47  }
0x1e4: {  	v15 =	vmul.f32 v19, v45  }
0x1e5: {  	v21 =	vadd.f32 v21, v33;
	v33 =	vld [tilespmem:$0x1FFC0];
	v14 =	vmul.f32 v39, v48  }
0x1e6: {  	v4 =	vmul.f32 v11, v4;
	v13 =	vadd.f32 v15, v13  }
0x1e7: {  	v12 =	vadd.f32 v14, v12;
	v14 =	vld [tilespmem:$0x1FF70]  }
0x1e8: {  	v22 =	vmul.f32 v22, v48;
	v54 =	vmul.f32 v11, v54;
	v4 =	vsub.f32 v4, v17;
	[tilespmem:s5+$0xFFFFFF20] =	vst v13;
	v13 =	vld [tilespmem:$0x1FFD0]  }
0x1e9: {  	v5 =	vmul.f32 v11, v5;
	v7 =	vmul.f32 v11, v7  }
0x1ea: {  	v4 =	vmul.f32 v4, v49;
	v22 =	vadd.f32 v22, v33;
	v33 =	vmul.f32 v11, v58;
	[tilespmem:s5+$0xFFFFFED0] =	vst v12;
	v12 =	vld [tilespmem:$0x1FF80]  }
0x1eb: {  	v40 =	vsub.f32 v40, v17;
	[tilespmem:s5+$0xFFFFFE20] =	vst v20;
	v20 =	vmul.f32 v11, v60;
	v16 =	vmul.f32 v42, v50;
	v42 =	vld [tilespmem:$0x1FFB0]  }
0x1ec: {  	v43 =	vld [tilespmem:$0x1FFC0];
	v7 =	vsub.f32 v7, v17;
	[tilespmem:s5+$0xFFFFFE50] =	vst v22;
	v22 =	vsub.f32 v33, v17;
	v9 =	vmul.f32 v9, v14  }
0x1ed: {  	v20 =	vsub.f32 v20, v17;
	v8 =	vmul.f32 v10, v8;
	v4 =	vadd.f32 v4, v13;
	v13 =	vld [tilespmem:$0x1FF70]  }
0x1ee: {  	v18 =	vld [tilespmem:$0x1FFA0];
	v11 =	vmul.f32 v40, v44;
	v9 =	vadd.f32 v9, v52;
	v15 =	vmul.f32 v22, v47  }
0x1ef: {  	[tilespmem:s5+$0xFFFFFE40] =	vst v21;
	v21 =	vsub.f32 v54, v17;
	v14 =	vadd.f32 v16, v51;
	v16 =	vmul.f32 v20, v48  }
0x1f0: {  	v11 =	vadd.f32 v11, v12;
	[tilespmem:s5+$0xFFFFFF00] =	vst v9;
	v9 =	vadd.f32 v15, v42;
	v15 =	vmul.f32 v10, v62  }
0x1f1: {  	v5 =	vsub.f32 v5, v17;
	v17 =	vld [tilespmem:$0x1FF90];
	v12 =	vmul.f32 v21, v46;
	[tilespmem:s5+$0xFFFFFEF0] =	vst v14;
	v14 =	vmul.f32 v10, v61  }
0x1f2: {  	[tilespmem:s5+$0xFFFFFF10] =	vst v11;
	v11 =	vadd.f32 v16, v43;
	v16 =	vld [tilespmem:$0x1FF80];
	v7 =	vmul.f32 v7, v13;
	v13 =	vsub.f32 v15, v8  }
0x1f3: {  	v12 =	vadd.f32 v12, v18;
	v14 =	vsub.f32 v14, v8  }
0x1f4: {  	v5 =	vmul.f32 v5, v50;
	v45 =	vmul.f32 v13, v45  }
0x1f5: {  	[tilespmem:s5+$0xFFFFFF30] =	vst v12;
	v12 =	vmul.f32 v14, v44;
	v14 =	vmul.f32 v10, v55  }
0x1f6: {  	v5 =	vadd.f32 v5, v51;
	[tilespmem:s5+$0xFFFFFF60] =	vst v4;
	v4 =	vadd.f32 v45, v17  }
0x1f7: {  	v53 =	vadd.f32 v12, v16;
	v12 =	vsub.f32 v14, v8;
	v13 =	vmul.f32 v10, v56  }
0x1f8: {  	[tilespmem:s5+$0xFFFFFFA0] =	vst v4;
	v4 =	vld [tilespmem:$0x1FFB0]  }
0x1f9: {  	[tilespmem:s5+$0xFFFFFF70] =	vst v5;
	v5 =	vmul.f32 v12, v46;
	v54 =	vsub.f32 v13, v8;
	_ =	sdelay $0x1  }
0x1fa: {  	v5 =	vadd.f32 v5, v18;
	v55 =	vmul.f32 v54, v47;
	_ =	sdelay $0x1  }
0x1fb: {  	v14 =	vmul.f32 v10, v59;
	[tilespmem:s5+$0xFFFFFFB0] =	vst v5;
	v5 =	vld [tilespmem:$0x1FFC0];
	v4 =	vadd.f32 v55, v4  }
0x1fc: {  	v62 =	vld [tilespmem:$0x1FF70];
	v13 =	vmul.f32 v10, v57  }
0x1fd: {  	v12 =	vsub.f32 v14, v8;
	v14 =	vmul.f32 v10, v63;
	[tilespmem:s5+$0xFFFFFFC0] =	vst v4;
	v4 =	vld [tilespmem:$0x1FFD0]  }
0x1fe: {  	v6 =	vmul.f32 v10, v6;
	v56 =	vsub.f32 v13, v8  }
0x1ff: {  	[tilespmem:s5+$0xFFFFFF50] =	vst v11;
	v58 =	vsub.f32 v14, v8;
	v57 =	vmul.f32 v12, v48  }
0x200: {  	v6 =	vsub.f32 v6, v8;
	[tilespmem:s5+$0xFFFFFF90] =	vst v53;
	v7 =	vadd.f32 v7, v52;
	v60 =	vmul.f32 v56, v49  }
0x201: {  	p0 =	slt.u32 s23, $0x7C;
	v61 =	vmul.f32 v58, v50;
	[tilespmem:s5+$0xFFFFFF40] =	vst v9;
	v5 =	vadd.f32 v57, v5  }
.Ltmp1:
0x202: {  	v6 =	vmul.f32 v6, v62;
	[tilespmem:s5+$0xFFFFFF80] =	vst v7;
	v4 =	vadd.f32 v60, v4;
	(pc) =	sbr.rel @p0 .LBB2_4-.Ltmp1, $4  }
0x203: {  	v23 =	vld [tilespmem:$0x1FEB0];
	[tilespmem:s5+$0xFFFFFFD0] =	vst v5;
	v5 =	vadd.f32 v61, v51  }
0x204: {  	v59 =	vld [tilespmem:$0x1FED0];
	[tilespmem:s5+$0xFFFFFFE0] =	vst v4;
	v4 =	vadd.f32 v6, v52  }
0x205: {  	v63 =	vld [tilespmem:$0x1FEE0];
	[tilespmem:s5+$0xFFFFFFF0] =	vst v5  }
0x206: {  	s7 =	smov.u32 s23;
	s2 =	sadd.s32 $0x200, s2;
	v15 =	vld [tilespmem:$0x1FEF0];
	[tilespmem:s5+$0x0] =	vst v4;
	s5 =	sadd.s32 $0x200, s5  }
0x207: {  	s2 =	simm.s32 $0x0  }
0x208: {  	[hbm4b:s17+s2] =	stream.linear.scatter [tilespmem:s0], [sflag:$0x3], $0x2000, $0x38;
	[tilespmem:$0x10500] =	vst v63  }
0x209: {  	_ =	swait.ge [sflag:s24], $0x2000  }
0x20a: {  	[sflag:s24] =	ssyncset.done $0x0  }
0x20b: {  	[sflag:s24] =	ssyncadd.s32 $0xFFFFE000  }
0x20c: {  	_ =	swait.ge [sflag:s24], $0x2000  }
0x20d: {  	[sflag:s24] =	ssyncset.done $0x0  }
0x20e: {  	s7 =	simm.s32 $0x7C;
	[tilespmem:$0x1FEA0] =	vst v24;
	[sflag:s24] =	ssyncadd.s32 $0xFFFFE000  }
.LBB2_6:
0x20f: {  	s5 =	sadd.s32 $0x4, s7;
	s23 =	sshra.s32 s2, $0x2;
	v56 =	vld [tilespmem:$0x1FEC0]  }
0x210: {  	s8 =	sand.u32 $0xF0, s5;
	v5 =	vld [tilespmem:s23+$0x4300]  }
0x211: {  	v4 =	vld [tilespmem:s8+$0x200]  }
0x212: {  	v6 =	vld [tilespmem:s23+$0xC300]  }
0x213: {  	v7 =	vld [tilespmem:s23+$0x4310]  }
0x214: {  	v8 =	vld [tilespmem:s23+$0xC310]  }
0x215: {  	v9 =	vld [tilespmem:s23+$0x4320]  }
0x216: {  	s8 =	sand.u32 $0xC, s5;
	v55 =	vcvt.s32.f32 v4;
	v4 =	vld [tilespmem:s23+$0xC320]  }
0x217: {  	v11 =	vld [tilespmem:s23+$0x4330];
	v10 =	vmov s8  }
0x218: {  	v12 =	vld [tilespmem:s23+$0xC330];
	v10 =	vperm.xlane v55, v10  }
0x219: {  	v13 =	vld [tilespmem:s23+$0x4340]  }
0x21a: {  	v44 =	vld [tilespmem:s23+$0xC340];
	v5 =	vadd.f32 v6, v5;
	v38 =	vadd.f32 v8, v7;
	vm0 =	vgt.f32 v10, $5.000000000e-01  }
0x21b: {  	v46 =	vld [tilespmem:s23+$0x4350];
	v45 =	vsel vm0, v25, v56;
	v10 =	vsel vm0, v34, v26;
	v4 =	vadd.f32 v4, v9  }
0x21c: {  	v47 =	vld [tilespmem:s23+$0xC350];
	v40 =	vadd.f32 v5, v45;
	v38 =	vadd.f32 v38, v10;
	v5 =	vsel vm0, v35, v27  }
0x21d: {  	v48 =	vld [tilespmem:s23+$0x4360];
	v36 =	vadd.f32 v4, v5;
	v4 =	vadd.f32 v12, v11;
	v5 =	vsel vm0, v24, v28  }
0x21e: {  	v49 =	vld [tilespmem:s23+$0xC360];
	v50 =	vmul.f32 v40, v40;
	v12 =	vadd.f32 v38, v40;
	v14 =	vmul.f32 v38, v38  }
0x21f: {  	v37 =	vadd.f32 v4, v5;
	v4 =	vadd.f32 v44, v13;
	v5 =	vsel vm0, v23, v29  }
0x220: {  	v51 =	vld [tilespmem:s23+$0x4370];
	v11 =	vadd.f32 v14, v50;
	v12 =	vadd.f32 v36, v12;
	v14 =	vmul.f32 v36, v36  }
0x221: {  	v13 =	vld [tilespmem:s23+$0xC370];
	v39 =	vadd.f32 v4, v5;
	v4 =	vadd.f32 v47, v46  }
0x222: {  	v5 =	vsel vm0, v59, v30;
	v52 =	vadd.f32 v14, v11;
	v53 =	vadd.f32 v37, v12  }
0x223: {  	v62 =	vld [tilespmem:s23+$0x4380];
	v54 =	vmul.f32 v37, v37;
	v41 =	vadd.f32 v4, v5;
	v4 =	vadd.f32 v49, v48  }
0x224: {  	v46 =	vld [tilespmem:s23+$0x4390];
	v5 =	vsel vm0, v63, v31;
	v57 =	vadd.f32 v39, v53  }
0x225: {  	v47 =	vld [tilespmem:s23+$0xC390];
	v58 =	vmul.f32 v39, v39;
	v6 =	vadd.f32 v54, v52;
	v42 =	vadd.f32 v4, v5  }
0x226: {  	s8 =	sadd.s32 $0x5, s7;
	v12 =	vld [tilespmem:s23+$0xC3A0];
	v4 =	vadd.f32 v13, v51;
	v60 =	vadd.f32 v41, v57  }
0x227: {  	s8 =	sand.u32 $0xD, s8;
	v49 =	vld [tilespmem:s23+$0x43A0];
	v5 =	vsel vm0, v15, v32;
	v61 =	vmul.f32 v41, v41;
	v6 =	vadd.f32 v58, v6  }
0x228: {  	v13 =	vmov s8;
	v43 =	vadd.f32 v4, v5;
	v4 =	vld [tilespmem:s23+$0xC380];
	v44 =	vadd.f32 v42, v60  }
0x229: {  	v13 =	vperm.xlane v55, v13;
	v45 =	vmul.f32 v42, v42;
	v5 =	vadd.f32 v61, v6  }
0x22a: {  	v14 =	vld [tilespmem:s23+$0x43B0];
	v8 =	vadd.f32 v47, v46;
	v6 =	vadd.f32 v43, v44  }
0x22b: {  	v15 =	vld [tilespmem:s23+$0xC3B0];
	vm13 =	vgt.f32 v13, $5.000000000e-01;
	v48 =	vmul.f32 v43, v43;
	v5 =	vadd.f32 v45, v5  }
0x22c: {  	v33 =	vmovc v16;
	v16 =	vld [tilespmem:s23+$0x43C0];
	v11 =	vadd.f32 v12, v49;
	v52 =	vsel vm13, v25, v56;
	v50 =	vperm.xlane v6, v0  }
0x22d: {  	v51 =	vld [tilespmem:s23+$0xC3C0];
	v13 =	vsel vm13, v34, v26;
	v5 =	vadd.f32 v48, v5;
	v4 =	vadd.f32 v4, v62  }
0x22e: {  	v53 =	vld [tilespmem:s23+$0xC3D0];
	v54 =	vsel vm13, v24, v28;
	v45 =	vadd.f32 v8, v13;
	v6 =	vadd.f32 v6, v50  }
0x22f: {  	v12 =	vld [tilespmem:s23+$0x43D0];
	v7 =	vperm.xlane v5, v0;
	v44 =	vadd.f32 v4, v52;
	v4 =	vsel vm13, v35, v27  }
0x230: {  	v57 =	vld [tilespmem:s23+$0x43E0];
	v17 =	vmul.f32 v45, v45;
	v46 =	vadd.f32 v11, v4;
	v4 =	vadd.f32 v15, v14  }
0x231: {  	v13 =	vld [tilespmem:s23+$0xC3E0];
	v14 =	vmul.f32 v44, v44;
	v15 =	vadd.f32 v45, v44;
	v5 =	vadd.f32 v7, v5  }
0x232: {  	v60 =	vld [tilespmem:s23+$0x43F0];
	v58 =	vsel vm13, v23, v29;
	v47 =	vadd.f32 v4, v54;
	v4 =	vadd.f32 v51, v16  }
0x233: {  	v54 =	vld [tilespmem:$0x1FEF0];
	v14 =	vadd.f32 v17, v14;
	v15 =	vadd.f32 v46, v15;
	v17 =	vmul.f32 v46, v46  }
0x234: {  	v61 =	vsel vm13, v59, v30;
	v16 =	vld [tilespmem:s23+$0xC3F0];
	v48 =	vadd.f32 v4, v58;
	v4 =	vadd.f32 v53, v12  }
0x235: {  	v62 =	vadd.f32 v17, v14;
	v12 =	vadd.f32 v47, v15;
	v14 =	vmul.f32 v47, v47  }
0x236: {  	v52 =	vsel vm13, v63, v31;
	v49 =	vadd.f32 v4, v61;
	v4 =	vadd.f32 v13, v57  }
0x237: {  	v9 =	vadd.f32 v14, v62;
	v53 =	vadd.f32 v48, v12;
	v12 =	vmul.f32 v48, v48  }
0x238: {  	v8 =	vsel vm13, v54, v32;
	v62 =	vperm.xlane v5, v1;
	v50 =	vadd.f32 v4, v52  }
0x239: {  	v4 =	vadd.f32 v16, v60;
	v58 =	vmul.f32 v49, v49;
	v57 =	vadd.f32 v49, v53  }
0x23a: {  	v9 =	vadd.f32 v12, v9;
	v12 =	vperm.xlane v6, v1;
	v5 =	vadd.f32 v62, v5  }
0x23b: {  	v51 =	vadd.f32 v4, v8;
	v60 =	vadd.f32 v50, v57  }
0x23c: {  	v61 =	vmul.f32 v50, v50;
	v4 =	vadd.f32 v58, v9;
	v6 =	vadd.f32 v6, v12  }
0x23d: {  	v9 =	vperm.xlane v5, v2;
	v7 =	vadd.f32 v51, v60  }
0x23e: {  	v52 =	vmul.f32 v51, v51;
	v4 =	vadd.f32 v61, v4;
	v53 =	vperm.xlane v6, v2  }
0x23f: {  	v5 =	vadd.f32 v9, v5;
	v54 =	vperm.xlane v7, v0  }
0x240: {  	v4 =	vadd.f32 v52, v4;
	v6 =	vadd.f32 v6, v53  }
0x241: {  	v13 =	vld [tilespmem:s23+$0xC410];
	v60 =	vperm.xlane v5, v3;
	v7 =	vadd.f32 v7, v54  }
0x242: {  	v62 =	vld [tilespmem:s23+$0x4400];
	v57 =	vperm.xlane v4, v0;
	v10 =	vperm.xlane v6, v3  }
0x243: {  	v52 =	vld [tilespmem:s23+$0xC400];
	v5 =	vadd.f32 v60, v5;
	v58 =	vperm.xlane v7, v1  }
0x244: {  	s8 =	sadd.s32 $0x6, s7;
	v54 =	vld [tilespmem:s23+$0x4410];
	v4 =	vadd.f32 v57, v4;
	v6 =	vadd.f32 v6, v10  }
0x245: {  	s8 =	sand.u32 $0xE, s8;
	v5 =	vmul.f32 $7.812500000e-03, v5;
	v7 =	vadd.f32 v7, v58  }
0x246: {  	v17 =	vld [tilespmem:s23+$0xC430];
	v61 =	vperm.xlane v4, v1;
	v8 =	vmul.f32 $7.812500000e-03, v6;
	v58 =	vmov s8  }
0x247: {  	v14 =	vld [tilespmem:s23+$0x4420];
	v11 =	vperm.xlane v55, v58;
	v53 =	vperm.xlane v7, v2  }
0x248: {  	v16 =	vld [tilespmem:s23+$0x4430];
	v6 =	vadd.f32 v52, v62;
	v4 =	vadd.f32 v61, v4;
	v12 =	vmul.f32 v8, v8  }
0x249: {  	v60 =	vld [tilespmem:s23+$0xC440];
	v9 =	vadd.f32 v13, v54;
	vm14 =	vgt.f32 v11, $5.000000000e-01;
	v7 =	vadd.f32 v7, v53  }
0x24a: {  	v57 =	vperm.xlane v4, v2;
	v5 =	vsub.f32 v5, v12;
	v12 =	vld [tilespmem:s23+$0xC420];
	v13 =	vsel vm14, v34, v26  }
0x24b: {  	v11 =	vsel vm14, v25, v56;
	v53 =	vadd.f32 v9, v13;
	v9 =	vld [tilespmem:s23+$0xC450]  }
0x24c: {  	v52 =	vadd.f32 v6, v11;
	v6 =	vld [tilespmem:s23+$0x4470];
	v15 =	vperm.xlane v7, v3;
	v4 =	vadd.f32 v57, v4  }
0x24d: {  	v5 =	vmax.f32 v5, $0.0e+00;
	v57 =	vld [tilespmem:s23+$0xC470]  }
0x24e: {  	v18 =	vadd.f32 $9.999999960e-13, v5;
	v7 =	vadd.f32 v7, v15;
	v5 =	vperm.xlane v4, v3;
	v15 =	vld [tilespmem:s23+$0x4440]  }
0x24f: {  	v12 =	vadd.f32 v12, v14;
	v14 =	vld [tilespmem:s23+$0x4450]  }
0x250: {  	v61 =	vsel vm14, v35, v27;
	v11 =	vadd.f32 v5, v4;
	v4 =	vld [tilespmem:s23+$0x4460];
	v5 =	vadd.f32 v17, v16  }
0x251: {  	v62 =	vsel vm14, v24, v28;
	v13 =	vadd.f32 v53, v52;
	v54 =	vadd.f32 v12, v61;
	v12 =	vld [tilespmem:s23+$0xC460]  }
0x252: {  	v6 =	vadd.f32 v57, v6;
	v58 =	vadd.f32 v5, v62  }
0x253: {  	v16 =	vmul.f32 v53, v53;
	v10 =	vadd.f32 v60, v15;
	v13 =	vadd.f32 v54, v13  }
0x254: {  	v5 =	vsel vm14, v23, v29;
	v15 =	vmul.f32 v52, v52;
	v9 =	vadd.f32 v9, v14  }
0x255: {  	v57 =	vld [tilespmem:$0x1FEF0];
	v14 =	vsel vm14, v59, v30;
	v60 =	vadd.f32 v10, v5;
	v13 =	vadd.f32 v58, v13  }
0x256: {  	v20 =	vld [tilespmem:s23+$0x44A0];
	v5 =	vadd.f32 v16, v15;
	v15 =	vmul.f32 v54, v54;
	v12 =	vadd.f32 v12, v4  }
0x257: {  	v21 =	vld [tilespmem:s23+$0x44B0];
	v4 =	vadd.f32 v9, v14;
	v61 =	vadd.f32 v60, v13  }
0x258: {  	v17 =	vld [tilespmem:s23+$0x4480];
	v16 =	vmul.f32 v58, v58;
	v15 =	vadd.f32 v15, v5;
	v5 =	vsel vm14, v63, v31  }
0x259: {  	v13 =	vld [tilespmem:s23+$0xC480];
	v5 =	vadd.f32 v12, v5;
	v62 =	vadd.f32 v4, v61  }
0x25a: {  	v22 =	vld [tilespmem:s23+$0xC4B0];
	v19 =	vsel vm14, v57, v32;
	v14 =	vmul.f32 v60, v60;
	v12 =	vadd.f32 v16, v15  }
0x25b: {  	s8 =	sadd.s32 $0x7, s7;
	v10 =	vld [tilespmem:s23+$0xC4A0];
	v9 =	vmul.f32 $7.812500000e-03, v7;
	v7 =	vadd.f32 v6, v19;
	v61 =	vadd.f32 v5, v62  }
0x25c: {  	v57 =	vld [tilespmem:s23+$0x44C0];
	v19 =	vmov s8;
	v12 =	vadd.f32 v14, v12;
	v14 =	vmul.f32 v4, v4  }
0x25d: {  	v11 =	vmul.f32 $7.812500000e-03, v11;
	v19 =	vperm.xlane v55, v19;
	v15 =	vld [tilespmem:s23+$0x4490];
	v6 =	vadd.f32 v7, v61  }
0x25e: {  	v13 =	vadd.f32 v13, v17;
	v17 =	vld [tilespmem:s23+$0xC4C0];
	v12 =	vadd.f32 v14, v12;
	v14 =	vmul.f32 v5, v5  }
0x25f: {  	v23 =	vmul.f32 v9, v9;
	v16 =	vld [tilespmem:s23+$0xC490];
	v62 =	vperm.xlane v6, v0  }
0x260: {  	vm15 =	vgt.f32 v19, $5.000000000e-01;
	v19 =	vld [tilespmem:s23+$0x44D0];
	v12 =	vadd.f32 v14, v12;
	v14 =	vmul.f32 v7, v7  }
0x261: {  	v24 =	vadd.f32 v6, v62;
	v6 =	vld [tilespmem:s23+$0xC4D0]  }
0x262: {  	v11 =	vsub.f32 v11, v23;
	v12 =	vadd.f32 v14, v12;
	v14 =	vsel vm15, v25, v56;
	v56 =	vld [tilespmem:$0x1FEA0]  }
0x263: {  	v10 =	vadd.f32 v10, v20;
	v57 =	vadd.f32 v17, v57;
	v17 =	vld [tilespmem:$0x1FEB0]  }
0x264: {  	v61 =	vadd.f32 v13, v14;
	v14 =	vadd.f32 v16, v15  }
0x265: {  	v20 =	vadd.f32 v22, v21;
	v15 =	vsel vm15, v34, v26;
	v16 =	vsel vm15, v35, v27  }
0x266: {  	v23 =	vshrl.u32 v18, $0x1;
	v55 =	vadd.f32 v10, v16;
	v16 =	vld [tilespmem:s23+$0xC4E0];
	v62 =	vadd.f32 v14, v15  }
0x267: {  	v14 =	vld [tilespmem:s23+$0x44E0];
	v15 =	vmul.f32 $5.000000000e-01, v18;
	v10 =	vsel vm15, v56, v28;
	v6 =	vadd.f32 v6, v19  }
0x268: {  	v18 =	vsel vm15, v59, v30;
	v17 =	vsel vm15, v17, v29;
	v56 =	vadd.f32 v20, v10;
	v10 =	vld [tilespmem:s23+$0xC4F0]  }
0x269: {  	v59 =	vadd.f32 v57, v17;
	v57 =	vadd.f32 v6, v18;
	v6 =	vld [tilespmem:s23+$0x44F0]  }
0x26a: {  	v11 =	vmax.f32 v11, $0.0e+00;
	v19 =	vmul.f32 v61, v61;
	v21 =	vmul.f32 v62, v62  }
0x26b: {  	v11 =	vadd.f32 $9.999999960e-13, v11;
	v20 =	vadd.f32 v62, v61  }
0x26c: {  	v13 =	vsub.s32 $0x5F3759DF, v23;
	v17 =	vadd.f32 v21, v19;
	v19 =	vmul.f32 v55, v55  }
0x26d: {  	v22 =	vmul.f32 v13, v15;
	v18 =	vadd.f32 v55, v20;
	v14 =	vadd.f32 v16, v14  }
0x26e: {  	v17 =	vadd.f32 v19, v17;
	v19 =	vmul.f32 v56, v56;
	v6 =	vadd.f32 v10, v6;
	v10 =	vld [tilespmem:$0x1FEF0]  }
0x26f: {  	v20 =	vmul.f32 v13, v22;
	v16 =	vsel vm15, v63, v31;
	v18 =	vadd.f32 v56, v18  }
0x270: {  	v63 =	vadd.f32 v14, v16;
	v14 =	vadd.f32 v19, v17;
	v17 =	vmul.f32 v59, v59  }
0x271: {  	v20 =	vsub.f32 $1.500000000e+00, v20;
	v16 =	vadd.f32 v59, v18  }
0x272: {  	v19 =	vperm.xlane v24, v1;
	v18 =	vperm.xlane v12, v0;
	v14 =	vadd.f32 v17, v14  }
0x273: {  	v17 =	vmul.f32 v57, v57;
	v16 =	vadd.f32 v57, v16;
	v10 =	vsel vm15, v10, v32  }
0x274: {  	v13 =	vmul.f32 v13, v20;
	v12 =	vadd.f32 v18, v12;
	v6 =	vadd.f32 v6, v10  }
0x275: {  	v10 =	vadd.f32 v17, v14;
	v14 =	vadd.f32 v63, v16;
	v16 =	vmul.f32 v63, v63  }
0x276: {  	v15 =	vmul.f32 v13, v15;
	v18 =	vperm.xlane v12, v1;
	v17 =	vadd.f32 v24, v19  }
0x277: {  	v10 =	vadd.f32 v16, v10;
	v14 =	vadd.f32 v6, v14;
	v16 =	vmul.f32 v6, v6  }
0x278: {  	v15 =	vmul.f32 v15, v13;
	v12 =	vadd.f32 v18, v12;
	v19 =	vshrl.u32 v11, $0x1  }
0x279: {  	v18 =	vperm.xlane v17, v2;
	v10 =	vadd.f32 v16, v10;
	v16 =	vperm.xlane v14, v0  }
0x27a: {  	v11 =	vmul.f32 $5.000000000e-01, v11;
	v15 =	vsub.f32 $1.500000000e+00, v15;
	v20 =	vperm.xlane v12, v2  }
0x27b: {  	v17 =	vadd.f32 v17, v18;
	v14 =	vadd.f32 v14, v16;
	v16 =	vperm.xlane v10, v0  }
0x27c: {  	v13 =	vmul.f32 v15, v13;
	v18 =	vsub.s32 $0x5F3759DF, v19;
	v12 =	vadd.f32 v20, v12  }
0x27d: {  	v19 =	vperm.xlane v17, v3;
	v20 =	vperm.xlane v14, v1;
	v10 =	vadd.f32 v16, v10  }
0x27e: {  	v21 =	vperm.xlane v12, v3;
	v16 =	vmul.f32 v18, v11  }
0x27f: {  	v17 =	vadd.f32 v17, v19;
	v14 =	vadd.f32 v14, v20;
	v19 =	vperm.xlane v10, v1  }
0x280: {  	v22 =	vmul.f32 v13, v39;
	v12 =	vadd.f32 v21, v12;
	v16 =	vmul.f32 v18, v16  }
0x281: {  	v17 =	vmul.f32 $7.812500000e-03, v17;
	v20 =	vperm.xlane v14, v2;
	v10 =	vadd.f32 v19, v10  }
0x282: {  	v23 =	vmul.f32 v13, v41;
	v12 =	vmul.f32 $7.812500000e-03, v12;
	v16 =	vsub.f32 $1.500000000e+00, v16  }
0x283: {  	v19 =	vmul.f32 v17, v17;
	v14 =	vadd.f32 v14, v20;
	v20 =	vperm.xlane v10, v2  }
0x284: {  	v21 =	vmul.f32 v13, v37;
	v15 =	vmul.f32 v18, v16  }
0x285: {  	v12 =	vsub.f32 v12, v19;
	v16 =	vperm.xlane v14, v3;
	v10 =	vadd.f32 v20, v10  }
0x286: {  	v18 =	vmul.f32 v13, v8;
	v8 =	vmul.f32 v15, v11  }
0x287: {  	v11 =	vmax.f32 v12, $0.0e+00;
	v12 =	vadd.f32 v14, v16;
	v14 =	vperm.xlane v10, v3  }
0x288: {  	v24 =	vmul.f32 v13, v42;
	v11 =	vadd.f32 $9.999999960e-13, v11;
	v19 =	vmul.f32 v8, v15  }
0x289: {  	v21 =	vsub.f32 v21, v18;
	v10 =	vadd.f32 v14, v10;
	v8 =	vmul.f32 $7.812500000e-03, v12  }
0x28a: {  	v12 =	vsub.f32 $1.500000000e+00, v19;
	v14 =	vshrl.u32 v11, $0x1;
	v11 =	vmul.f32 $5.000000000e-01, v11  }
0x28b: {  	v14 =	vsub.s32 $0x5F3759DF, v14;
	v10 =	vmul.f32 $7.812500000e-03, v10;
	v19 =	vmul.f32 v8, v8  }
0x28c: {  	v22 =	vsub.f32 v22, v18;
	v12 =	vmul.f32 v12, v15;
	v15 =	vmul.f32 v14, v11  }
0x28d: {  	v20 =	vmul.f32 v13, v38;
	v23 =	vsub.f32 v23, v18;
	v24 =	vsub.f32 v24, v18  }
0x28e: {  	v16 =	vmul.f32 v13, v40;
	v10 =	vsub.f32 v10, v19;
	v15 =	vmul.f32 v14, v15  }
0x28f: {  	v20 =	vsub.f32 v20, v18;
	v19 =	vmul.f32 v13, v36;
	v13 =	vmul.f32 v13, v43  }
0x290: {  	v9 =	vmul.f32 v12, v9;
	v15 =	vsub.f32 $1.500000000e+00, v15;
	v10 =	vmax.f32 v10, $0.0e+00  }
0x291: {  	v36 =	vmul.f32 v12, v45;
	v37 =	vmul.f32 v12, v46;
	v10 =	vadd.f32 $9.999999960e-13, v10  }
0x292: {  	v16 =	vsub.f32 v16, v18;
	v38 =	vmul.f32 v12, v47;
	v14 =	vmul.f32 v14, v15  }
0x293: {  	v42 =	vmul.f32 v12, v50;
	v39 =	vshrl.u32 v10, $0x1;
	v10 =	vmul.f32 $5.000000000e-01, v10  }
0x294: {  	v19 =	vsub.f32 v19, v18;
	v11 =	vmul.f32 v14, v11;
	v39 =	vsub.s32 $0x5F3759DF, v39  }
0x295: {  	v13 =	vsub.f32 v13, v18;
	v18 =	vmul.f32 v12, v49;
	v41 =	vmul.f32 v39, v10  }
0x296: {  	v15 =	vmul.f32 v12, v44;
	v11 =	vmul.f32 v11, v14  }
0x297: {  	v36 =	vsub.f32 v36, v9;
	v18 =	vsub.f32 v18, v9;
	v41 =	vmul.f32 v39, v41  }
0x298: {  	v40 =	vmul.f32 v12, v48;
	v15 =	vsub.f32 v15, v9;
	v11 =	vsub.f32 $1.500000000e+00, v11  }
0x299: {  	v46 =	vld [tilespmem:$0x1FF30];
	v12 =	vmul.f32 v12, v51;
	v51 =	vsub.f32 $1.500000000e+00, v41;
	v41 =	vsub.f32 v42, v9  }
0x29a: {  	v11 =	vmul.f32 v11, v14;
	v14 =	vsub.f32 v37, v9;
	v37 =	vsub.f32 v38, v9  }
0x29b: {  	v38 =	vsub.f32 v40, v9;
	v9 =	vsub.f32 v12, v9;
	v12 =	vmul.f32 v39, v51;
	v51 =	vld [tilespmem:$0x1FFB0]  }
0x29c: {  	v44 =	vld [tilespmem:$0x1FF10]  }
0x29d: {  	v48 =	vld [tilespmem:$0x1FF50]  }
0x29e: {  	v21 =	vmul.f32 v21, v46;
	v42 =	vld [tilespmem:$0x1FF90];
	_ =	sdelay $0x1  }
0x29f: {  	v21 =	vadd.f32 v21, v51;
	v51 =	vld [tilespmem:$0x1FFD0]  }
0x2a0: {  	v20 =	vmul.f32 v20, v44  }
0x2a1: {  	v45 =	vld [tilespmem:$0x1FF20]  }
0x2a2: {  	v23 =	vmul.f32 v23, v48;
	v20 =	vadd.f32 v20, v42;
	v42 =	vld [tilespmem:$0x1FF70]  }
0x2a3: {  	v50 =	vld [tilespmem:$0x1FFA0]  }
0x2a4: {  	v23 =	vadd.f32 v23, v51;
	v51 =	vld [tilespmem:$0x1FFF0];
	_ =	sdelay $0x2  }
0x2a5: {  	v47 =	vld [tilespmem:$0x1FF40];
	v19 =	vmul.f32 v19, v45;
	v13 =	vmul.f32 v13, v42;
	_ =	sdelay $0x1  }
0x2a6: {  	v19 =	vadd.f32 v19, v50;
	v50 =	vld [tilespmem:$0x1FFC0];
	v13 =	vadd.f32 v13, v51  }
0x2a7: {  	v43 =	vld [tilespmem:$0x1FF00]  }
0x2a8: {  	[tilespmem:s23+$0x4370] =	vst v13;
	v13 =	vld [tilespmem:$0x1FF90]  }
0x2a9: {  	v49 =	vld [tilespmem:$0x1FF60];
	v22 =	vmul.f32 v22, v47;
	_ =	sdelay $0x1  }
0x2aa: {  	v22 =	vadd.f32 v22, v50;
	v50 =	vld [tilespmem:$0x1FFE0];
	[tilespmem:s23+$0x4350] =	vst v23;
	v23 =	vmul.f32 v36, v44  }
0x2ab: {  	v16 =	vmul.f32 v16, v43;
	v10 =	vmul.f32 v12, v10  }
0x2ac: {  	v13 =	vadd.f32 v23, v13  }
0x2ad: {  	v16 =	vadd.f32 v16, v33;
	v24 =	vmul.f32 v24, v49;
	v10 =	vmul.f32 v10, v12  }
0x2ae: {  	[tilespmem:s23+$0x4390] =	vst v13;
	v13 =	vld [tilespmem:$0x1FFB0]  }
0x2af: {  	[tilespmem:s23+$0x4300] =	vst v16;
	v16 =	vadd.f32 v24, v50;
	v10 =	vsub.f32 $1.500000000e+00, v10;
	_ =	sdelay $0x1  }
0x2b0: {  	[tilespmem:s23+$0x4360] =	vst v16;
	v16 =	vmul.f32 v37, v46;
	v10 =	vmul.f32 v10, v12;
	v12 =	vld [tilespmem:$0x1FFA0];
	_ =	sdelay $0x1  }
0x2b1: {  	v15 =	vmul.f32 v15, v43;
	v13 =	vadd.f32 v16, v13  }
0x2b2: {  	v14 =	vmul.f32 v14, v45  }
0x2b3: {  	v15 =	vadd.f32 v15, v33;
	[tilespmem:s23+$0x43B0] =	vst v13;
	v13 =	vld [tilespmem:$0x1FFD0]  }
0x2b4: {  	[tilespmem:s23+$0x4320] =	vst v19;
	v17 =	vmul.f32 v11, v17;
	v40 =	vmul.f32 v11, v53;
	v12 =	vadd.f32 v14, v12  }
0x2b5: {  	[tilespmem:s23+$0x4380] =	vst v15;
	v15 =	vmul.f32 v18, v48;
	v18 =	vld [tilespmem:$0x1FF90]  }
0x2b6: {  	v19 =	vsub.f32 v40, v17;
	[tilespmem:s23+$0x43A0] =	vst v12;
	v12 =	vld [tilespmem:$0x1FFC0];
	_ =	sdelay $0x1  }
0x2b7: {  	v13 =	vadd.f32 v15, v13;
	v15 =	vmul.f32 v19, v44  }
0x2b8: {  	v14 =	vmul.f32 v38, v47  }
0x2b9: {  	[tilespmem:s23+$0x43D0] =	vst v13;
	v13 =	vadd.f32 v15, v18  }
0x2ba: {  	v4 =	vmul.f32 v11, v4;
	v12 =	vadd.f32 v14, v12;
	v14 =	vld [tilespmem:$0x1FF70]  }
0x2bb: {  	v39 =	vmul.f32 v11, v52;
	v58 =	vmul.f32 v11, v58;
	[tilespmem:s23+$0x4410] =	vst v13;
	v13 =	vld [tilespmem:$0x1FFD0]  }
0x2bc: {  	v5 =	vmul.f32 v11, v5;
	v7 =	vmul.f32 v11, v7;
	v4 =	vsub.f32 v4, v17  }
0x2bd: {  	[tilespmem:s23+$0x4340] =	vst v22;
	v39 =	vsub.f32 v39, v17;
	v22 =	vsub.f32 v58, v17;
	v24 =	vmul.f32 v11, v54  }
0x2be: {  	v5 =	vsub.f32 v5, v17;
	v4 =	vmul.f32 v4, v48;
	v16 =	vmul.f32 v41, v49;
	v41 =	vld [tilespmem:$0x1FFB0]  }
0x2bf: {  	v7 =	vsub.f32 v7, v17;
	[tilespmem:s23+$0x4310] =	vst v20;
	v20 =	vmul.f32 v11, v60;
	v9 =	vmul.f32 v9, v14  }
0x2c0: {  	[tilespmem:s23+$0x4330] =	vst v21;
	v21 =	vsub.f32 v24, v17;
	v4 =	vadd.f32 v4, v13;
	v13 =	vld [tilespmem:$0x1FF70]  }
0x2c1: {  	v20 =	vsub.f32 v20, v17;
	v17 =	vld [tilespmem:$0x1FFA0];
	v9 =	vadd.f32 v9, v51;
	v15 =	vmul.f32 v22, v46  }
0x2c2: {  	v8 =	vmul.f32 v10, v8  }
0x2c3: {  	[tilespmem:s23+$0x43F0] =	vst v9;
	v14 =	vadd.f32 v16, v50;
	v9 =	vadd.f32 v15, v41;
	v15 =	vmul.f32 v10, v62  }
0x2c4: {  	[tilespmem:s23+$0x43C0] =	vst v12;
	v12 =	vmul.f32 v21, v45  }
0x2c5: {  	[tilespmem:s23+$0x43E0] =	vst v14;
	v14 =	vmul.f32 v10, v61;
	v7 =	vmul.f32 v7, v13;
	v13 =	vsub.f32 v15, v8  }
0x2c6: {  	v12 =	vadd.f32 v12, v17  }
0x2c7: {  	v14 =	vsub.f32 v14, v8;
	v52 =	vmul.f32 v13, v44  }
0x2c8: {  	v5 =	vmul.f32 v5, v49;
	[tilespmem:s23+$0x4420] =	vst v12  }
0x2c9: {  	v12 =	vmul.f32 v14, v43;
	v14 =	vmul.f32 v10, v55;
	[tilespmem:s23+$0x4450] =	vst v4;
	v4 =	vadd.f32 v52, v18  }
0x2ca: {  	v5 =	vadd.f32 v5, v50;
	v13 =	vmul.f32 v10, v56  }
0x2cb: {  	v53 =	vadd.f32 v12, v33;
	v12 =	vsub.f32 v14, v8;
	[tilespmem:s23+$0x4490] =	vst v4;
	v4 =	vld [tilespmem:$0x1FFB0]  }
0x2cc: {  	v11 =	vmul.f32 v39, v43;
	v54 =	vsub.f32 v13, v8  }
0x2cd: {  	v42 =	vld [tilespmem:$0x1FFC0];
	[tilespmem:s23+$0x4460] =	vst v5;
	v5 =	vmul.f32 v12, v45  }
0x2ce: {  	v11 =	vadd.f32 v11, v33;
	v55 =	vmul.f32 v54, v46  }
0x2cf: {  	v5 =	vadd.f32 v5, v17  }
0x2d0: {  	[tilespmem:s23+$0x4400] =	vst v11;
	v16 =	vmul.f32 v20, v47;
	v14 =	vmul.f32 v10, v59;
	v62 =	vld [tilespmem:$0x1FF70];
	v4 =	vadd.f32 v55, v4  }
0x2d1: {  	[tilespmem:s23+$0x44A0] =	vst v5;
	v5 =	vld [tilespmem:$0x1FFC0];
	v13 =	vmul.f32 v10, v57  }
0x2d2: {  	v11 =	vadd.f32 v16, v42;
	v12 =	vsub.f32 v14, v8;
	v14 =	vmul.f32 v10, v63;
	[tilespmem:s23+$0x44B0] =	vst v4;
	v4 =	vld [tilespmem:$0x1FFD0]  }
0x2d3: {  	v6 =	vmul.f32 v10, v6;
	v56 =	vsub.f32 v13, v8  }
0x2d4: {  	[tilespmem:s23+$0x4440] =	vst v11;
	v58 =	vsub.f32 v14, v8;
	v57 =	vmul.f32 v12, v47  }
0x2d5: {  	v6 =	vsub.f32 v6, v8;
	[tilespmem:s23+$0x4480] =	vst v53;
	v7 =	vadd.f32 v7, v51;
	v60 =	vmul.f32 v56, v48  }
0x2d6: {  	p0 =	slt.u32 s5, $0xBC;
	[tilespmem:s23+$0x4430] =	vst v9;
	v61 =	vmul.f32 v58, v49;
	v5 =	vadd.f32 v57, v5  }
.Ltmp2:
0x2d7: {  	v24 =	vld [tilespmem:$0x1FEA0];
	v6 =	vmul.f32 v6, v62;
	[tilespmem:s23+$0x4470] =	vst v7;
	v4 =	vadd.f32 v60, v4;
	(pc) =	sbr.rel @p0 .LBB2_6-.Ltmp2, $4  }
0x2d8: {  	v23 =	vld [tilespmem:$0x1FEB0];
	[tilespmem:s23+$0x44C0] =	vst v5;
	v5 =	vadd.f32 v61, v50  }
0x2d9: {  	v59 =	vld [tilespmem:$0x1FED0];
	[tilespmem:s23+$0x44D0] =	vst v4;
	v4 =	vadd.f32 v6, v51  }
0x2da: {  	v63 =	vld [tilespmem:$0x1FEE0];
	[tilespmem:s23+$0x44E0] =	vst v5  }
0x2db: {  	s2 =	sadd.s32 $0x800, s2;
	s7 =	smov.u32 s5;
	v16 =	vmov v33;
	v15 =	vld [tilespmem:$0x1FEF0];
	[tilespmem:s23+$0x44F0] =	vst v4  }
0x2dc: {  	s2 =	simm.s32 $0x0  }
0x2dd: {  	[hbm4b:s18+s2] =	stream.linear.scatter [tilespmem:s3], [sflag:$0x3], $0x2000, $0x38;
	[tilespmem:$0x10500] =	vst v63  }
0x2de: {  	_ =	swait.ge [sflag:s25], $0x2000  }
0x2df: {  	[sflag:s25] =	ssyncset.done $0x0  }
0x2e0: {  	[sflag:s25] =	ssyncadd.s32 $0xFFFFE000  }
0x2e1: {  	_ =	swait.ge [sflag:s25], $0x2000  }
0x2e2: {  	[sflag:s25] =	ssyncset.done $0x0  }
0x2e3: {  	s7 =	simm.s32 $0xBC;
	[tilespmem:$0x1FE90] =	vst v25;
	[sflag:s25] =	ssyncadd.s32 $0xFFFFE000  }
.LBB2_8:
0x2e4: {  	v56 =	vld [tilespmem:$0x1FEC0];
	s5 =	sadd.s32 $0x4, s7;
	s23 =	sshra.s32 s2, $0x2  }
0x2e5: {  	s8 =	sand.u32 $0xF0, s5;
	v5 =	vld [tilespmem:s23+$0x6300]  }
0x2e6: {  	v4 =	vld [tilespmem:s8+$0x200]  }
0x2e7: {  	v6 =	vld [tilespmem:s23+$0xE300]  }
0x2e8: {  	v7 =	vld [tilespmem:s23+$0x6310]  }
0x2e9: {  	v8 =	vld [tilespmem:s23+$0xE310]  }
0x2ea: {  	v9 =	vld [tilespmem:s23+$0x6320]  }
0x2eb: {  	s8 =	sand.u32 $0xC, s5;
	v55 =	vcvt.s32.f32 v4;
	v4 =	vld [tilespmem:s23+$0xE320]  }
0x2ec: {  	v11 =	vld [tilespmem:s23+$0x6330];
	v10 =	vmov s8  }
0x2ed: {  	v12 =	vld [tilespmem:s23+$0xE330];
	v10 =	vperm.xlane v55, v10  }
0x2ee: {  	v13 =	vld [tilespmem:s23+$0x6340]  }
0x2ef: {  	v47 =	vld [tilespmem:s23+$0xE340];
	v5 =	vadd.f32 v6, v5;
	v46 =	vadd.f32 v8, v7;
	vm0 =	vgt.f32 v10, $5.000000000e-01  }
0x2f0: {  	v49 =	vld [tilespmem:s23+$0x6350];
	v48 =	vsel vm0, v25, v56;
	v10 =	vsel vm0, v34, v26;
	v4 =	vadd.f32 v4, v9  }
0x2f1: {  	v50 =	vld [tilespmem:s23+$0xE350];
	v40 =	vadd.f32 v5, v48;
	v38 =	vadd.f32 v46, v10;
	v5 =	vsel vm0, v35, v27  }
0x2f2: {  	v51 =	vld [tilespmem:s23+$0x6360];
	v36 =	vadd.f32 v4, v5;
	v4 =	vadd.f32 v12, v11;
	v5 =	vsel vm0, v24, v28  }
0x2f3: {  	v52 =	vld [tilespmem:s23+$0xE360];
	v53 =	vmul.f32 v40, v40;
	v12 =	vadd.f32 v38, v40;
	v14 =	vmul.f32 v38, v38  }
0x2f4: {  	v54 =	vld [tilespmem:s23+$0x6370];
	v37 =	vadd.f32 v4, v5;
	v4 =	vadd.f32 v47, v13;
	v5 =	vsel vm0, v23, v29  }
0x2f5: {  	v13 =	vld [tilespmem:s23+$0xE370];
	v11 =	vadd.f32 v14, v53;
	v12 =	vadd.f32 v36, v12;
	v14 =	vmul.f32 v36, v36  }
0x2f6: {  	v39 =	vadd.f32 v4, v5;
	v4 =	vadd.f32 v50, v49;
	v5 =	vsel vm0, v59, v30  }
0x2f7: {  	v45 =	vld [tilespmem:s23+$0x6380];
	v60 =	vmul.f32 v37, v37;
	v57 =	vadd.f32 v14, v11;
	v58 =	vadd.f32 v37, v12  }
0x2f8: {  	v48 =	vld [tilespmem:s23+$0x6390];
	v41 =	vadd.f32 v4, v5;
	v4 =	vadd.f32 v52, v51  }
0x2f9: {  	v49 =	vld [tilespmem:s23+$0xE390];
	v5 =	vsel vm0, v63, v31;
	v6 =	vadd.f32 v60, v57;
	v61 =	vadd.f32 v39, v58  }
0x2fa: {  	s8 =	sadd.s32 $0x5, s7;
	v12 =	vld [tilespmem:s23+$0xE3A0];
	v62 =	vmul.f32 v39, v39;
	v42 =	vadd.f32 v4, v5;
	v4 =	vadd.f32 v13, v54  }
0x2fb: {  	s8 =	sand.u32 $0xD, s8;
	v51 =	vld [tilespmem:s23+$0x63A0];
	v5 =	vsel vm0, v15, v32;
	v19 =	vmul.f32 v41, v41;
	v18 =	vadd.f32 v41, v61  }
0x2fc: {  	v13 =	vmov s8;
	v6 =	vadd.f32 v62, v6;
	v43 =	vadd.f32 v4, v5;
	v4 =	vld [tilespmem:s23+$0xE380]  }
0x2fd: {  	v13 =	vperm.xlane v55, v13;
	v46 =	vadd.f32 v42, v18  }
0x2fe: {  	v14 =	vld [tilespmem:s23+$0x63B0];
	v47 =	vmul.f32 v42, v42;
	v5 =	vadd.f32 v19, v6  }
0x2ff: {  	v15 =	vld [tilespmem:s23+$0xE3B0];
	v8 =	vadd.f32 v49, v48;
	vm13 =	vgt.f32 v13, $5.000000000e-01;
	v6 =	vadd.f32 v43, v46  }
0x300: {  	v16 =	vld [tilespmem:s23+$0x63C0];
	v11 =	vadd.f32 v12, v51;
	v50 =	vmul.f32 v43, v43;
	v5 =	vadd.f32 v47, v5  }
0x301: {  	v53 =	vld [tilespmem:s23+$0xE3C0];
	v13 =	vsel vm13, v34, v26;
	v52 =	vperm.xlane v6, v0;
	v4 =	vadd.f32 v4, v45  }
0x302: {  	v57 =	vld [tilespmem:s23+$0xE3D0];
	v54 =	vsel vm13, v25, v56;
	v5 =	vadd.f32 v50, v5;
	v45 =	vadd.f32 v8, v13  }
0x303: {  	v12 =	vld [tilespmem:s23+$0x63D0];
	v6 =	vadd.f32 v6, v52;
	v44 =	vadd.f32 v4, v54;
	v4 =	vsel vm13, v35, v27  }
0x304: {  	v60 =	vld [tilespmem:s23+$0x63E0];
	v58 =	vsel vm13, v24, v28;
	v46 =	vadd.f32 v11, v4;
	v4 =	vadd.f32 v15, v14  }
0x305: {  	v13 =	vld [tilespmem:s23+$0xE3E0];
	v17 =	vmul.f32 v45, v45;
	v14 =	vmul.f32 v44, v44;
	v15 =	vadd.f32 v45, v44  }
0x306: {  	v62 =	vld [tilespmem:s23+$0x63F0];
	v61 =	vsel vm13, v23, v29;
	v47 =	vadd.f32 v4, v58;
	v4 =	vadd.f32 v53, v16  }
0x307: {  	v16 =	vld [tilespmem:s23+$0xE3F0];
	v14 =	vadd.f32 v17, v14;
	v15 =	vadd.f32 v46, v15;
	v17 =	vmul.f32 v46, v46  }
0x308: {  	v7 =	vperm.xlane v5, v0;
	v58 =	vld [tilespmem:$0x1FEF0];
	v48 =	vadd.f32 v4, v61;
	v4 =	vadd.f32 v57, v12  }
0x309: {  	v52 =	vsel vm13, v59, v30;
	v53 =	vadd.f32 v17, v14;
	v12 =	vadd.f32 v47, v15  }
0x30a: {  	v14 =	vmul.f32 v47, v47;
	v49 =	vadd.f32 v4, v52;
	v4 =	vadd.f32 v13, v60  }
0x30b: {  	v54 =	vsel vm13, v63, v31;
	v5 =	vadd.f32 v7, v5;
	v57 =	vadd.f32 v48, v12  }
0x30c: {  	v9 =	vadd.f32 v14, v53;
	v12 =	vmul.f32 v48, v48;
	v50 =	vadd.f32 v4, v54  }
0x30d: {  	v8 =	vsel vm13, v58, v32;
	v4 =	vadd.f32 v16, v62;
	v60 =	vadd.f32 v49, v57  }
0x30e: {  	v61 =	vmul.f32 v49, v49;
	v9 =	vadd.f32 v12, v9;
	v12 =	vperm.xlane v6, v1  }
0x30f: {  	v19 =	vperm.xlane v5, v1;
	v51 =	vadd.f32 v4, v8;
	v62 =	vadd.f32 v50, v60  }
0x310: {  	v18 =	vmul.f32 v50, v50;
	v4 =	vadd.f32 v61, v9;
	v6 =	vadd.f32 v6, v12  }
0x311: {  	v5 =	vadd.f32 v19, v5;
	v7 =	vadd.f32 v51, v62  }
0x312: {  	v52 =	vmul.f32 v51, v51;
	v4 =	vadd.f32 v18, v4;
	v53 =	vperm.xlane v6, v2  }
0x313: {  	v9 =	vperm.xlane v5, v2;
	v54 =	vperm.xlane v7, v0  }
0x314: {  	v4 =	vadd.f32 v52, v4;
	v6 =	vadd.f32 v6, v53  }
0x315: {  	v5 =	vadd.f32 v9, v5;
	v7 =	vadd.f32 v7, v54  }
0x316: {  	v57 =	vperm.xlane v4, v0;
	v10 =	vperm.xlane v6, v3  }
0x317: {  	v60 =	vperm.xlane v5, v3;
	v58 =	vperm.xlane v7, v1  }
0x318: {  	v13 =	vld [tilespmem:s23+$0xE410];
	v4 =	vadd.f32 v57, v4;
	v6 =	vadd.f32 v6, v10  }
0x319: {  	v62 =	vld [tilespmem:s23+$0x6400];
	v5 =	vadd.f32 v60, v5;
	v7 =	vadd.f32 v7, v58  }
0x31a: {  	s8 =	sadd.s32 $0x6, s7;
	v52 =	vld [tilespmem:s23+$0xE400];
	v61 =	vperm.xlane v4, v1;
	v8 =	vmul.f32 $7.812500000e-03, v6  }
0x31b: {  	s8 =	sand.u32 $0xE, s8;
	v54 =	vld [tilespmem:s23+$0x6410];
	v5 =	vmul.f32 $7.812500000e-03, v5;
	v53 =	vperm.xlane v7, v2  }
0x31c: {  	v17 =	vld [tilespmem:s23+$0xE430];
	v58 =	vmov s8;
	v4 =	vadd.f32 v61, v4;
	v12 =	vmul.f32 v8, v8  }
0x31d: {  	v14 =	vld [tilespmem:s23+$0x6420];
	v11 =	vperm.xlane v55, v58;
	v7 =	vadd.f32 v7, v53  }
0x31e: {  	v57 =	vperm.xlane v4, v2;
	v5 =	vsub.f32 v5, v12;
	v12 =	vld [tilespmem:s23+$0xE420]  }
0x31f: {  	v16 =	vld [tilespmem:s23+$0x6430];
	v6 =	vadd.f32 v52, v62;
	vm14 =	vgt.f32 v11, $5.000000000e-01;
	v15 =	vperm.xlane v7, v3  }
0x320: {  	v60 =	vld [tilespmem:s23+$0xE440];
	v9 =	vadd.f32 v13, v54;
	v11 =	vsel vm14, v25, v56;
	v4 =	vadd.f32 v57, v4  }
0x321: {  	v13 =	vsel vm14, v34, v26;
	v5 =	vmax.f32 v5, $0.0e+00;
	v7 =	vadd.f32 v7, v15;
	v15 =	vld [tilespmem:s23+$0x6440]  }
0x322: {  	v53 =	vadd.f32 v9, v13;
	v9 =	vld [tilespmem:s23+$0xE450];
	v18 =	vadd.f32 $9.999999960e-13, v5;
	v5 =	vperm.xlane v4, v3  }
0x323: {  	v61 =	vsel vm14, v35, v27;
	v52 =	vadd.f32 v6, v11;
	v12 =	vadd.f32 v12, v14;
	v14 =	vld [tilespmem:s23+$0x6450]  }
0x324: {  	v62 =	vsel vm14, v24, v28;
	v11 =	vadd.f32 v5, v4;
	v4 =	vld [tilespmem:s23+$0x6460];
	v5 =	vadd.f32 v17, v16  }
0x325: {  	v13 =	vadd.f32 v53, v52;
	v16 =	vmul.f32 v53, v53;
	v54 =	vadd.f32 v12, v61;
	v12 =	vld [tilespmem:s23+$0xE460]  }
0x326: {  	v20 =	vld [tilespmem:s23+$0x64A0];
	v58 =	vadd.f32 v5, v62;
	v10 =	vadd.f32 v60, v15;
	v15 =	vmul.f32 v52, v52  }
0x327: {  	v57 =	vld [tilespmem:s23+$0x6470];
	v5 =	vsel vm14, v23, v29;
	v11 =	vmul.f32 $7.812500000e-03, v11;
	v13 =	vadd.f32 v54, v13  }
0x328: {  	v62 =	vld [tilespmem:s23+$0xE470];
	v60 =	vadd.f32 v10, v5;
	v5 =	vadd.f32 v16, v15;
	v15 =	vmul.f32 v54, v54  }
0x329: {  	v61 =	vld [tilespmem:$0x1FEF0];
	v9 =	vadd.f32 v9, v14;
	v14 =	vsel vm14, v59, v30;
	v13 =	vadd.f32 v58, v13  }
0x32a: {  	v17 =	vld [tilespmem:s23+$0x6480];
	v16 =	vmul.f32 v58, v58;
	v12 =	vadd.f32 v12, v4;
	v15 =	vadd.f32 v15, v5  }
0x32b: {  	v4 =	vadd.f32 v9, v14;
	v5 =	vsel vm14, v63, v31;
	v19 =	vadd.f32 v60, v13;
	v13 =	vld [tilespmem:s23+$0xE480]  }
0x32c: {  	v21 =	vld [tilespmem:s23+$0x64B0];
	v14 =	vmul.f32 v60, v60;
	v5 =	vadd.f32 v12, v5;
	v12 =	vadd.f32 v16, v15  }
0x32d: {  	v24 =	vld [tilespmem:s23+$0x64C0];
	v9 =	vmul.f32 $7.812500000e-03, v7;
	v6 =	vadd.f32 v62, v57;
	v57 =	vadd.f32 v4, v19  }
0x32e: {  	s8 =	sadd.s32 $0x7, s7;
	v15 =	vld [tilespmem:s23+$0x6490];
	v19 =	vsel vm14, v61, v32;
	v12 =	vadd.f32 v14, v12;
	v14 =	vmul.f32 v4, v4  }
0x32f: {  	v61 =	vmov s8;
	v7 =	vadd.f32 v6, v19;
	v62 =	vadd.f32 v5, v57;
	v57 =	vld [tilespmem:s23+$0xE4A0]  }
0x330: {  	v13 =	vadd.f32 v13, v17;
	v17 =	vld [tilespmem:s23+$0xE4C0];
	v12 =	vadd.f32 v14, v12;
	v14 =	vmul.f32 v5, v5  }
0x331: {  	v23 =	vmul.f32 v9, v9;
	v16 =	vld [tilespmem:s23+$0xE490];
	v19 =	vperm.xlane v55, v61;
	v6 =	vadd.f32 v7, v62  }
0x332: {  	v22 =	vld [tilespmem:s23+$0xE4B0];
	v12 =	vadd.f32 v14, v12;
	v14 =	vmul.f32 v7, v7  }
0x333: {  	v11 =	vsub.f32 v11, v23;
	vm15 =	vgt.f32 v19, $5.000000000e-01;
	v19 =	vld [tilespmem:s23+$0x64D0];
	v62 =	vperm.xlane v6, v0  }
0x334: {  	v10 =	vadd.f32 v57, v20;
	v12 =	vadd.f32 v14, v12;
	v14 =	vsel vm15, v25, v56;
	v56 =	vld [tilespmem:$0x1FEA0]  }
0x335: {  	v25 =	vadd.f32 v6, v62;
	v6 =	vld [tilespmem:s23+$0xE4D0];
	v57 =	vadd.f32 v17, v24  }
0x336: {  	v23 =	vshrl.u32 v18, $0x1;
	v17 =	vld [tilespmem:$0x1FEB0];
	v61 =	vadd.f32 v13, v14;
	v14 =	vadd.f32 v16, v15  }
0x337: {  	v20 =	vadd.f32 v22, v21;
	v15 =	vsel vm15, v34, v26;
	v16 =	vsel vm15, v35, v27  }
0x338: {  	v13 =	vsub.s32 $0x5F3759DF, v23;
	v55 =	vadd.f32 v10, v16;
	v16 =	vld [tilespmem:s23+$0xE4E0];
	v62 =	vadd.f32 v14, v15  }
0x339: {  	v14 =	vld [tilespmem:s23+$0x64E0];
	v15 =	vmul.f32 $5.000000000e-01, v18;
	v18 =	vsel vm15, v59, v30;
	v10 =	vsel vm15, v56, v28  }
0x33a: {  	v6 =	vadd.f32 v6, v19;
	v19 =	vmul.f32 v61, v61;
	v21 =	vmul.f32 v62, v62  }
0x33b: {  	v17 =	vsel vm15, v17, v29;
	v56 =	vadd.f32 v20, v10;
	v20 =	vadd.f32 v62, v61  }
0x33c: {  	v59 =	vadd.f32 v57, v17;
	v17 =	vadd.f32 v21, v19;
	v19 =	vmul.f32 v55, v55  }
0x33d: {  	v22 =	vmul.f32 v13, v15;
	v10 =	vld [tilespmem:s23+$0xE4F0];
	v57 =	vadd.f32 v6, v18;
	v18 =	vadd.f32 v55, v20  }
0x33e: {  	v6 =	vld [tilespmem:s23+$0x64F0];
	v14 =	vadd.f32 v16, v14;
	v17 =	vadd.f32 v19, v17;
	v19 =	vmul.f32 v56, v56  }
0x33f: {  	v20 =	vmul.f32 v13, v22;
	v16 =	vsel vm15, v63, v31;
	v18 =	vadd.f32 v56, v18  }
0x340: {  	v63 =	vadd.f32 v14, v16;
	v14 =	vadd.f32 v19, v17;
	v19 =	vld [tilespmem:$0x1FEF0]  }
0x341: {  	v11 =	vmax.f32 v11, $0.0e+00;
	v20 =	vsub.f32 $1.500000000e+00, v20  }
0x342: {  	v17 =	vmul.f32 v59, v59;
	v16 =	vadd.f32 v59, v18;
	v18 =	vperm.xlane v12, v0  }
0x343: {  	v11 =	vadd.f32 $9.999999960e-13, v11;
	v6 =	vadd.f32 v10, v6;
	v13 =	vmul.f32 v13, v20  }
0x344: {  	v14 =	vadd.f32 v17, v14;
	v17 =	vmul.f32 v57, v57;
	v12 =	vadd.f32 v18, v12  }
0x345: {  	v16 =	vadd.f32 v57, v16;
	v15 =	vmul.f32 v13, v15;
	v10 =	vsel vm15, v19, v32  }
0x346: {  	v19 =	vperm.xlane v25, v1;
	v18 =	vperm.xlane v12, v1;
	v6 =	vadd.f32 v6, v10  }
0x347: {  	v10 =	vadd.f32 v17, v14;
	v14 =	vadd.f32 v63, v16;
	v16 =	vmul.f32 v63, v63  }
0x348: {  	v15 =	vmul.f32 v15, v13;
	v17 =	vadd.f32 v25, v19;
	v12 =	vadd.f32 v18, v12  }
0x349: {  	v10 =	vadd.f32 v16, v10;
	v14 =	vadd.f32 v6, v14;
	v16 =	vmul.f32 v6, v6  }
0x34a: {  	v19 =	vshrl.u32 v11, $0x1;
	v15 =	vsub.f32 $1.500000000e+00, v15;
	v18 =	vperm.xlane v17, v2  }
0x34b: {  	v11 =	vmul.f32 $5.000000000e-01, v11;
	v10 =	vadd.f32 v16, v10;
	v16 =	vperm.xlane v14, v0  }
0x34c: {  	v20 =	vperm.xlane v12, v2;
	v13 =	vmul.f32 v15, v13;
	v17 =	vadd.f32 v17, v18  }
0x34d: {  	v18 =	vsub.s32 $0x5F3759DF, v19;
	v14 =	vadd.f32 v14, v16;
	v16 =	vperm.xlane v10, v0  }
0x34e: {  	v12 =	vadd.f32 v20, v12;
	v22 =	vmul.f32 v13, v39;
	v23 =	vmul.f32 v13, v41  }
0x34f: {  	v19 =	vperm.xlane v17, v3;
	v20 =	vperm.xlane v14, v1;
	v10 =	vadd.f32 v16, v10  }
0x350: {  	v21 =	vperm.xlane v12, v3;
	v16 =	vmul.f32 v18, v11  }
0x351: {  	v17 =	vadd.f32 v17, v19;
	v14 =	vadd.f32 v14, v20;
	v19 =	vperm.xlane v10, v1  }
0x352: {  	v24 =	vmul.f32 v13, v42;
	v12 =	vadd.f32 v21, v12;
	v16 =	vmul.f32 v18, v16  }
0x353: {  	v17 =	vmul.f32 $7.812500000e-03, v17;
	v20 =	vperm.xlane v14, v2;
	v10 =	vadd.f32 v19, v10  }
0x354: {  	v21 =	vmul.f32 v13, v37;
	v12 =	vmul.f32 $7.812500000e-03, v12;
	v16 =	vsub.f32 $1.500000000e+00, v16  }
0x355: {  	v19 =	vmul.f32 v17, v17;
	v14 =	vadd.f32 v14, v20;
	v20 =	vperm.xlane v10, v2  }
0x356: {  	v15 =	vmul.f32 v18, v16;
	v18 =	vmul.f32 v13, v8  }
0x357: {  	v12 =	vsub.f32 v12, v19;
	v16 =	vperm.xlane v14, v3;
	v10 =	vadd.f32 v20, v10  }
0x358: {  	v8 =	vmul.f32 v15, v11;
	v20 =	vmul.f32 v13, v38;
	v21 =	vsub.f32 v21, v18  }
0x359: {  	v11 =	vmax.f32 v12, $0.0e+00;
	v12 =	vadd.f32 v14, v16;
	v14 =	vperm.xlane v10, v3  }
0x35a: {  	v16 =	vmul.f32 v13, v40;
	v40 =	vmul.f32 v8, v15;
	v11 =	vadd.f32 $9.999999960e-13, v11  }
0x35b: {  	v22 =	vsub.f32 v22, v18;
	v10 =	vadd.f32 v14, v10;
	v8 =	vmul.f32 $7.812500000e-03, v12  }
0x35c: {  	v12 =	vsub.f32 $1.500000000e+00, v40;
	v14 =	vshrl.u32 v11, $0x1;
	v11 =	vmul.f32 $5.000000000e-01, v11  }
0x35d: {  	v14 =	vsub.s32 $0x5F3759DF, v14;
	v10 =	vmul.f32 $7.812500000e-03, v10;
	v38 =	vmul.f32 v8, v8  }
0x35e: {  	v23 =	vsub.f32 v23, v18;
	v12 =	vmul.f32 v12, v15;
	v15 =	vmul.f32 v14, v11  }
0x35f: {  	v24 =	vsub.f32 v24, v18;
	v20 =	vsub.f32 v20, v18;
	v40 =	vmul.f32 v13, v36  }
0x360: {  	v16 =	vsub.f32 v16, v18;
	v10 =	vsub.f32 v10, v38;
	v15 =	vmul.f32 v14, v15  }
0x361: {  	v13 =	vmul.f32 v13, v43;
	v19 =	vsub.f32 v40, v18;
	v9 =	vmul.f32 v12, v9  }
0x362: {  	v43 =	vld [tilespmem:$0x1FF10];
	v25 =	vmul.f32 v12, v45;
	v15 =	vsub.f32 $1.500000000e+00, v15;
	v10 =	vmax.f32 v10, $0.0e+00  }
0x363: {  	v36 =	vmul.f32 v12, v46;
	v37 =	vmul.f32 v12, v47;
	v10 =	vadd.f32 $9.999999960e-13, v10  }
0x364: {  	v13 =	vsub.f32 v13, v18;
	v41 =	vmul.f32 v12, v50;
	v50 =	vld [tilespmem:$0x1FF90];
	v14 =	vmul.f32 v14, v15  }
0x365: {  	v39 =	vmul.f32 v12, v48;
	v38 =	vshrl.u32 v10, $0x1;
	v10 =	vmul.f32 $5.000000000e-01, v10  }
0x366: {  	v18 =	vmul.f32 v12, v49;
	v46 =	vld [tilespmem:$0x1FF40];
	v11 =	vmul.f32 v14, v11;
	v38 =	vsub.s32 $0x5F3759DF, v38  }
0x367: {  	v20 =	vmul.f32 v20, v43;
	v40 =	vmul.f32 v38, v10  }
0x368: {  	v25 =	vsub.f32 v25, v9;
	v15 =	vmul.f32 v12, v44;
	v11 =	vmul.f32 v11, v14  }
0x369: {  	v18 =	vsub.f32 v18, v9;
	v20 =	vadd.f32 v20, v50;
	v40 =	vmul.f32 v38, v40  }
0x36a: {  	v12 =	vmul.f32 v12, v51;
	v50 =	vld [tilespmem:$0x1FFC0];
	v15 =	vsub.f32 v15, v9;
	v11 =	vsub.f32 $1.500000000e+00, v11  }
0x36b: {  	v44 =	vld [tilespmem:$0x1FF20];
	v22 =	vmul.f32 v22, v46;
	v49 =	vsub.f32 $1.500000000e+00, v40;
	v40 =	vsub.f32 v41, v9  }
0x36c: {  	v51 =	vld [tilespmem:$0x1FFA0];
	v11 =	vmul.f32 v11, v14;
	v14 =	vsub.f32 v36, v9;
	v36 =	vsub.f32 v37, v9  }
0x36d: {  	v37 =	vsub.f32 v39, v9;
	v9 =	vsub.f32 v12, v9;
	v12 =	vmul.f32 v38, v49;
	v49 =	vld [tilespmem:$0x1FF70];
	_ =	sdelay $0x1  }
0x36e: {  	v22 =	vadd.f32 v22, v50;
	v50 =	vld [tilespmem:$0x1FFF0]  }
0x36f: {  	v47 =	vld [tilespmem:$0x1FF50];
	v19 =	vmul.f32 v19, v44;
	_ =	sdelay $0x1  }
0x370: {  	v19 =	vadd.f32 v19, v51;
	v51 =	vld [tilespmem:$0x1FFD0];
	v13 =	vmul.f32 v13, v49;
	_ =	sdelay $0x1  }
0x371: {  	v13 =	vadd.f32 v13, v50  }
0x372: {  	v42 =	vld [tilespmem:$0x1FF00];
	v23 =	vmul.f32 v23, v47  }
0x373: {  	[tilespmem:s23+$0x6370] =	vst v13;
	v13 =	vld [tilespmem:$0x1FF90]  }
0x374: {  	v48 =	vld [tilespmem:$0x1FF60];
	v23 =	vadd.f32 v23, v51;
	_ =	sdelay $0x1  }
0x375: {  	v49 =	vld [tilespmem:$0x1FFE0];
	[tilespmem:s23+$0x6350] =	vst v23;
	v23 =	vmul.f32 v25, v43  }
0x376: {  	v16 =	vmul.f32 v16, v42;
	v10 =	vmul.f32 v12, v10  }
0x377: {  	v45 =	vld [tilespmem:$0x1FF30];
	v13 =	vadd.f32 v23, v13  }
0x378: {  	v16 =	vadd.f32 v16, v33;
	v24 =	vmul.f32 v24, v48;
	v10 =	vmul.f32 v10, v12  }
0x379: {  	[tilespmem:s23+$0x6390] =	vst v13;
	v13 =	vld [tilespmem:$0x1FFB0]  }
0x37a: {  	[tilespmem:s23+$0x6300] =	vst v16;
	v10 =	vsub.f32 $1.500000000e+00, v10;
	v16 =	vadd.f32 v24, v49;
	_ =	sdelay $0x1  }
0x37b: {  	v10 =	vmul.f32 v10, v12;
	v12 =	vld [tilespmem:$0x1FFA0];
	[tilespmem:s23+$0x6360] =	vst v16;
	v16 =	vmul.f32 v36, v45;
	_ =	sdelay $0x1  }
0x37c: {  	v15 =	vmul.f32 v15, v42;
	v13 =	vadd.f32 v16, v13  }
0x37d: {  	v14 =	vmul.f32 v14, v44  }
0x37e: {  	v15 =	vadd.f32 v15, v33;
	[tilespmem:s23+$0x63B0] =	vst v13;
	v13 =	vld [tilespmem:$0x1FFD0]  }
0x37f: {  	v17 =	vmul.f32 v11, v17;
	v53 =	vmul.f32 v11, v53;
	v12 =	vadd.f32 v14, v12  }
0x380: {  	[tilespmem:s23+$0x6380] =	vst v15;
	v39 =	vld [tilespmem:$0x1FF90]  }
0x381: {  	v15 =	vmul.f32 v18, v47;
	v38 =	vsub.f32 v53, v17;
	[tilespmem:s23+$0x63A0] =	vst v12;
	v12 =	vld [tilespmem:$0x1FFC0];
	_ =	sdelay $0x1  }
0x382: {  	v41 =	vld [tilespmem:$0x1FFB0];
	v13 =	vadd.f32 v15, v13;
	v15 =	vmul.f32 v38, v43  }
0x383: {  	v14 =	vmul.f32 v37, v46  }
0x384: {  	v21 =	vmul.f32 v21, v45;
	[tilespmem:s23+$0x63D0] =	vst v13;
	v13 =	vadd.f32 v15, v39  }
0x385: {  	[tilespmem:s23+$0x6310] =	vst v20;
	v52 =	vmul.f32 v11, v52;
	v4 =	vmul.f32 v11, v4;
	v12 =	vadd.f32 v14, v12;
	v14 =	vld [tilespmem:$0x1FF70]  }
0x386: {  	v58 =	vmul.f32 v11, v58;
	v20 =	vmul.f32 v11, v60;
	[tilespmem:s23+$0x6410] =	vst v13;
	v13 =	vld [tilespmem:$0x1FFD0]  }
0x387: {  	v5 =	vmul.f32 v11, v5;
	v21 =	vadd.f32 v21, v41;
	v4 =	vsub.f32 v4, v17  }
0x388: {  	[tilespmem:s23+$0x6340] =	vst v22;
	v7 =	vmul.f32 v11, v7;
	v60 =	vsub.f32 v52, v17;
	v22 =	vsub.f32 v58, v17  }
0x389: {  	v20 =	vsub.f32 v20, v17;
	v41 =	vld [tilespmem:$0x1FFB0];
	v4 =	vmul.f32 v4, v47;
	v24 =	vmul.f32 v11, v54  }
0x38a: {  	v5 =	vsub.f32 v5, v17;
	v7 =	vsub.f32 v7, v17;
	v9 =	vmul.f32 v9, v14  }
0x38b: {  	[tilespmem:s23+$0x6330] =	vst v21;
	v21 =	vsub.f32 v24, v17;
	v4 =	vadd.f32 v4, v13;
	v13 =	vld [tilespmem:$0x1FF70]  }
0x38c: {  	v17 =	vld [tilespmem:$0x1FFA0];
	v16 =	vmul.f32 v40, v48;
	v9 =	vadd.f32 v9, v50;
	v15 =	vmul.f32 v22, v45  }
0x38d: {  	v8 =	vmul.f32 v10, v8  }
0x38e: {  	v14 =	vadd.f32 v16, v49;
	[tilespmem:s23+$0x63F0] =	vst v9;
	v9 =	vadd.f32 v15, v41;
	v15 =	vmul.f32 v10, v62  }
0x38f: {  	[tilespmem:s23+$0x63C0] =	vst v12;
	v12 =	vmul.f32 v21, v44  }
0x390: {  	[tilespmem:s23+$0x63E0] =	vst v14;
	v14 =	vmul.f32 v10, v61;
	v7 =	vmul.f32 v7, v13;
	v13 =	vsub.f32 v15, v8  }
0x391: {  	v12 =	vadd.f32 v12, v17  }
0x392: {  	v14 =	vsub.f32 v14, v8;
	v52 =	vmul.f32 v13, v43  }
0x393: {  	v5 =	vmul.f32 v5, v48;
	[tilespmem:s23+$0x6420] =	vst v12  }
0x394: {  	v12 =	vmul.f32 v14, v42;
	v14 =	vmul.f32 v10, v55;
	[tilespmem:s23+$0x6450] =	vst v4;
	v4 =	vadd.f32 v52, v39  }
0x395: {  	v5 =	vadd.f32 v5, v49;
	v13 =	vmul.f32 v10, v56  }
0x396: {  	v53 =	vadd.f32 v12, v33;
	v12 =	vsub.f32 v14, v8;
	[tilespmem:s23+$0x6490] =	vst v4;
	v4 =	vld [tilespmem:$0x1FFB0]  }
0x397: {  	v11 =	vmul.f32 v60, v42;
	v54 =	vsub.f32 v13, v8  }
0x398: {  	v51 =	vld [tilespmem:$0x1FFC0];
	[tilespmem:s23+$0x6460] =	vst v5;
	v5 =	vmul.f32 v12, v44  }
0x399: {  	v11 =	vadd.f32 v11, v33;
	v55 =	vmul.f32 v54, v45  }
0x39a: {  	v5 =	vadd.f32 v5, v17  }
0x39b: {  	[tilespmem:s23+$0x6400] =	vst v11;
	v16 =	vmul.f32 v20, v46;
	v62 =	vld [tilespmem:$0x1FF70];
	v14 =	vmul.f32 v10, v59;
	v4 =	vadd.f32 v55, v4  }
0x39c: {  	[tilespmem:s23+$0x64A0] =	vst v5;
	v5 =	vld [tilespmem:$0x1FFC0];
	v13 =	vmul.f32 v10, v57  }
0x39d: {  	v11 =	vadd.f32 v16, v51;
	v12 =	vsub.f32 v14, v8;
	v14 =	vmul.f32 v10, v63;
	[tilespmem:s23+$0x64B0] =	vst v4;
	v4 =	vld [tilespmem:$0x1FFD0]  }
0x39e: {  	[tilespmem:s23+$0x6320] =	vst v19;
	v6 =	vmul.f32 v10, v6;
	v56 =	vsub.f32 v13, v8  }
0x39f: {  	[tilespmem:s23+$0x6440] =	vst v11;
	v58 =	vsub.f32 v14, v8;
	v57 =	vmul.f32 v12, v46  }
0x3a0: {  	v6 =	vsub.f32 v6, v8;
	[tilespmem:s23+$0x6430] =	vst v9;
	v7 =	vadd.f32 v7, v50;
	v60 =	vmul.f32 v56, v47  }
0x3a1: {  	p0 =	slt.u32 s5, $0xFC;
	v25 =	vld [tilespmem:$0x1FE90];
	[tilespmem:s23+$0x6480] =	vst v53;
	v61 =	vmul.f32 v58, v48;
	v5 =	vadd.f32 v57, v5  }
.Ltmp3:
0x3a2: {  	v24 =	vld [tilespmem:$0x1FEA0];
	v6 =	vmul.f32 v6, v62;
	[tilespmem:s23+$0x6470] =	vst v7;
	v4 =	vadd.f32 v60, v4;
	(pc) =	sbr.rel @p0 .LBB2_8-.Ltmp3, $4  }
0x3a3: {  	v23 =	vld [tilespmem:$0x1FEB0];
	[tilespmem:s23+$0x64C0] =	vst v5;
	v5 =	vadd.f32 v61, v49  }
0x3a4: {  	v59 =	vld [tilespmem:$0x1FED0];
	[tilespmem:s23+$0x64D0] =	vst v4;
	v4 =	vadd.f32 v6, v50  }
0x3a5: {  	v63 =	vld [tilespmem:$0x1FEE0];
	[tilespmem:s23+$0x64E0] =	vst v5  }
0x3a6: {  	s2 =	sadd.s32 $0x800, s2;
	s7 =	smov.u32 s5;
	v15 =	vld [tilespmem:$0x1FEF0];
	[tilespmem:s23+$0x64F0] =	vst v4  }
0x3a7: {  	[hbm4b:s19+s6] =	stream.linear.scatter [tilespmem:s22], [sflag:$0x3], $0x2000, $0x38;
	[tilespmem:$0x10500] =	vst v63  }
0x3a8: {  	_ =	swait.ge [sflag:s29], $0x2000  }
0x3a9: {  	[sflag:s29] =	ssyncset.done $0x0  }
0x3aa: {  	[sflag:s29] =	ssyncadd.s32 $0xFFFFE000  }
0x3ab: {  	_ =	swait.ge [sflag:s29], $0x2000  }
0x3ac: {  	[sflag:s29] =	ssyncset.done $0x0  }
0x3ad: {  	s4 =	sadd.s32 $0x1, s4;
	[sflag:s29] =	ssyncadd.s32 $0xFFFFE000  }
0x3ae: {  	p0 =	sne.s32 s4, s20;
	_ =	swait.ge [sflag:s29], $0x2000  }
.Ltmp4:
0x3af: {  	[sflag:s29] =	ssyncset.done $0x0;
	(pc) =	sbr.rel @p0 .LBB2_1-.Ltmp4, $4  }
0x3b0: {  	[sflag:s29] =	ssyncadd.s32 $0xFFFFE000  }
0x3b1: {  	_ =	swait.ge [sflag:s29], $0x2000  }
0x3b2: {  	[sflag:s29] =	ssyncset.done $0x0  }
0x3b3: {  	[sflag:s29] =	ssyncadd.s32 $0xFFFFE000  }
0x3b4: {  	_ =	sfence.sel $0x180000  }
0x3b5: {  	[bflag:$0x0] =	sbarrier.arrive $0xFFFF  }
0x3b6: {  	_ =	strace $0x90000047  }
0x3b7: {  	s0 =	stileid.u32;
	[bflag:$0x2] =	sbarrier.arrive $0xFFFF  }
0x3b8: {  	p0 =	sne.s32 s0, $0x0;
	s0 =	rddreg [dreg:$0x8]  }
0x3b9: {  	s0 =	sadd.s32 @!p0 $0x100000, s0  }
0x3ba: {  	[sflag:s0] =	ssyncadd.tile.s32 @!p0 $0x1;
	_ =	shalt  }
.Lfunc_end2:
_tile_overlayer_lowered:
.L_overlay_start_2:
0x3bb: {  	(tag) =	ssettag $0x2  }
0x3bc: {  	s0 =	rddreg [dreg:$0x0];
	s2 =	stileid.u32  }
0x3bd: {  	s1 =	rddreg [dreg:$0x1];
	p0 =	sne.s32 s2, $0x0  }
0x3be: {  	s3 =	rddreg [dreg:$0x2];
	[bflag:$0x3] =	sbarrier.arrive $0xFFFF;
	s2 =	simm.s32 @!p0 $0x1C04  }
0x3bf: {  	[timem:s3], [sflag:s2] =	dma.local @!p0 [hbm:s0], s1  }
0x3c0: {  	s0 =	simm.s32 @!p0 $0x4  }
0x3c1: {  	_ =	swait.ge @!p0 [sflag:s0], s1  }
0x3c2: {  	s1 =	ssub.s32 @!p0 $0x0, s1;
	[sflag:s0] =	ssyncset.done @!p0 $0x0  }
0x3c3: {  	[sflag:s0] =	ssyncadd.s32 @!p0 s1  }
0x3c4: {  	[bflag:$0x3] =	sbarrier.arrive $0xFFFF  }
0x3c5: {  	_ =	shalt  }

</sc_bundles>
